<compile_context>
chip_gen: v7x
topology: tpu7x:2x2x1
jax: 0.10.2.dev20260603
libtpu: 0.0.44.dev20260713+nightly
codegen_flags: <defaults>
</compile_context>

<pallas_src>
import functools

import jax
import jax.numpy as jnp
from jax import lax
from jax.experimental import pallas as pl
from jax.experimental.pallas import tpu as pltpu
from jax.experimental.pallas import tpu_sc as plsc

NUM_CORES = 2
NUM_SUBCORES = 16
NUM_WORKERS = NUM_CORES * NUM_SUBCORES

CB = 8
NBUF = 4
DEPTH = 2

PAD_HIST = 56
PAD_LANE = 128


def _make_gather(batch, hist, dim):
    b_per_w = batch // NUM_WORKERS
    n_groups = b_per_w // CB
    n_iters = n_groups // NBUF
    mesh = plsc.VectorSubcoreMesh(core_axis_name="c", subcore_axis_name="s")

    @functools.partial(
        pl.kernel,
        out_type=jax.ShapeDtypeStruct((batch, PAD_HIST, PAD_LANE),
                                      jnp.float32),
        mesh=mesh,
        scratch_types=[
            pltpu.VMEM((b_per_w, hist), jnp.int32),
            pltpu.VMEM((NBUF, CB, hist, dim), jnp.float32),
            pltpu.SemaphoreType.DMA((NBUF,)),
            pltpu.SemaphoreType.DMA((NBUF,)),
        ],
        compiler_params=pltpu.CompilerParams(
            use_tc_tiling_on_sc=False,
            needs_layout_passes=False,
        ),
    )
    def gather_kernel(items_hbm, table_hbm, out_hbm, idx_v, bufs, sem_g,
                      sem_w):
        wid = lax.axis_index("s") * NUM_CORES + lax.axis_index("c")
        base = wid * b_per_w

        pltpu.sync_copy(items_hbm.at[pl.ds(base, b_per_w)], idx_v)

        def gather_copy(g, kk, buf):
            return pltpu.make_async_copy(
                table_hbm.at[idx_v.at[g * CB + kk]],
                bufs.at[buf, kk], sem_g.at[buf])

        def write_copy(g, buf):
            return pltpu.make_async_copy(
                bufs.at[buf],
                out_hbm.at[pl.ds(base + g * CB, CB), pl.ds(0, hist),
                           pl.ds(0, dim)],
                sem_w.at[buf])

        for g in range(DEPTH):
            for kk in range(CB):
                gather_copy(g, kk, g).start()

        def body(gg, carry):
            for b in range(NBUF):
                j = gg * NBUF + b
                for kk in range(CB):
                    gather_copy(j, kk, b).wait()
                write_copy(j, b).start()
                r = j + DEPTH
                rbuf = (b + DEPTH) % NBUF

                @pl.when(jnp.logical_and(r >= NBUF, r < n_groups))
                def _wait_prev():
                    write_copy(r - NBUF, rbuf).wait()

                @pl.when(r < n_groups)
                def _refire():
                    for kk in range(CB):
                        gather_copy(r, kk, rbuf).start()
            return carry

        lax.fori_loop(0, n_iters, body, 0)

        for b in range(NBUF):
            write_copy(n_groups - NBUF + b, b).wait()

    return gather_kernel


def kernel(items, table):
    batch, hist = items.shape
    _, dim = table.shape
    padded = _make_gather(batch, hist, dim)(items.astype(jnp.int32), table)
    return padded[:, :hist, :dim]

# --- scband reference (transcript-rebuilt; emitter-appended) ---
"""Pipeline reference for scband-cftower-76759655514918 (READ-ONLY COPY).

The authoritative reference and input builder live on the scoring server;
editing this copy changes nothing except your own understanding.
"""

import jax, jax.numpy as jnp
import numpy as np

NUM_EMBEDDINGS = 1000000
EMBED_DIM = 32
BATCH = 16384
HIST_LEN = 50

def setup_inputs(seed: int = 0) -> dict:
    key = jax.random.key(seed)
    k_tab, k_idx = jax.random.split(key)
    table = jax.random.normal(k_tab, (NUM_EMBEDDINGS, EMBED_DIM), dtype=jnp.float32)
    items = jax.random.randint(k_idx, (BATCH, HIST_LEN), 0, NUM_EMBEDDINGS, dtype=jnp.int64)
    return {"items": items, "table": table}

def reference(items, table):
    # CFTower.forward: item_features = self.cf_tower(items)
    # nn.Embedding lookup == row gather from the table.
    item_features = jnp.take(table, items, axis=0)
    return item_features

if __name__ == "__main__":
    import jax
    _d = setup_inputs()
    print(jax.jit(kernel)(*tuple(_d.values())))

</pallas_src>

<mosaic_0001>
#map = affine_map<(d0, d1) -> (0, 0)>
#map1 = affine_map<(d0, d1) -> (0, 0, 0)>
module attributes {stable_mosaic.version = 14 : i64} {
  func.func @gather_kernel(%arg0: i32, %arg1: i32, %arg2: memref<16384x50xi32, #tpu.memory_space<hbm>>, %arg3: memref<1000000x32xf32, #tpu.memory_space<hbm>>, %arg4: memref<16384x56x128xf32, #tpu.memory_space<hbm>>, %arg5: memref<512x50xi32, #tpu.memory_space<vmem>>, %arg6: memref<4x8x50x32xf32, #tpu.memory_space<vmem>>, %arg7: memref<4x!tpu.dma_semaphore, #tpu.memory_space<semaphore_mem>>, %arg8: memref<4x!tpu.dma_semaphore, #tpu.memory_space<semaphore_mem>>) attributes {dimension_semantics = [#tpu.dimension_semantics<core_parallel>, #tpu.dimension_semantics<subcore_parallel>], iteration_bounds = array<i64: 2, 16>, scalar_prefetch = 0 : i64, scratch_operands = 4 : i64, tpu.core_type = #tpu.core_type<sc_vector_subcore>, window_params = [{transform_indices = #map}, {transform_indices = #map}, {transform_indices = #map1}]} {
    %mul3A = arith.constant 2 : i32
    %mul3A_0 = arith.muli %arg1, %mul3A : i32
    %add3A = arith.addi %mul3A_0, %arg0 : i32
    %mul3A_1 = arith.constant 512 : i32
    %mul3A_2 = arith.muli %add3A, %mul3A_1 : i32
    "tpu.region"() ({
      %run_scoped3A = tpu.sem_alloc : memref<!tpu.dma_semaphore, #tpu.memory_space<semaphore_mem>>
      %dma_start3A_350 = arith.constant 0 : i32
      %dma_start3A_351 = tpu.memref_slice %arg2[%mul3A_2, %dma_start3A_350] : memref<16384x50xi32, #tpu.memory_space<hbm>> -> memref<512x50xi32, #tpu.memory_space<hbm>>
      %dma_start3A_352 = arith.constant 0 : i32
      %dma_start3A_353 = tpu.memref_slice %arg2[%mul3A_2, %dma_start3A_352] : memref<16384x50xi32, #tpu.memory_space<hbm>> -> memref<512x50xi32, #tpu.memory_space<hbm>>
      tpu.enqueue_dma source(%dma_start3A_353 : memref<512x50xi32, #tpu.memory_space<hbm>>) target(%arg5 : memref<512x50xi32, #tpu.memory_space<vmem>>) target_semaphore(%run_scoped3A : memref<!tpu.dma_semaphore, #tpu.memory_space<semaphore_mem>>)
      %dma_wait3A_354 = arith.constant 0 : i32
      %dma_wait3A_355 = tpu.memref_slice %arg2[%mul3A_2, %dma_wait3A_354] : memref<16384x50xi32, #tpu.memory_space<hbm>> -> memref<512x50xi32, #tpu.memory_space<hbm>>
      %dma_wait3A_356 = arith.constant 0 : i32
      %dma_wait3A_357 = tpu.memref_slice %arg2[%mul3A_2, %dma_wait3A_356] : memref<16384x50xi32, #tpu.memory_space<hbm>> -> memref<512x50xi32, #tpu.memory_space<hbm>>
      tpu.wait_dma2 semaphore(%run_scoped3A : memref<!tpu.dma_semaphore, #tpu.memory_space<semaphore_mem>>) src(%dma_wait3A_357 : memref<512x50xi32, #tpu.memory_space<hbm>>) dst(%arg5 : memref<512x50xi32, #tpu.memory_space<vmem>>)
      tpu.yield
    }) : () -> ()
    %dma_start3A = arith.constant 0 : i32
    %dma_start3A_3 = arith.constant 0 : i32
    %dma_start3A_4 = arith.constant 0 : i32
    %dma_start3A_5 = arith.constant 0 : i32
    %dma_start3A_6 = arith.constant 0 : i32
    %dma_start3A_7 = arith.constant 0 : i32
    %dma_start3A_8 = tpu.memref_slice %arg6[%dma_start3A_3, %dma_start3A_4, %dma_start3A_6, %dma_start3A_7] : memref<4x8x50x32xf32, #tpu.memory_space<vmem>> -> memref<1x1x50x32xf32, #tpu.memory_space<vmem>>
    %dma_start3A_9 = tpu.memref_squeeze %dma_start3A_8 : memref<1x1x50x32xf32, #tpu.memory_space<vmem>> -> memref<50x32xf32, #tpu.memory_space<vmem>>
    %dma_start3A_10 = arith.constant 0 : i32
    %dma_start3A_11 = tpu.memref_slice %arg5[%dma_start3A, %dma_start3A_10] : memref<512x50xi32, #tpu.memory_space<vmem>> -> memref<1x50xi32, #tpu.memory_space<vmem>>
    %dma_start3A_12 = tpu.memref_squeeze %dma_start3A_11 : memref<1x50xi32, #tpu.memory_space<vmem>> -> memref<50xi32, #tpu.memory_space<vmem>>
    %dma_start3A_13 = arith.constant 0 : i32
    %dma_start3A_14 = arith.constant 0 : i32
    %dma_start3A_15 = tpu.memref_slice %arg3[%dma_start3A_13, %dma_start3A_14] : memref<1000000x32xf32, #tpu.memory_space<hbm>> -> memref<1000000x32xf32, #tpu.memory_space<hbm>>
    %dma_start3A_16 = tpu.memref_slice %arg7[%dma_start3A_5] : memref<4x!tpu.dma_semaphore, #tpu.memory_space<semaphore_mem>> -> memref<1x!tpu.dma_semaphore, #tpu.memory_space<semaphore_mem>>
    %dma_start3A_17 = tpu.memref_squeeze %dma_start3A_16 : memref<1x!tpu.dma_semaphore, #tpu.memory_space<semaphore_mem>> -> memref<!tpu.dma_semaphore, #tpu.memory_space<semaphore_mem>>
    tpu.enqueue_indirect_dma source(%dma_start3A_15 : memref<1000000x32xf32, #tpu.memory_space<hbm>>) target(%dma_start3A_9 : memref<50x32xf32, #tpu.memory_space<vmem>>) offsets(%dma_start3A_12 : memref<50xi32, #tpu.memory_space<vmem>>) semaphore(%dma_start3A_17 : memref<!tpu.dma_semaphore, #tpu.memory_space<semaphore_mem>>)
    %dma_start3A_18 = arith.constant 1 : i32
    %dma_start3A_19 = arith.constant 0 : i32
    %dma_start3A_20 = arith.constant 1 : i32
    %dma_start3A_21 = arith.constant 0 : i32
    %dma_start3A_22 = arith.constant 0 : i32
    %dma_start3A_23 = arith.constant 0 : i32
    %dma_start3A_24 = tpu.memref_slice %arg6[%dma_start3A_19, %dma_start3A_20, %dma_start3A_22, %dma_start3A_23] : memref<4x8x50x32xf32, #tpu.memory_space<vmem>> -> memref<1x1x50x32xf32, #tpu.memory_space<vmem>>
    %dma_start3A_25 = tpu.memref_squeeze %dma_start3A_24 : memref<1x1x50x32xf32, #tpu.memory_space<vmem>> -> memref<50x32xf32, #tpu.memory_space<vmem>>
    %dma_start3A_26 = arith.constant 0 : i32
    %dma_start3A_27 = tpu.memref_slice %arg5[%dma_start3A_18, %dma_start3A_26] : memref<512x50xi32, #tpu.memory_space<vmem>> -> memref<1x50xi32, #tpu.memory_space<vmem>>
    %dma_start3A_28 = tpu.memref_squeeze %dma_start3A_27 : memref<1x50xi32, #tpu.memory_space<vmem>> -> memref<50xi32, #tpu.memory_space<vmem>>
    %dma_start3A_29 = arith.constant 0 : i32
    %dma_start3A_30 = arith.constant 0 : i32
    %dma_start3A_31 = tpu.memref_slice %arg3[%dma_start3A_29, %dma_start3A_30] : memref<1000000x32xf32, #tpu.memory_space<hbm>> -> memref<1000000x32xf32, #tpu.memory_space<hbm>>
    %dma_start3A_32 = tpu.memref_slice %arg7[%dma_start3A_21] : memref<4x!tpu.dma_semaphore, #tpu.memory_space<semaphore_mem>> -> memref<1x!tpu.dma_semaphore, #tpu.memory_space<semaphore_mem>>
    %dma_start3A_33 = tpu.memref_squeeze %dma_start3A_32 : memref<1x!tpu.dma_semaphore, #tpu.memory_space<semaphore_mem>> -> memref<!tpu.dma_semaphore, #tpu.memory_space<semaphore_mem>>
    tpu.enqueue_indirect_dma source(%dma_start3A_31 : memref<1000000x32xf32, #tpu.memory_space<hbm>>) target(%dma_start3A_25 : memref<50x32xf32, #tpu.memory_space<vmem>>) offsets(%dma_start3A_28 : memref<50xi32, #tpu.memory_space<vmem>>) semaphore(%dma_start3A_33 : memref<!tpu.dma_semaphore, #tpu.memory_space<semaphore_mem>>)
    %dma_start3A_34 = arith.constant 2 : i32
    %dma_start3A_35 = arith.constant 0 : i32
    %dma_start3A_36 = arith.constant 2 : i32
    %dma_start3A_37 = arith.constant 0 : i32
    %dma_start3A_38 = arith.constant 0 : i32
    %dma_start3A_39 = arith.constant 0 : i32
    %dma_start3A_40 = tpu.memref_slice %arg6[%dma_start3A_35, %dma_start3A_36, %dma_start3A_38, %dma_start3A_39] : memref<4x8x50x32xf32, #tpu.memory_space<vmem>> -> memref<1x1x50x32xf32, #tpu.memory_space<vmem>>
    %dma_start3A_41 = tpu.memref_squeeze %dma_start3A_40 : memref<1x1x50x32xf32, #tpu.memory_space<vmem>> -> memref<50x32xf32, #tpu.memory_space<vmem>>
    %dma_start3A_42 = arith.constant 0 : i32
    %dma_start3A_43 = tpu.memref_slice %arg5[%dma_start3A_34, %dma_start3A_42] : memref<512x50xi32, #tpu.memory_space<vmem>> -> memref<1x50xi32, #tpu.memory_space<vmem>>
    %dma_start3A_44 = tpu.memref_squeeze %dma_start3A_43 : memref<1x50xi32, #tpu.memory_space<vmem>> -> memref<50xi32, #tpu.memory_space<vmem>>
    %dma_start3A_45 = arith.constant 0 : i32
    %dma_start3A_46 = arith.constant 0 : i32
    %dma_start3A_47 = tpu.memref_slice %arg3[%dma_start3A_45, %dma_start3A_46] : memref<1000000x32xf32, #tpu.memory_space<hbm>> -> memref<1000000x32xf32, #tpu.memory_space<hbm>>
    %dma_start3A_48 = tpu.memref_slice %arg7[%dma_start3A_37] : memref<4x!tpu.dma_semaphore, #tpu.memory_space<semaphore_mem>> -> memref<1x!tpu.dma_semaphore, #tpu.memory_space<semaphore_mem>>
    %dma_start3A_49 = tpu.memref_squeeze %dma_start3A_48 : memref<1x!tpu.dma_semaphore, #tpu.memory_space<semaphore_mem>> -> memref<!tpu.dma_semaphore, #tpu.memory_space<semaphore_mem>>
    tpu.enqueue_indirect_dma source(%dma_start3A_47 : memref<1000000x32xf32, #tpu.memory_space<hbm>>) target(%dma_start3A_41 : memref<50x32xf32, #tpu.memory_space<vmem>>) offsets(%dma_start3A_44 : memref<50xi32, #tpu.memory_space<vmem>>) semaphore(%dma_start3A_49 : memref<!tpu.dma_semaphore, #tpu.memory_space<semaphore_mem>>)
    %dma_start3A_50 = arith.constant 3 : i32
    %dma_start3A_51 = arith.constant 0 : i32
    %dma_start3A_52 = arith.constant 3 : i32
    %dma_start3A_53 = arith.constant 0 : i32
    %dma_start3A_54 = arith.constant 0 : i32
    %dma_start3A_55 = arith.constant 0 : i32
    %dma_start3A_56 = tpu.memref_slice %arg6[%dma_start3A_51, %dma_start3A_52, %dma_start3A_54, %dma_start3A_55] : memref<4x8x50x32xf32, #tpu.memory_space<vmem>> -> memref<1x1x50x32xf32, #tpu.memory_space<vmem>>
    %dma_start3A_57 = tpu.memref_squeeze %dma_start3A_56 : memref<1x1x50x32xf32, #tpu.memory_space<vmem>> -> memref<50x32xf32, #tpu.memory_space<vmem>>
    %dma_start3A_58 = arith.constant 0 : i32
    %dma_start3A_59 = tpu.memref_slice %arg5[%dma_start3A_50, %dma_start3A_58] : memref<512x50xi32, #tpu.memory_space<vmem>> -> memref<1x50xi32, #tpu.memory_space<vmem>>
    %dma_start3A_60 = tpu.memref_squeeze %dma_start3A_59 : memref<1x50xi32, #tpu.memory_space<vmem>> -> memref<50xi32, #tpu.memory_space<vmem>>
    %dma_start3A_61 = arith.constant 0 : i32
    %dma_start3A_62 = arith.constant 0 : i32
    %dma_start3A_63 = tpu.memref_slice %arg3[%dma_start3A_61, %dma_start3A_62] : memref<1000000x32xf32, #tpu.memory_space<hbm>> -> memref<1000000x32xf32, #tpu.memory_space<hbm>>
    %dma_start3A_64 = tpu.memref_slice %arg7[%dma_start3A_53] : memref<4x!tpu.dma_semaphore, #tpu.memory_space<semaphore_mem>> -> memref<1x!tpu.dma_semaphore, #tpu.memory_space<semaphore_mem>>
    %dma_start3A_65 = tpu.memref_squeeze %dma_start3A_64 : memref<1x!tpu.dma_semaphore, #tpu.memory_space<semaphore_mem>> -> memref<!tpu.dma_semaphore, #tpu.memory_space<semaphore_mem>>
    tpu.enqueue_indirect_dma source(%dma_start3A_63 : memref<1000000x32xf32, #tpu.memory_space<hbm>>) target(%dma_start3A_57 : memref<50x32xf32, #tpu.memory_space<vmem>>) offsets(%dma_start3A_60 : memref<50xi32, #tpu.memory_space<vmem>>) semaphore(%dma_start3A_65 : memref<!tpu.dma_semaphore, #tpu.memory_space<semaphore_mem>>)
    %dma_start3A_66 = arith.constant 4 : i32
    %dma_start3A_67 = arith.constant 0 : i32
    %dma_start3A_68 = arith.constant 4 : i32
    %dma_start3A_69 = arith.constant 0 : i32
    %dma_start3A_70 = arith.constant 0 : i32
    %dma_start3A_71 = arith.constant 0 : i32
    %dma_start3A_72 = tpu.memref_slice %arg6[%dma_start3A_67, %dma_start3A_68, %dma_start3A_70, %dma_start3A_71] : memref<4x8x50x32xf32, #tpu.memory_space<vmem>> -> memref<1x1x50x32xf32, #tpu.memory_space<vmem>>
    %dma_start3A_73 = tpu.memref_squeeze %dma_start3A_72 : memref<1x1x50x32xf32, #tpu.memory_space<vmem>> -> memref<50x32xf32, #tpu.memory_space<vmem>>
    %dma_start3A_74 = arith.constant 0 : i32
    %dma_start3A_75 = tpu.memref_slice %arg5[%dma_start3A_66, %dma_start3A_74] : memref<512x50xi32, #tpu.memory_space<vmem>> -> memref<1x50xi32, #tpu.memory_space<vmem>>
    %dma_start3A_76 = tpu.memref_squeeze %dma_start3A_75 : memref<1x50xi32, #tpu.memory_space<vmem>> -> memref<50xi32, #tpu.memory_space<vmem>>
    %dma_start3A_77 = arith.constant 0 : i32
    %dma_start3A_78 = arith.constant 0 : i32
    %dma_start3A_79 = tpu.memref_slice %arg3[%dma_start3A_77, %dma_start3A_78] : memref<1000000x32xf32, #tpu.memory_space<hbm>> -> memref<1000000x32xf32, #tpu.memory_space<hbm>>
    %dma_start3A_80 = tpu.memref_slice %arg7[%dma_start3A_69] : memref<4x!tpu.dma_semaphore, #tpu.memory_space<semaphore_mem>> -> memref<1x!tpu.dma_semaphore, #tpu.memory_space<semaphore_mem>>
    %dma_start3A_81 = tpu.memref_squeeze %dma_start3A_80 : memref<1x!tpu.dma_semaphore, #tpu.memory_space<semaphore_mem>> -> memref<!tpu.dma_semaphore, #tpu.memory_space<semaphore_mem>>
    tpu.enqueue_indirect_dma source(%dma_start3A_79 : memref<1000000x32xf32, #tpu.memory_space<hbm>>) target(%dma_start3A_73 : memref<50x32xf32, #tpu.memory_space<vmem>>) offsets(%dma_start3A_76 : memref<50xi32, #tpu.memory_space<vmem>>) semaphore(%dma_start3A_81 : memref<!tpu.dma_semaphore, #tpu.memory_space<semaphore_mem>>)
    %dma_start3A_82 = arith.constant 5 : i32
    %dma_start3A_83 = arith.constant 0 : i32
    %dma_start3A_84 = arith.constant 5 : i32
    %dma_start3A_85 = arith.constant 0 : i32
    %dma_start3A_86 = arith.constant 0 : i32
    %dma_start3A_87 = arith.constant 0 : i32
    %dma_start3A_88 = tpu.memref_slice %arg6[%dma_start3A_83, %dma_start3A_84, %dma_start3A_86, %dma_start3A_87] : memref<4x8x50x32xf32, #tpu.memory_space<vmem>> -> memref<1x1x50x32xf32, #tpu.memory_space<vmem>>
    %dma_start3A_89 = tpu.memref_squeeze %dma_start3A_88 : memref<1x1x50x32xf32, #tpu.memory_space<vmem>> -> memref<50x32xf32, #tpu.memory_space<vmem>>
    %dma_start3A_90 = arith.constant 0 : i32
    %dma_start3A_91 = tpu.memref_slice %arg5[%dma_start3A_82, %dma_start3A_90] : memref<512x50xi32, #tpu.memory_space<vmem>> -> memref<1x50xi32, #tpu.memory_space<vmem>>
    %dma_start3A_92 = tpu.memref_squeeze %dma_start3A_91 : memref<1x50xi32, #tpu.memory_space<vmem>> -> memref<50xi32, #tpu.memory_space<vmem>>
    %dma_start3A_93 = arith.constant 0 : i32
    %dma_start3A_94 = arith.constant 0 : i32
    %dma_start3A_95 = tpu.memref_slice %arg3[%dma_start3A_93, %dma_start3A_94] : memref<1000000x32xf32, #tpu.memory_space<hbm>> -> memref<1000000x32xf32, #tpu.memory_space<hbm>>
    %dma_start3A_96 = tpu.memref_slice %arg7[%dma_start3A_85] : memref<4x!tpu.dma_semaphore, #tpu.memory_space<semaphore_mem>> -> memref<1x!tpu.dma_semaphore, #tpu.memory_space<semaphore_mem>>
    %dma_start3A_97 = tpu.memref_squeeze %dma_start3A_96 : memref<1x!tpu.dma_semaphore, #tpu.memory_space<semaphore_mem>> -> memref<!tpu.dma_semaphore, #tpu.memory_space<semaphore_mem>>
    tpu.enqueue_indirect_dma source(%dma_start3A_95 : memref<1000000x32xf32, #tpu.memory_space<hbm>>) target(%dma_start3A_89 : memref<50x32xf32, #tpu.memory_space<vmem>>) offsets(%dma_start3A_92 : memref<50xi32, #tpu.memory_space<vmem>>) semaphore(%dma_start3A_97 : memref<!tpu.dma_semaphore, #tpu.memory_space<semaphore_mem>>)
    %dma_start3A_98 = arith.constant 6 : i32
    %dma_start3A_99 = arith.constant 0 : i32
    %dma_start3A_100 = arith.constant 6 : i32
    %dma_start3A_101 = arith.constant 0 : i32
    %dma_start3A_102 = arith.constant 0 : i32
    %dma_start3A_103 = arith.constant 0 : i32
    %dma_start3A_104 = tpu.memref_slice %arg6[%dma_start3A_99, %dma_start3A_100, %dma_start3A_102, %dma_start3A_103] : memref<4x8x50x32xf32, #tpu.memory_space<vmem>> -> memref<1x1x50x32xf32, #tpu.memory_space<vmem>>
    %dma_start3A_105 = tpu.memref_squeeze %dma_start3A_104 : memref<1x1x50x32xf32, #tpu.memory_space<vmem>> -> memref<50x32xf32, #tpu.memory_space<vmem>>
    %dma_start3A_106 = arith.constant 0 : i32
    %dma_start3A_107 = tpu.memref_slice %arg5[%dma_start3A_98, %dma_start3A_106] : memref<512x50xi32, #tpu.memory_space<vmem>> -> memref<1x50xi32, #tpu.memory_space<vmem>>
    %dma_start3A_108 = tpu.memref_squeeze %dma_start3A_107 : memref<1x50xi32, #tpu.memory_space<vmem>> -> memref<50xi32, #tpu.memory_space<vmem>>
    %dma_start3A_109 = arith.constant 0 : i32
    %dma_start3A_110 = arith.constant 0 : i32
    %dma_start3A_111 = tpu.memref_slice %arg3[%dma_start3A_109, %dma_start3A_110] : memref<1000000x32xf32, #tpu.memory_space<hbm>> -> memref<1000000x32xf32, #tpu.memory_space<hbm>>
    %dma_start3A_112 = tpu.memref_slice %arg7[%dma_start3A_101] : memref<4x!tpu.dma_semaphore, #tpu.memory_space<semaphore_mem>> -> memref<1x!tpu.dma_semaphore, #tpu.memory_space<semaphore_mem>>
    %dma_start3A_113 = tpu.memref_squeeze %dma_start3A_112 : memref<1x!tpu.dma_semaphore, #tpu.memory_space<semaphore_mem>> -> memref<!tpu.dma_semaphore, #tpu.memory_space<semaphore_mem>>
    tpu.enqueue_indirect_dma source(%dma_start3A_111 : memref<1000000x32xf32, #tpu.memory_space<hbm>>) target(%dma_start3A_105 : memref<50x32xf32, #tpu.memory_space<vmem>>) offsets(%dma_start3A_108 : memref<50xi32, #tpu.memory_space<vmem>>) semaphore(%dma_start3A_113 : memref<!tpu.dma_semaphore, #tpu.memory_space<semaphore_mem>>)
    %dma_start3A_114 = arith.constant 7 : i32
    %dma_start3A_115 = arith.constant 0 : i32
    %dma_start3A_116 = arith.constant 7 : i32
    %dma_start3A_117 = arith.constant 0 : i32
    %dma_start3A_118 = arith.constant 0 : i32
    %dma_start3A_119 = arith.constant 0 : i32
    %dma_start3A_120 = tpu.memref_slice %arg6[%dma_start3A_115, %dma_start3A_116, %dma_start3A_118, %dma_start3A_119] : memref<4x8x50x32xf32, #tpu.memory_space<vmem>> -> memref<1x1x50x32xf32, #tpu.memory_space<vmem>>
    %dma_start3A_121 = tpu.memref_squeeze %dma_start3A_120 : memref<1x1x50x32xf32, #tpu.memory_space<vmem>> -> memref<50x32xf32, #tpu.memory_space<vmem>>
    %dma_start3A_122 = arith.constant 0 : i32
    %dma_start3A_123 = tpu.memref_slice %arg5[%dma_start3A_114, %dma_start3A_122] : memref<512x50xi32, #tpu.memory_space<vmem>> -> memref<1x50xi32, #tpu.memory_space<vmem>>
    %dma_start3A_124 = tpu.memref_squeeze %dma_start3A_123 : memref<1x50xi32, #tpu.memory_space<vmem>> -> memref<50xi32, #tpu.memory_space<vmem>>
    %dma_start3A_125 = arith.constant 0 : i32
    %dma_start3A_126 = arith.constant 0 : i32
    %dma_start3A_127 = tpu.memref_slice %arg3[%dma_start3A_125, %dma_start3A_126] : memref<1000000x32xf32, #tpu.memory_space<hbm>> -> memref<1000000x32xf32, #tpu.memory_space<hbm>>
    %dma_start3A_128 = tpu.memref_slice %arg7[%dma_start3A_117] : memref<4x!tpu.dma_semaphore, #tpu.memory_space<semaphore_mem>> -> memref<1x!tpu.dma_semaphore, #tpu.memory_space<semaphore_mem>>
    %dma_start3A_129 = tpu.memref_squeeze %dma_start3A_128 : memref<1x!tpu.dma_semaphore, #tpu.memory_space<semaphore_mem>> -> memref<!tpu.dma_semaphore, #tpu.memory_space<semaphore_mem>>
    tpu.enqueue_indirect_dma source(%dma_start3A_127 : memref<1000000x32xf32, #tpu.memory_space<hbm>>) target(%dma_start3A_121 : memref<50x32xf32, #tpu.memory_space<vmem>>) offsets(%dma_start3A_124 : memref<50xi32, #tpu.memory_space<vmem>>) semaphore(%dma_start3A_129 : memref<!tpu.dma_semaphore, #tpu.memory_space<semaphore_mem>>)
    %dma_start3A_130 = arith.constant 8 : i32
    %dma_start3A_131 = arith.constant 1 : i32
    %dma_start3A_132 = arith.constant 0 : i32
    %dma_start3A_133 = arith.constant 1 : i32
    %dma_start3A_134 = arith.constant 0 : i32
    %dma_start3A_135 = arith.constant 0 : i32
    %dma_start3A_136 = tpu.memref_slice %arg6[%dma_start3A_131, %dma_start3A_132, %dma_start3A_134, %dma_start3A_135] : memref<4x8x50x32xf32, #tpu.memory_space<vmem>> -> memref<1x1x50x32xf32, #tpu.memory_space<vmem>>
    %dma_start3A_137 = tpu.memref_squeeze %dma_start3A_136 : memref<1x1x50x32xf32, #tpu.memory_space<vmem>> -> memref<50x32xf32, #tpu.memory_space<vmem>>
    %dma_start3A_138 = arith.constant 0 : i32
    %dma_start3A_139 = tpu.memref_slice %arg5[%dma_start3A_130, %dma_start3A_138] : memref<512x50xi32, #tpu.memory_space<vmem>> -> memref<1x50xi32, #tpu.memory_space<vmem>>
    %dma_start3A_140 = tpu.memref_squeeze %dma_start3A_139 : memref<1x50xi32, #tpu.memory_space<vmem>> -> memref<50xi32, #tpu.memory_space<vmem>>
    %dma_start3A_141 = arith.constant 0 : i32
    %dma_start3A_142 = arith.constant 0 : i32
    %dma_start3A_143 = tpu.memref_slice %arg3[%dma_start3A_141, %dma_start3A_142] : memref<1000000x32xf32, #tpu.memory_space<hbm>> -> memref<1000000x32xf32, #tpu.memory_space<hbm>>
    %dma_start3A_144 = tpu.memref_slice %arg7[%dma_start3A_133] : memref<4x!tpu.dma_semaphore, #tpu.memory_space<semaphore_mem>> -> memref<1x!tpu.dma_semaphore, #tpu.memory_space<semaphore_mem>>
    %dma_start3A_145 = tpu.memref_squeeze %dma_start3A_144 : memref<1x!tpu.dma_semaphore, #tpu.memory_space<semaphore_mem>> -> memref<!tpu.dma_semaphore, #tpu.memory_space<semaphore_mem>>
    tpu.enqueue_indirect_dma source(%dma_start3A_143 : memref<1000000x32xf32, #tpu.memory_space<hbm>>) target(%dma_start3A_137 : memref<50x32xf32, #tpu.memory_space<vmem>>) offsets(%dma_start3A_140 : memref<50xi32, #tpu.memory_space<vmem>>) semaphore(%dma_start3A_145 : memref<!tpu.dma_semaphore, #tpu.memory_space<semaphore_mem>>)
    %dma_start3A_146 = arith.constant 9 : i32
    %dma_start3A_147 = arith.constant 1 : i32
    %dma_start3A_148 = arith.constant 1 : i32
    %dma_start3A_149 = arith.constant 1 : i32
    %dma_start3A_150 = arith.constant 0 : i32
    %dma_start3A_151 = arith.constant 0 : i32
    %dma_start3A_152 = tpu.memref_slice %arg6[%dma_start3A_147, %dma_start3A_148, %dma_start3A_150, %dma_start3A_151] : memref<4x8x50x32xf32, #tpu.memory_space<vmem>> -> memref<1x1x50x32xf32, #tpu.memory_space<vmem>>
    %dma_start3A_153 = tpu.memref_squeeze %dma_start3A_152 : memref<1x1x50x32xf32, #tpu.memory_space<vmem>> -> memref<50x32xf32, #tpu.memory_space<vmem>>
    %dma_start3A_154 = arith.constant 0 : i32
    %dma_start3A_155 = tpu.memref_slice %arg5[%dma_start3A_146, %dma_start3A_154] : memref<512x50xi32, #tpu.memory_space<vmem>> -> memref<1x50xi32, #tpu.memory_space<vmem>>
    %dma_start3A_156 = tpu.memref_squeeze %dma_start3A_155 : memref<1x50xi32, #tpu.memory_space<vmem>> -> memref<50xi32, #tpu.memory_space<vmem>>
    %dma_start3A_157 = arith.constant 0 : i32
    %dma_start3A_158 = arith.constant 0 : i32
    %dma_start3A_159 = tpu.memref_slice %arg3[%dma_start3A_157, %dma_start3A_158] : memref<1000000x32xf32, #tpu.memory_space<hbm>> -> memref<1000000x32xf32, #tpu.memory_space<hbm>>
    %dma_start3A_160 = tpu.memref_slice %arg7[%dma_start3A_149] : memref<4x!tpu.dma_semaphore, #tpu.memory_space<semaphore_mem>> -> memref<1x!tpu.dma_semaphore, #tpu.memory_space<semaphore_mem>>
    %dma_start3A_161 = tpu.memref_squeeze %dma_start3A_160 : memref<1x!tpu.dma_semaphore, #tpu.memory_space<semaphore_mem>> -> memref<!tpu.dma_semaphore, #tpu.memory_space<semaphore_mem>>
    tpu.enqueue_indirect_dma source(%dma_start3A_159 : memref<1000000x32xf32, #tpu.memory_space<hbm>>) target(%dma_start3A_153 : memref<50x32xf32, #tpu.memory_space<vmem>>) offsets(%dma_start3A_156 : memref<50xi32, #tpu.memory_space<vmem>>) semaphore(%dma_start3A_161 : memref<!tpu.dma_semaphore, #tpu.memory_space<semaphore_mem>>)
    %dma_start3A_162 = arith.constant 10 : i32
    %dma_start3A_163 = arith.constant 1 : i32
    %dma_start3A_164 = arith.constant 2 : i32
    %dma_start3A_165 = arith.constant 1 : i32
    %dma_start3A_166 = arith.constant 0 : i32
    %dma_start3A_167 = arith.constant 0 : i32
    %dma_start3A_168 = tpu.memref_slice %arg6[%dma_start3A_163, %dma_start3A_164, %dma_start3A_166, %dma_start3A_167] : memref<4x8x50x32xf32, #tpu.memory_space<vmem>> -> memref<1x1x50x32xf32, #tpu.memory_space<vmem>>
    %dma_start3A_169 = tpu.memref_squeeze %dma_start3A_168 : memref<1x1x50x32xf32, #tpu.memory_space<vmem>> -> memref<50x32xf32, #tpu.memory_space<vmem>>
    %dma_start3A_170 = arith.constant 0 : i32
    %dma_start3A_171 = tpu.memref_slice %arg5[%dma_start3A_162, %dma_start3A_170] : memref<512x50xi32, #tpu.memory_space<vmem>> -> memref<1x50xi32, #tpu.memory_space<vmem>>
    %dma_start3A_172 = tpu.memref_squeeze %dma_start3A_171 : memref<1x50xi32, #tpu.memory_space<vmem>> -> memref<50xi32, #tpu.memory_space<vmem>>
    %dma_start3A_173 = arith.constant 0 : i32
    %dma_start3A_174 = arith.constant 0 : i32
    %dma_start3A_175 = tpu.memref_slice %arg3[%dma_start3A_173, %dma_start3A_174] : memref<1000000x32xf32, #tpu.memory_space<hbm>> -> memref<1000000x32xf32, #tpu.memory_space<hbm>>
    %dma_start3A_176 = tpu.memref_slice %arg7[%dma_start3A_165] : memref<4x!tpu.dma_semaphore, #tpu.memory_space<semaphore_mem>> -> memref<1x!tpu.dma_semaphore, #tpu.memory_space<semaphore_mem>>
    %dma_start3A_177 = tpu.memref_squeeze %dma_start3A_176 : memref<1x!tpu.dma_semaphore, #tpu.memory_space<semaphore_mem>> -> memref<!tpu.dma_semaphore, #tpu.memory_space<semaphore_mem>>
    tpu.enqueue_indirect_dma source(%dma_start3A_175 : memref<1000000x32xf32, #tpu.memory_space<hbm>>) target(%dma_start3A_169 : memref<50x32xf32, #tpu.memory_space<vmem>>) offsets(%dma_start3A_172 : memref<50xi32, #tpu.memory_space<vmem>>) semaphore(%dma_start3A_177 : memref<!tpu.dma_semaphore, #tpu.memory_space<semaphore_mem>>)
    %dma_start3A_178 = arith.constant 11 : i32
    %dma_start3A_179 = arith.constant 1 : i32
    %dma_start3A_180 = arith.constant 3 : i32
    %dma_start3A_181 = arith.constant 1 : i32
    %dma_start3A_182 = arith.constant 0 : i32
    %dma_start3A_183 = arith.constant 0 : i32
    %dma_start3A_184 = tpu.memref_slice %arg6[%dma_start3A_179, %dma_start3A_180, %dma_start3A_182, %dma_start3A_183] : memref<4x8x50x32xf32, #tpu.memory_space<vmem>> -> memref<1x1x50x32xf32, #tpu.memory_space<vmem>>
    %dma_start3A_185 = tpu.memref_squeeze %dma_start3A_184 : memref<1x1x50x32xf32, #tpu.memory_space<vmem>> -> memref<50x32xf32, #tpu.memory_space<vmem>>
    %dma_start3A_186 = arith.constant 0 : i32
    %dma_start3A_187 = tpu.memref_slice %arg5[%dma_start3A_178, %dma_start3A_186] : memref<512x50xi32, #tpu.memory_space<vmem>> -> memref<1x50xi32, #tpu.memory_space<vmem>>
    %dma_start3A_188 = tpu.memref_squeeze %dma_start3A_187 : memref<1x50xi32, #tpu.memory_space<vmem>> -> memref<50xi32, #tpu.memory_space<vmem>>
    %dma_start3A_189 = arith.constant 0 : i32
    %dma_start3A_190 = arith.constant 0 : i32
    %dma_start3A_191 = tpu.memref_slice %arg3[%dma_start3A_189, %dma_start3A_190] : memref<1000000x32xf32, #tpu.memory_space<hbm>> -> memref<1000000x32xf32, #tpu.memory_space<hbm>>
    %dma_start3A_192 = tpu.memref_slice %arg7[%dma_start3A_181] : memref<4x!tpu.dma_semaphore, #tpu.memory_space<semaphore_mem>> -> memref<1x!tpu.dma_semaphore, #tpu.memory_space<semaphore_mem>>
    %dma_start3A_193 = tpu.memref_squeeze %dma_start3A_192 : memref<1x!tpu.dma_semaphore, #tpu.memory_space<semaphore_mem>> -> memref<!tpu.dma_semaphore, #tpu.memory_space<semaphore_mem>>
    tpu.enqueue_indirect_dma source(%dma_start3A_191 : memref<1000000x32xf32, #tpu.memory_space<hbm>>) target(%dma_start3A_185 : memref<50x32xf32, #tpu.memory_space<vmem>>) offsets(%dma_start3A_188 : memref<50xi32, #tpu.memory_space<vmem>>) semaphore(%dma_start3A_193 : memref<!tpu.dma_semaphore, #tpu.memory_space<semaphore_mem>>)
    %dma_start3A_194 = arith.constant 12 : i32
    %dma_start3A_195 = arith.constant 1 : i32
    %dma_start3A_196 = arith.constant 4 : i32
    %dma_start3A_197 = arith.constant 1 : i32
    %dma_start3A_198 = arith.constant 0 : i32
    %dma_start3A_199 = arith.constant 0 : i32
    %dma_start3A_200 = tpu.memref_slice %arg6[%dma_start3A_195, %dma_start3A_196, %dma_start3A_198, %dma_start3A_199] : memref<4x8x50x32xf32, #tpu.memory_space<vmem>> -> memref<1x1x50x32xf32, #tpu.memory_space<vmem>>
    %dma_start3A_201 = tpu.memref_squeeze %dma_start3A_200 : memref<1x1x50x32xf32, #tpu.memory_space<vmem>> -> memref<50x32xf32, #tpu.memory_space<vmem>>
    %dma_start3A_202 = arith.constant 0 : i32
    %dma_start3A_203 = tpu.memref_slice %arg5[%dma_start3A_194, %dma_start3A_202] : memref<512x50xi32, #tpu.memory_space<vmem>> -> memref<1x50xi32, #tpu.memory_space<vmem>>
    %dma_start3A_204 = tpu.memref_squeeze %dma_start3A_203 : memref<1x50xi32, #tpu.memory_space<vmem>> -> memref<50xi32, #tpu.memory_space<vmem>>
    %dma_start3A_205 = arith.constant 0 : i32
    %dma_start3A_206 = arith.constant 0 : i32
    %dma_start3A_207 = tpu.memref_slice %arg3[%dma_start3A_205, %dma_start3A_206] : memref<1000000x32xf32, #tpu.memory_space<hbm>> -> memref<1000000x32xf32, #tpu.memory_space<hbm>>
    %dma_start3A_208 = tpu.memref_slice %arg7[%dma_start3A_197] : memref<4x!tpu.dma_semaphore, #tpu.memory_space<semaphore_mem>> -> memref<1x!tpu.dma_semaphore, #tpu.memory_space<semaphore_mem>>
    %dma_start3A_209 = tpu.memref_squeeze %dma_start3A_208 : memref<1x!tpu.dma_semaphore, #tpu.memory_space<semaphore_mem>> -> memref<!tpu.dma_semaphore, #tpu.memory_space<semaphore_mem>>
    tpu.enqueue_indirect_dma source(%dma_start3A_207 : memref<1000000x32xf32, #tpu.memory_space<hbm>>) target(%dma_start3A_201 : memref<50x32xf32, #tpu.memory_space<vmem>>) offsets(%dma_start3A_204 : memref<50xi32, #tpu.memory_space<vmem>>) semaphore(%dma_start3A_209 : memref<!tpu.dma_semaphore, #tpu.memory_space<semaphore_mem>>)
    %dma_start3A_210 = arith.constant 13 : i32
    %dma_start3A_211 = arith.constant 1 : i32
    %dma_start3A_212 = arith.constant 5 : i32
    %dma_start3A_213 = arith.constant 1 : i32
    %dma_start3A_214 = arith.constant 0 : i32
    %dma_start3A_215 = arith.constant 0 : i32
    %dma_start3A_216 = tpu.memref_slice %arg6[%dma_start3A_211, %dma_start3A_212, %dma_start3A_214, %dma_start3A_215] : memref<4x8x50x32xf32, #tpu.memory_space<vmem>> -> memref<1x1x50x32xf32, #tpu.memory_space<vmem>>
    %dma_start3A_217 = tpu.memref_squeeze %dma_start3A_216 : memref<1x1x50x32xf32, #tpu.memory_space<vmem>> -> memref<50x32xf32, #tpu.memory_space<vmem>>
    %dma_start3A_218 = arith.constant 0 : i32
    %dma_start3A_219 = tpu.memref_slice %arg5[%dma_start3A_210, %dma_start3A_218] : memref<512x50xi32, #tpu.memory_space<vmem>> -> memref<1x50xi32, #tpu.memory_space<vmem>>
    %dma_start3A_220 = tpu.memref_squeeze %dma_start3A_219 : memref<1x50xi32, #tpu.memory_space<vmem>> -> memref<50xi32, #tpu.memory_space<vmem>>
    %dma_start3A_221 = arith.constant 0 : i32
    %dma_start3A_222 = arith.constant 0 : i32
    %dma_start3A_223 = tpu.memref_slice %arg3[%dma_start3A_221, %dma_start3A_222] : memref<1000000x32xf32, #tpu.memory_space<hbm>> -> memref<1000000x32xf32, #tpu.memory_space<hbm>>
    %dma_start3A_224 = tpu.memref_slice %arg7[%dma_start3A_213] : memref<4x!tpu.dma_semaphore, #tpu.memory_space<semaphore_mem>> -> memref<1x!tpu.dma_semaphore, #tpu.memory_space<semaphore_mem>>
    %dma_start3A_225 = tpu.memref_squeeze %dma_start3A_224 : memref<1x!tpu.dma_semaphore, #tpu.memory_space<semaphore_mem>> -> memref<!tpu.dma_semaphore, #tpu.memory_space<semaphore_mem>>
    tpu.enqueue_indirect_dma source(%dma_start3A_223 : memref<1000000x32xf32, #tpu.memory_space<hbm>>) target(%dma_start3A_217 : memref<50x32xf32, #tpu.memory_space<vmem>>) offsets(%dma_start3A_220 : memref<50xi32, #tpu.memory_space<vmem>>) semaphore(%dma_start3A_225 : memref<!tpu.dma_semaphore, #tpu.memory_space<semaphore_mem>>)
    %dma_start3A_226 = arith.constant 14 : i32
    %dma_start3A_227 = arith.constant 1 : i32
    %dma_start3A_228 = arith.constant 6 : i32
    %dma_start3A_229 = arith.constant 1 : i32
    %dma_start3A_230 = arith.constant 0 : i32
    %dma_start3A_231 = arith.constant 0 : i32
    %dma_start3A_232 = tpu.memref_slice %arg6[%dma_start3A_227, %dma_start3A_228, %dma_start3A_230, %dma_start3A_231] : memref<4x8x50x32xf32, #tpu.memory_space<vmem>> -> memref<1x1x50x32xf32, #tpu.memory_space<vmem>>
    %dma_start3A_233 = tpu.memref_squeeze %dma_start3A_232 : memref<1x1x50x32xf32, #tpu.memory_space<vmem>> -> memref<50x32xf32, #tpu.memory_space<vmem>>
    %dma_start3A_234 = arith.constant 0 : i32
    %dma_start3A_235 = tpu.memref_slice %arg5[%dma_start3A_226, %dma_start3A_234] : memref<512x50xi32, #tpu.memory_space<vmem>> -> memref<1x50xi32, #tpu.memory_space<vmem>>
    %dma_start3A_236 = tpu.memref_squeeze %dma_start3A_235 : memref<1x50xi32, #tpu.memory_space<vmem>> -> memref<50xi32, #tpu.memory_space<vmem>>
    %dma_start3A_237 = arith.constant 0 : i32
    %dma_start3A_238 = arith.constant 0 : i32
    %dma_start3A_239 = tpu.memref_slice %arg3[%dma_start3A_237, %dma_start3A_238] : memref<1000000x32xf32, #tpu.memory_space<hbm>> -> memref<1000000x32xf32, #tpu.memory_space<hbm>>
    %dma_start3A_240 = tpu.memref_slice %arg7[%dma_start3A_229] : memref<4x!tpu.dma_semaphore, #tpu.memory_space<semaphore_mem>> -> memref<1x!tpu.dma_semaphore, #tpu.memory_space<semaphore_mem>>
    %dma_start3A_241 = tpu.memref_squeeze %dma_start3A_240 : memref<1x!tpu.dma_semaphore, #tpu.memory_space<semaphore_mem>> -> memref<!tpu.dma_semaphore, #tpu.memory_space<semaphore_mem>>
    tpu.enqueue_indirect_dma source(%dma_start3A_239 : memref<1000000x32xf32, #tpu.memory_space<hbm>>) target(%dma_start3A_233 : memref<50x32xf32, #tpu.memory_space<vmem>>) offsets(%dma_start3A_236 : memref<50xi32, #tpu.memory_space<vmem>>) semaphore(%dma_start3A_241 : memref<!tpu.dma_semaphore, #tpu.memory_space<semaphore_mem>>)
    %dma_start3A_242 = arith.constant 15 : i32
    %dma_start3A_243 = arith.constant 1 : i32
    %dma_start3A_244 = arith.constant 7 : i32
    %dma_start3A_245 = arith.constant 1 : i32
    %dma_start3A_246 = arith.constant 0 : i32
    %dma_start3A_247 = arith.constant 0 : i32
    %dma_start3A_248 = tpu.memref_slice %arg6[%dma_start3A_243, %dma_start3A_244, %dma_start3A_246, %dma_start3A_247] : memref<4x8x50x32xf32, #tpu.memory_space<vmem>> -> memref<1x1x50x32xf32, #tpu.memory_space<vmem>>
    %dma_start3A_249 = tpu.memref_squeeze %dma_start3A_248 : memref<1x1x50x32xf32, #tpu.memory_space<vmem>> -> memref<50x32xf32, #tpu.memory_space<vmem>>
    %dma_start3A_250 = arith.constant 0 : i32
    %dma_start3A_251 = tpu.memref_slice %arg5[%dma_start3A_242, %dma_start3A_250] : memref<512x50xi32, #tpu.memory_space<vmem>> -> memref<1x50xi32, #tpu.memory_space<vmem>>
    %dma_start3A_252 = tpu.memref_squeeze %dma_start3A_251 : memref<1x50xi32, #tpu.memory_space<vmem>> -> memref<50xi32, #tpu.memory_space<vmem>>
    %dma_start3A_253 = arith.constant 0 : i32
    %dma_start3A_254 = arith.constant 0 : i32
    %dma_start3A_255 = tpu.memref_slice %arg3[%dma_start3A_253, %dma_start3A_254] : memref<1000000x32xf32, #tpu.memory_space<hbm>> -> memref<1000000x32xf32, #tpu.memory_space<hbm>>
    %dma_start3A_256 = tpu.memref_slice %arg7[%dma_start3A_245] : memref<4x!tpu.dma_semaphore, #tpu.memory_space<semaphore_mem>> -> memref<1x!tpu.dma_semaphore, #tpu.memory_space<semaphore_mem>>
    %dma_start3A_257 = tpu.memref_squeeze %dma_start3A_256 : memref<1x!tpu.dma_semaphore, #tpu.memory_space<semaphore_mem>> -> memref<!tpu.dma_semaphore, #tpu.memory_space<semaphore_mem>>
    tpu.enqueue_indirect_dma source(%dma_start3A_255 : memref<1000000x32xf32, #tpu.memory_space<hbm>>) target(%dma_start3A_249 : memref<50x32xf32, #tpu.memory_space<vmem>>) offsets(%dma_start3A_252 : memref<50xi32, #tpu.memory_space<vmem>>) semaphore(%dma_start3A_257 : memref<!tpu.dma_semaphore, #tpu.memory_space<semaphore_mem>>)
    %scan3A = arith.constant 0 : i32
    %scan3A_258 = arith.constant 0 : i32
    %scan3A_259 = arith.constant 16 : i32
    %scan3A_260 = arith.addi %scan3A_258, %scan3A_259 : i32
    %scan3A_261 = arith.constant 1 : i32
    scf.for %scan3A_350 = %scan3A_258 to %scan3A_260 step %scan3A_261  : i32 {
      %mul3A_351 = arith.constant 4 : i32
      %mul3A_352 = arith.muli %scan3A_350, %mul3A_351 : i32
      %add3A_353 = arith.constant 0 : i32
      %add3A_354 = arith.addi %mul3A_352, %add3A_353 : i32
      %mul3A_355 = arith.constant 8 : i32
      %mul3A_356 = arith.muli %add3A_354, %mul3A_355 : i32
      %add3A_357 = arith.constant 0 : i32
      %add3A_358 = arith.addi %mul3A_356, %add3A_357 : i32
      %dma_wait3A_359 = arith.constant 0 : i32
      %dma_wait3A_360 = arith.constant 0 : i32
      %dma_wait3A_361 = arith.constant 0 : i32
      %dma_wait3A_362 = arith.constant 0 : i32
      %dma_wait3A_363 = arith.constant 0 : i32
      %dma_wait3A_364 = tpu.memref_slice %arg6[%dma_wait3A_359, %dma_wait3A_360, %dma_wait3A_362, %dma_wait3A_363] : memref<4x8x50x32xf32, #tpu.memory_space<vmem>> -> memref<1x1x50x32xf32, #tpu.memory_space<vmem>>
      %dma_wait3A_365 = tpu.memref_squeeze %dma_wait3A_364 : memref<1x1x50x32xf32, #tpu.memory_space<vmem>> -> memref<50x32xf32, #tpu.memory_space<vmem>>
      %dma_wait3A_366 = arith.constant 0 : i32
      %dma_wait3A_367 = tpu.memref_slice %arg5[%add3A_358, %dma_wait3A_366] : memref<512x50xi32, #tpu.memory_space<vmem>> -> memref<1x50xi32, #tpu.memory_space<vmem>>
      %dma_wait3A_368 = tpu.memref_squeeze %dma_wait3A_367 : memref<1x50xi32, #tpu.memory_space<vmem>> -> memref<50xi32, #tpu.memory_space<vmem>>
      %dma_wait3A_369 = arith.constant 0 : i32
      %dma_wait3A_370 = arith.constant 0 : i32
      %dma_wait3A_371 = tpu.memref_slice %arg3[%dma_wait3A_369, %dma_wait3A_370] : memref<1000000x32xf32, #tpu.memory_space<hbm>> -> memref<1000000x32xf32, #tpu.memory_space<hbm>>
      %dma_wait3A_372 = tpu.memref_slice %arg7[%dma_wait3A_361] : memref<4x!tpu.dma_semaphore, #tpu.memory_space<semaphore_mem>> -> memref<1x!tpu.dma_semaphore, #tpu.memory_space<semaphore_mem>>
      %dma_wait3A_373 = tpu.memref_squeeze %dma_wait3A_372 : memref<1x!tpu.dma_semaphore, #tpu.memory_space<semaphore_mem>> -> memref<!tpu.dma_semaphore, #tpu.memory_space<semaphore_mem>>
      tpu.wait_indirect_dma semaphore(%dma_wait3A_373 : memref<!tpu.dma_semaphore, #tpu.memory_space<semaphore_mem>>) src(%dma_wait3A_371 : memref<1000000x32xf32, #tpu.memory_space<hbm>>) dst(%dma_wait3A_365 : memref<50x32xf32, #tpu.memory_space<vmem>>)
      %mul3A_374 = arith.constant 8 : i32
      %mul3A_375 = arith.muli %add3A_354, %mul3A_374 : i32
      %add3A_376 = arith.constant 1 : i32
      %add3A_377 = arith.addi %mul3A_375, %add3A_376 : i32
      %dma_wait3A_378 = arith.constant 0 : i32
      %dma_wait3A_379 = arith.constant 1 : i32
      %dma_wait3A_380 = arith.constant 0 : i32
      %dma_wait3A_381 = arith.constant 0 : i32
      %dma_wait3A_382 = arith.constant 0 : i32
      %dma_wait3A_383 = tpu.memref_slice %arg6[%dma_wait3A_378, %dma_wait3A_379, %dma_wait3A_381, %dma_wait3A_382] : memref<4x8x50x32xf32, #tpu.memory_space<vmem>> -> memref<1x1x50x32xf32, #tpu.memory_space<vmem>>
      %dma_wait3A_384 = tpu.memref_squeeze %dma_wait3A_383 : memref<1x1x50x32xf32, #tpu.memory_space<vmem>> -> memref<50x32xf32, #tpu.memory_space<vmem>>
      %dma_wait3A_385 = arith.constant 0 : i32
      %dma_wait3A_386 = tpu.memref_slice %arg5[%add3A_377, %dma_wait3A_385] : memref<512x50xi32, #tpu.memory_space<vmem>> -> memref<1x50xi32, #tpu.memory_space<vmem>>
      %dma_wait3A_387 = tpu.memref_squeeze %dma_wait3A_386 : memref<1x50xi32, #tpu.memory_space<vmem>> -> memref<50xi32, #tpu.memory_space<vmem>>
      %dma_wait3A_388 = arith.constant 0 : i32
      %dma_wait3A_389 = arith.constant 0 : i32
      %dma_wait3A_390 = tpu.memref_slice %arg3[%dma_wait3A_388, %dma_wait3A_389] : memref<1000000x32xf32, #tpu.memory_space<hbm>> -> memref<1000000x32xf32, #tpu.memory_space<hbm>>
      %dma_wait3A_391 = tpu.memref_slice %arg7[%dma_wait3A_380] : memref<4x!tpu.dma_semaphore, #tpu.memory_space<semaphore_mem>> -> memref<1x!tpu.dma_semaphore, #tpu.memory_space<semaphore_mem>>
      %dma_wait3A_392 = tpu.memref_squeeze %dma_wait3A_391 : memref<1x!tpu.dma_semaphore, #tpu.memory_space<semaphore_mem>> -> memref<!tpu.dma_semaphore, #tpu.memory_space<semaphore_mem>>
      tpu.wait_indirect_dma semaphore(%dma_wait3A_392 : memref<!tpu.dma_semaphore, #tpu.memory_space<semaphore_mem>>) src(%dma_wait3A_390 : memref<1000000x32xf32, #tpu.memory_space<hbm>>) dst(%dma_wait3A_384 : memref<50x32xf32, #tpu.memory_space<vmem>>)
      %mul3A_393 = arith.constant 8 : i32
      %mul3A_394 = arith.muli %add3A_354, %mul3A_393 : i32
      %add3A_395 = arith.constant 2 : i32
      %add3A_396 = arith.addi %mul3A_394, %add3A_395 : i32
      %dma_wait3A_397 = arith.constant 0 : i32
      %dma_wait3A_398 = arith.constant 2 : i32
      %dma_wait3A_399 = arith.constant 0 : i32
      %dma_wait3A_400 = arith.constant 0 : i32
      %dma_wait3A_401 = arith.constant 0 : i32
      %dma_wait3A_402 = tpu.memref_slice %arg6[%dma_wait3A_397, %dma_wait3A_398, %dma_wait3A_400, %dma_wait3A_401] : memref<4x8x50x32xf32, #tpu.memory_space<vmem>> -> memref<1x1x50x32xf32, #tpu.memory_space<vmem>>
      %dma_wait3A_403 = tpu.memref_squeeze %dma_wait3A_402 : memref<1x1x50x32xf32, #tpu.memory_space<vmem>> -> memref<50x32xf32, #tpu.memory_space<vmem>>
      %dma_wait3A_404 = arith.constant 0 : i32
      %dma_wait3A_405 = tpu.memref_slice %arg5[%add3A_396, %dma_wait3A_404] : memref<512x50xi32, #tpu.memory_space<vmem>> -> memref<1x50xi32, #tpu.memory_space<vmem>>
      %dma_wait3A_406 = tpu.memref_squeeze %dma_wait3A_405 : memref<1x50xi32, #tpu.memory_space<vmem>> -> memref<50xi32, #tpu.memory_space<vmem>>
      %dma_wait3A_407 = arith.constant 0 : i32
      %dma_wait3A_408 = arith.constant 0 : i32
      %dma_wait3A_409 = tpu.memref_slice %arg3[%dma_wait3A_407, %dma_wait3A_408] : memref<1000000x32xf32, #tpu.memory_space<hbm>> -> memref<1000000x32xf32, #tpu.memory_space<hbm>>
      %dma_wait3A_410 = tpu.memref_slice %arg7[%dma_wait3A_399] : memref<4x!tpu.dma_semaphore, #tpu.memory_space<semaphore_mem>> -> memref<1x!tpu.dma_semaphore, #tpu.memory_space<semaphore_mem>>
      %dma_wait3A_411 = tpu.memref_squeeze %dma_wait3A_410 : memref<1x!tpu.dma_semaphore, #tpu.memory_space<semaphore_mem>> -> memref<!tpu.dma_semaphore, #tpu.memory_space<semaphore_mem>>
      tpu.wait_indirect_dma semaphore(%dma_wait3A_411 : memref<!tpu.dma_semaphore, #tpu.memory_space<semaphore_mem>>) src(%dma_wait3A_409 : memref<1000000x32xf32, #tpu.memory_space<hbm>>) dst(%dma_wait3A_403 : memref<50x32xf32, #tpu.memory_space<vmem>>)
      %mul3A_412 = arith.constant 8 : i32
      %mul3A_413 = arith.muli %add3A_354, %mul3A_412 : i32
      %add3A_414 = arith.constant 3 : i32
      %add3A_415 = arith.addi %mul3A_413, %add3A_414 : i32
      %dma_wait3A_416 = arith.constant 0 : i32
      %dma_wait3A_417 = arith.constant 3 : i32
      %dma_wait3A_418 = arith.constant 0 : i32
      %dma_wait3A_419 = arith.constant 0 : i32
      %dma_wait3A_420 = arith.constant 0 : i32
      %dma_wait3A_421 = tpu.memref_slice %arg6[%dma_wait3A_416, %dma_wait3A_417, %dma_wait3A_419, %dma_wait3A_420] : memref<4x8x50x32xf32, #tpu.memory_space<vmem>> -> memref<1x1x50x32xf32, #tpu.memory_space<vmem>>
      %dma_wait3A_422 = tpu.memref_squeeze %dma_wait3A_421 : memref<1x1x50x32xf32, #tpu.memory_space<vmem>> -> memref<50x32xf32, #tpu.memory_space<vmem>>
      %dma_wait3A_423 = arith.constant 0 : i32
      %dma_wait3A_424 = tpu.memref_slice %arg5[%add3A_415, %dma_wait3A_423] : memref<512x50xi32, #tpu.memory_space<vmem>> -> memref<1x50xi32, #tpu.memory_space<vmem>>
      %dma_wait3A_425 = tpu.memref_squeeze %dma_wait3A_424 : memref<1x50xi32, #tpu.memory_space<vmem>> -> memref<50xi32, #tpu.memory_space<vmem>>
      %dma_wait3A_426 = arith.constant 0 : i32
      %dma_wait3A_427 = arith.constant 0 : i32
      %dma_wait3A_428 = tpu.memref_slice %arg3[%dma_wait3A_426, %dma_wait3A_427] : memref<1000000x32xf32, #tpu.memory_space<hbm>> -> memref<1000000x32xf32, #tpu.memory_space<hbm>>
      %dma_wait3A_429 = tpu.memref_slice %arg7[%dma_wait3A_418] : memref<4x!tpu.dma_semaphore, #tpu.memory_space<semaphore_mem>> -> memref<1x!tpu.dma_semaphore, #tpu.memory_space<semaphore_mem>>
      %dma_wait3A_430 = tpu.memref_squeeze %dma_wait3A_429 : memref<1x!tpu.dma_semaphore, #tpu.memory_space<semaphore_mem>> -> memref<!tpu.dma_semaphore, #tpu.memory_space<semaphore_mem>>
      tpu.wait_indirect_dma semaphore(%dma_wait3A_430 : memref<!tpu.dma_semaphore, #tpu.memory_space<semaphore_mem>>) src(%dma_wait3A_428 : memref<1000000x32xf32, #tpu.memory_space<hbm>>) dst(%dma_wait3A_422 : memref<50x32xf32, #tpu.memory_space<vmem>>)
      %mul3A_431 = arith.constant 8 : i32
      %mul3A_432 = arith.muli %add3A_354, %mul3A_431 : i32
      %add3A_433 = arith.constant 4 : i32
      %add3A_434 = arith.addi %mul3A_432, %add3A_433 : i32
      %dma_wait3A_435 = arith.constant 0 : i32
      %dma_wait3A_436 = arith.constant 4 : i32
      %dma_wait3A_437 = arith.constant 0 : i32
      %dma_wait3A_438 = arith.constant 0 : i32
      %dma_wait3A_439 = arith.constant 0 : i32
      %dma_wait3A_440 = tpu.memref_slice %arg6[%dma_wait3A_435, %dma_wait3A_436, %dma_wait3A_438, %dma_wait3A_439] : memref<4x8x50x32xf32, #tpu.memory_space<vmem>> -> memref<1x1x50x32xf32, #tpu.memory_space<vmem>>
      %dma_wait3A_441 = tpu.memref_squeeze %dma_wait3A_440 : memref<1x1x50x32xf32, #tpu.memory_space<vmem>> -> memref<50x32xf32, #tpu.memory_space<vmem>>
      %dma_wait3A_442 = arith.constant 0 : i32
      %dma_wait3A_443 = tpu.memref_slice %arg5[%add3A_434, %dma_wait3A_442] : memref<512x50xi32, #tpu.memory_space<vmem>> -> memref<1x50xi32, #tpu.memory_space<vmem>>
      %dma_wait3A_444 = tpu.memref_squeeze %dma_wait3A_443 : memref<1x50xi32, #tpu.memory_space<vmem>> -> memref<50xi32, #tpu.memory_space<vmem>>
      %dma_wait3A_445 = arith.constant 0 : i32
      %dma_wait3A_446 = arith.constant 0 : i32
      %dma_wait3A_447 = tpu.memref_slice %arg3[%dma_wait3A_445, %dma_wait3A_446] : memref<1000000x32xf32, #tpu.memory_space<hbm>> -> memref<1000000x32xf32, #tpu.memory_space<hbm>>
      %dma_wait3A_448 = tpu.memref_slice %arg7[%dma_wait3A_437] : memref<4x!tpu.dma_semaphore, #tpu.memory_space<semaphore_mem>> -> memref<1x!tpu.dma_semaphore, #tpu.memory_space<semaphore_mem>>
      %dma_wait3A_449 = tpu.memref_squeeze %dma_wait3A_448 : memref<1x!tpu.dma_semaphore, #tpu.memory_space<semaphore_mem>> -> memref<!tpu.dma_semaphore, #tpu.memory_space<semaphore_mem>>
      tpu.wait_indirect_dma semaphore(%dma_wait3A_449 : memref<!tpu.dma_semaphore, #tpu.memory_space<semaphore_mem>>) src(%dma_wait3A_447 : memref<1000000x32xf32, #tpu.memory_space<hbm>>) dst(%dma_wait3A_441 : memref<50x32xf32, #tpu.memory_space<vmem>>)
      %mul3A_450 = arith.constant 8 : i32
      %mul3A_451 = arith.muli %add3A_354, %mul3A_450 : i32
      %add3A_452 = arith.constant 5 : i32
      %add3A_453 = arith.addi %mul3A_451, %add3A_452 : i32
      %dma_wait3A_454 = arith.constant 0 : i32
      %dma_wait3A_455 = arith.constant 5 : i32
      %dma_wait3A_456 = arith.constant 0 : i32
      %dma_wait3A_457 = arith.constant 0 : i32
      %dma_wait3A_458 = arith.constant 0 : i32
      %dma_wait3A_459 = tpu.memref_slice %arg6[%dma_wait3A_454, %dma_wait3A_455, %dma_wait3A_457, %dma_wait3A_458] : memref<4x8x50x32xf32, #tpu.memory_space<vmem>> -> memref<1x1x50x32xf32, #tpu.memory_space<vmem>>
      %dma_wait3A_460 = tpu.memref_squeeze %dma_wait3A_459 : memref<1x1x50x32xf32, #tpu.memory_space<vmem>> -> memref<50x32xf32, #tpu.memory_space<vmem>>
      %dma_wait3A_461 = arith.constant 0 : i32
      %dma_wait3A_462 = tpu.memref_slice %arg5[%add3A_453, %dma_wait3A_461] : memref<512x50xi32, #tpu.memory_space<vmem>> -> memref<1x50xi32, #tpu.memory_space<vmem>>
      %dma_wait3A_463 = tpu.memref_squeeze %dma_wait3A_462 : memref<1x50xi32, #tpu.memory_space<vmem>> -> memref<50xi32, #tpu.memory_space<vmem>>
      %dma_wait3A_464 = arith.constant 0 : i32
      %dma_wait3A_465 = arith.constant 0 : i32
      %dma_wait3A_466 = tpu.memref_slice %arg3[%dma_wait3A_464, %dma_wait3A_465] : memref<1000000x32xf32, #tpu.memory_space<hbm>> -> memref<1000000x32xf32, #tpu.memory_space<hbm>>
      %dma_wait3A_467 = tpu.memref_slice %arg7[%dma_wait3A_456] : memref<4x!tpu.dma_semaphore, #tpu.memory_space<semaphore_mem>> -> memref<1x!tpu.dma_semaphore, #tpu.memory_space<semaphore_mem>>
      %dma_wait3A_468 = tpu.memref_squeeze %dma_wait3A_467 : memref<1x!tpu.dma_semaphore, #tpu.memory_space<semaphore_mem>> -> memref<!tpu.dma_semaphore, #tpu.memory_space<semaphore_mem>>
      tpu.wait_indirect_dma semaphore(%dma_wait3A_468 : memref<!tpu.dma_semaphore, #tpu.memory_space<semaphore_mem>>) src(%dma_wait3A_466 : memref<1000000x32xf32, #tpu.memory_space<hbm>>) dst(%dma_wait3A_460 : memref<50x32xf32, #tpu.memory_space<vmem>>)
      %mul3A_469 = arith.constant 8 : i32
      %mul3A_470 = arith.muli %add3A_354, %mul3A_469 : i32
      %add3A_471 = arith.constant 6 : i32
      %add3A_472 = arith.addi %mul3A_470, %add3A_471 : i32
      %dma_wait3A_473 = arith.constant 0 : i32
      %dma_wait3A_474 = arith.constant 6 : i32
      %dma_wait3A_475 = arith.constant 0 : i32
      %dma_wait3A_476 = arith.constant 0 : i32
      %dma_wait3A_477 = arith.constant 0 : i32
      %dma_wait3A_478 = tpu.memref_slice %arg6[%dma_wait3A_473, %dma_wait3A_474, %dma_wait3A_476, %dma_wait3A_477] : memref<4x8x50x32xf32, #tpu.memory_space<vmem>> -> memref<1x1x50x32xf32, #tpu.memory_space<vmem>>
      %dma_wait3A_479 = tpu.memref_squeeze %dma_wait3A_478 : memref<1x1x50x32xf32, #tpu.memory_space<vmem>> -> memref<50x32xf32, #tpu.memory_space<vmem>>
      %dma_wait3A_480 = arith.constant 0 : i32
      %dma_wait3A_481 = tpu.memref_slice %arg5[%add3A_472, %dma_wait3A_480] : memref<512x50xi32, #tpu.memory_space<vmem>> -> memref<1x50xi32, #tpu.memory_space<vmem>>
      %dma_wait3A_482 = tpu.memref_squeeze %dma_wait3A_481 : memref<1x50xi32, #tpu.memory_space<vmem>> -> memref<50xi32, #tpu.memory_space<vmem>>
      %dma_wait3A_483 = arith.constant 0 : i32
      %dma_wait3A_484 = arith.constant 0 : i32
      %dma_wait3A_485 = tpu.memref_slice %arg3[%dma_wait3A_483, %dma_wait3A_484] : memref<1000000x32xf32, #tpu.memory_space<hbm>> -> memref<1000000x32xf32, #tpu.memory_space<hbm>>
      %dma_wait3A_486 = tpu.memref_slice %arg7[%dma_wait3A_475] : memref<4x!tpu.dma_semaphore, #tpu.memory_space<semaphore_mem>> -> memref<1x!tpu.dma_semaphore, #tpu.memory_space<semaphore_mem>>
      %dma_wait3A_487 = tpu.memref_squeeze %dma_wait3A_486 : memref<1x!tpu.dma_semaphore, #tpu.memory_space<semaphore_mem>> -> memref<!tpu.dma_semaphore, #tpu.memory_space<semaphore_mem>>
      tpu.wait_indirect_dma semaphore(%dma_wait3A_487 : memref<!tpu.dma_semaphore, #tpu.memory_space<semaphore_mem>>) src(%dma_wait3A_485 : memref<1000000x32xf32, #tpu.memory_space<hbm>>) dst(%dma_wait3A_479 : memref<50x32xf32, #tpu.memory_space<vmem>>)
      %mul3A_488 = arith.constant 8 : i32
      %mul3A_489 = arith.muli %add3A_354, %mul3A_488 : i32
      %add3A_490 = arith.constant 7 : i32
      %add3A_491 = arith.addi %mul3A_489, %add3A_490 : i32
      %dma_wait3A_492 = arith.constant 0 : i32
      %dma_wait3A_493 = arith.constant 7 : i32
      %dma_wait3A_494 = arith.constant 0 : i32
      %dma_wait3A_495 = arith.constant 0 : i32
      %dma_wait3A_496 = arith.constant 0 : i32
      %dma_wait3A_497 = tpu.memref_slice %arg6[%dma_wait3A_492, %dma_wait3A_493, %dma_wait3A_495, %dma_wait3A_496] : memref<4x8x50x32xf32, #tpu.memory_space<vmem>> -> memref<1x1x50x32xf32, #tpu.memory_space<vmem>>
      %dma_wait3A_498 = tpu.memref_squeeze %dma_wait3A_497 : memref<1x1x50x32xf32, #tpu.memory_space<vmem>> -> memref<50x32xf32, #tpu.memory_space<vmem>>
      %dma_wait3A_499 = arith.constant 0 : i32
      %dma_wait3A_500 = tpu.memref_slice %arg5[%add3A_491, %dma_wait3A_499] : memref<512x50xi32, #tpu.memory_space<vmem>> -> memref<1x50xi32, #tpu.memory_space<vmem>>
      %dma_wait3A_501 = tpu.memref_squeeze %dma_wait3A_500 : memref<1x50xi32, #tpu.memory_space<vmem>> -> memref<50xi32, #tpu.memory_space<vmem>>
      %dma_wait3A_502 = arith.constant 0 : i32
      %dma_wait3A_503 = arith.constant 0 : i32
      %dma_wait3A_504 = tpu.memref_slice %arg3[%dma_wait3A_502, %dma_wait3A_503] : memref<1000000x32xf32, #tpu.memory_space<hbm>> -> memref<1000000x32xf32, #tpu.memory_space<hbm>>
      %dma_wait3A_505 = tpu.memref_slice %arg7[%dma_wait3A_494] : memref<4x!tpu.dma_semaphore, #tpu.memory_space<semaphore_mem>> -> memref<1x!tpu.dma_semaphore, #tpu.memory_space<semaphore_mem>>
      %dma_wait3A_506 = tpu.memref_squeeze %dma_wait3A_505 : memref<1x!tpu.dma_semaphore, #tpu.memory_space<semaphore_mem>> -> memref<!tpu.dma_semaphore, #tpu.memory_space<semaphore_mem>>
      tpu.wait_indirect_dma semaphore(%dma_wait3A_506 : memref<!tpu.dma_semaphore, #tpu.memory_space<semaphore_mem>>) src(%dma_wait3A_504 : memref<1000000x32xf32, #tpu.memory_space<hbm>>) dst(%dma_wait3A_498 : memref<50x32xf32, #tpu.memory_space<vmem>>)
      %mul3A_507 = arith.constant 8 : i32
      %mul3A_508 = arith.muli %add3A_354, %mul3A_507 : i32
      %add3A_509 = arith.addi %mul3A_2, %mul3A_508 : i32
      %dma_start3A_510 = arith.constant 0 : i32
      %dma_start3A_511 = arith.constant 0 : i32
      %dma_start3A_512 = arith.constant 0 : i32
      %dma_start3A_513 = arith.constant 0 : i32
      %dma_start3A_514 = arith.constant 0 : i32
      %dma_start3A_515 = tpu.memref_slice %arg6[%dma_start3A_510, %dma_start3A_512, %dma_start3A_513, %dma_start3A_514] : memref<4x8x50x32xf32, #tpu.memory_space<vmem>> -> memref<1x8x50x32xf32, #tpu.memory_space<vmem>>
      %dma_start3A_516 = tpu.memref_squeeze %dma_start3A_515 : memref<1x8x50x32xf32, #tpu.memory_space<vmem>> -> memref<8x50x32xf32, #tpu.memory_space<vmem>>
      %dma_start3A_517 = arith.constant 0 : i32
      %dma_start3A_518 = arith.constant 0 : i32
      %dma_start3A_519 = tpu.memref_slice %arg4[%add3A_509, %dma_start3A_517, %dma_start3A_518] : memref<16384x56x128xf32, #tpu.memory_space<hbm>> -> memref<8x50x32xf32, #tpu.memory_space<hbm>>
      %dma_start3A_520 = tpu.memref_slice %arg8[%dma_start3A_511] : memref<4x!tpu.dma_semaphore, #tpu.memory_space<semaphore_mem>> -> memref<1x!tpu.dma_semaphore, #tpu.memory_space<semaphore_mem>>
      %dma_start3A_521 = tpu.memref_squeeze %dma_start3A_520 : memref<1x!tpu.dma_semaphore, #tpu.memory_space<semaphore_mem>> -> memref<!tpu.dma_semaphore, #tpu.memory_space<semaphore_mem>>
      %dma_start3A_522 = arith.constant 0 : i32
      %dma_start3A_523 = arith.constant 0 : i32
      %dma_start3A_524 = tpu.memref_slice %arg4[%add3A_509, %dma_start3A_522, %dma_start3A_523] : memref<16384x56x128xf32, #tpu.memory_space<hbm>> -> memref<8x50x32xf32, #tpu.memory_space<hbm>>
      %dma_start3A_525 = arith.constant 0 : i32
      %dma_start3A_526 = arith.constant 0 : i32
      %dma_start3A_527 = arith.constant 0 : i32
      %dma_start3A_528 = tpu.memref_slice %arg6[%dma_start3A_510, %dma_start3A_525, %dma_start3A_526, %dma_start3A_527] : memref<4x8x50x32xf32, #tpu.memory_space<vmem>> -> memref<1x8x50x32xf32, #tpu.memory_space<vmem>>
      %dma_start3A_529 = tpu.memref_squeeze %dma_start3A_528 : memref<1x8x50x32xf32, #tpu.memory_space<vmem>> -> memref<8x50x32xf32, #tpu.memory_space<vmem>>
      tpu.enqueue_dma source(%dma_start3A_529 : memref<8x50x32xf32, #tpu.memory_space<vmem>>) target(%dma_start3A_524 : memref<8x50x32xf32, #tpu.memory_space<hbm>>) target_semaphore(%dma_start3A_521 : memref<!tpu.dma_semaphore, #tpu.memory_space<semaphore_mem>>)
      %add3A_530 = arith.constant 2 : i32
      %add3A_531 = arith.addi %add3A_354, %add3A_530 : i32
      %ge3A = arith.constant 4 : i32
      %ge3A_532 = arith.cmpi sge, %add3A_531, %ge3A : i32
      %lt3A = arith.constant 64 : i32
      %lt3A_533 = arith.cmpi slt, %add3A_531, %lt3A : i32
      %and3A = arith.andi %ge3A_532, %lt3A_533 : i1
      %convert_element_type3A = arith.extui %and3A : i1 to i32
      %cond3A = arith.constant 0 : i32
      %cond3A_534 = arith.cmpi ne, %convert_element_type3A, %cond3A : i32
      scf.if %cond3A_534 {
        %sub3A = arith.constant 4 : i32
        %sub3A_1122 = arith.subi %add3A_531, %sub3A : i32
        %mul3A_1123 = arith.constant 8 : i32
        %mul3A_1124 = arith.muli %sub3A_1122, %mul3A_1123 : i32
        %add3A_1125 = arith.addi %mul3A_2, %mul3A_1124 : i32
        %dma_wait3A_1126 = arith.constant 2 : i32
        %dma_wait3A_1127 = arith.constant 2 : i32
        %dma_wait3A_1128 = arith.constant 0 : i32
        %dma_wait3A_1129 = arith.constant 0 : i32
        %dma_wait3A_1130 = arith.constant 0 : i32
        %dma_wait3A_1131 = tpu.memref_slice %arg6[%dma_wait3A_1126, %dma_wait3A_1128, %dma_wait3A_1129, %dma_wait3A_1130] : memref<4x8x50x32xf32, #tpu.memory_space<vmem>> -> memref<1x8x50x32xf32, #tpu.memory_space<vmem>>
        %dma_wait3A_1132 = tpu.memref_squeeze %dma_wait3A_1131 : memref<1x8x50x32xf32, #tpu.memory_space<vmem>> -> memref<8x50x32xf32, #tpu.memory_space<vmem>>
        %dma_wait3A_1133 = arith.constant 0 : i32
        %dma_wait3A_1134 = arith.constant 0 : i32
        %dma_wait3A_1135 = tpu.memref_slice %arg4[%add3A_1125, %dma_wait3A_1133, %dma_wait3A_1134] : memref<16384x56x128xf32, #tpu.memory_space<hbm>> -> memref<8x50x32xf32, #tpu.memory_space<hbm>>
        %dma_wait3A_1136 = tpu.memref_slice %arg8[%dma_wait3A_1127] : memref<4x!tpu.dma_semaphore, #tpu.memory_space<semaphore_mem>> -> memref<1x!tpu.dma_semaphore, #tpu.memory_space<semaphore_mem>>
        %dma_wait3A_1137 = tpu.memref_squeeze %dma_wait3A_1136 : memref<1x!tpu.dma_semaphore, #tpu.memory_space<semaphore_mem>> -> memref<!tpu.dma_semaphore, #tpu.memory_space<semaphore_mem>>
        %dma_wait3A_1138 = arith.constant 0 : i32
        %dma_wait3A_1139 = arith.constant 0 : i32
        %dma_wait3A_1140 = tpu.memref_slice %arg4[%add3A_1125, %dma_wait3A_1138, %dma_wait3A_1139] : memref<16384x56x128xf32, #tpu.memory_space<hbm>> -> memref<8x50x32xf32, #tpu.memory_space<hbm>>
        %dma_wait3A_1141 = arith.constant 0 : i32
        %dma_wait3A_1142 = arith.constant 0 : i32
        %dma_wait3A_1143 = arith.constant 0 : i32
        %dma_wait3A_1144 = tpu.memref_slice %arg6[%dma_wait3A_1126, %dma_wait3A_1141, %dma_wait3A_1142, %dma_wait3A_1143] : memref<4x8x50x32xf32, #tpu.memory_space<vmem>> -> memref<1x8x50x32xf32, #tpu.memory_space<vmem>>
        %dma_wait3A_1145 = tpu.memref_squeeze %dma_wait3A_1144 : memref<1x8x50x32xf32, #tpu.memory_space<vmem>> -> memref<8x50x32xf32, #tpu.memory_space<vmem>>
        tpu.wait_dma2 semaphore(%dma_wait3A_1137 : memref<!tpu.dma_semaphore, #tpu.memory_space<semaphore_mem>>) src(%dma_wait3A_1145 : memref<8x50x32xf32, #tpu.memory_space<vmem>>) dst(%dma_wait3A_1140 : memref<8x50x32xf32, #tpu.memory_space<hbm>>)
      } else {
      }
      %lt3A_535 = arith.constant 64 : i32
      %lt3A_536 = arith.cmpi slt, %add3A_531, %lt3A_535 : i32
      %convert_element_type3A_537 = arith.extui %lt3A_536 : i1 to i32
      %cond3A_538 = arith.constant 0 : i32
      %cond3A_539 = arith.cmpi ne, %convert_element_type3A_537, %cond3A_538 : i32
      scf.if %cond3A_539 {
        %mul3A_1122 = arith.constant 8 : i32
        %mul3A_1123 = arith.muli %add3A_531, %mul3A_1122 : i32
        %add3A_1124 = arith.constant 0 : i32
        %add3A_1125 = arith.addi %mul3A_1123, %add3A_1124 : i32
        %dma_start3A_1126 = arith.constant 2 : i32
        %dma_start3A_1127 = arith.constant 0 : i32
        %dma_start3A_1128 = arith.constant 2 : i32
        %dma_start3A_1129 = arith.constant 0 : i32
        %dma_start3A_1130 = arith.constant 0 : i32
        %dma_start3A_1131 = tpu.memref_slice %arg6[%dma_start3A_1126, %dma_start3A_1127, %dma_start3A_1129, %dma_start3A_1130] : memref<4x8x50x32xf32, #tpu.memory_space<vmem>> -> memref<1x1x50x32xf32, #tpu.memory_space<vmem>>
        %dma_start3A_1132 = tpu.memref_squeeze %dma_start3A_1131 : memref<1x1x50x32xf32, #tpu.memory_space<vmem>> -> memref<50x32xf32, #tpu.memory_space<vmem>>
        %dma_start3A_1133 = arith.constant 0 : i32
        %dma_start3A_1134 = tpu.memref_slice %arg5[%add3A_1125, %dma_start3A_1133] : memref<512x50xi32, #tpu.memory_space<vmem>> -> memref<1x50xi32, #tpu.memory_space<vmem>>
        %dma_start3A_1135 = tpu.memref_squeeze %dma_start3A_1134 : memref<1x50xi32, #tpu.memory_space<vmem>> -> memref<50xi32, #tpu.memory_space<vmem>>
        %dma_start3A_1136 = arith.constant 0 : i32
        %dma_start3A_1137 = arith.constant 0 : i32
        %dma_start3A_1138 = tpu.memref_slice %arg3[%dma_start3A_1136, %dma_start3A_1137] : memref<1000000x32xf32, #tpu.memory_space<hbm>> -> memref<1000000x32xf32, #tpu.memory_space<hbm>>
        %dma_start3A_1139 = tpu.memref_slice %arg7[%dma_start3A_1128] : memref<4x!tpu.dma_semaphore, #tpu.memory_space<semaphore_mem>> -> memref<1x!tpu.dma_semaphore, #tpu.memory_space<semaphore_mem>>
        %dma_start3A_1140 = tpu.memref_squeeze %dma_start3A_1139 : memref<1x!tpu.dma_semaphore, #tpu.memory_space<semaphore_mem>> -> memref<!tpu.dma_semaphore, #tpu.memory_space<semaphore_mem>>
        tpu.enqueue_indirect_dma source(%dma_start3A_1138 : memref<1000000x32xf32, #tpu.memory_space<hbm>>) target(%dma_start3A_1132 : memref<50x32xf32, #tpu.memory_space<vmem>>) offsets(%dma_start3A_1135 : memref<50xi32, #tpu.memory_space<vmem>>) semaphore(%dma_start3A_1140 : memref<!tpu.dma_semaphore, #tpu.memory_space<semaphore_mem>>)
        %mul3A_1141 = arith.constant 8 : i32
        %mul3A_1142 = arith.muli %add3A_531, %mul3A_1141 : i32
        %add3A_1143 = arith.constant 1 : i32
        %add3A_1144 = arith.addi %mul3A_1142, %add3A_1143 : i32
        %dma_start3A_1145 = arith.constant 2 : i32
        %dma_start3A_1146 = arith.constant 1 : i32
        %dma_start3A_1147 = arith.constant 2 : i32
        %dma_start3A_1148 = arith.constant 0 : i32
        %dma_start3A_1149 = arith.constant 0 : i32
        %dma_start3A_1150 = tpu.memref_slice %arg6[%dma_start3A_1145, %dma_start3A_1146, %dma_start3A_1148, %dma_start3A_1149] : memref<4x8x50x32xf32, #tpu.memory_space<vmem>> -> memref<1x1x50x32xf32, #tpu.memory_space<vmem>>
        %dma_start3A_1151 = tpu.memref_squeeze %dma_start3A_1150 : memref<1x1x50x32xf32, #tpu.memory_space<vmem>> -> memref<50x32xf32, #tpu.memory_space<vmem>>
        %dma_start3A_1152 = arith.constant 0 : i32
        %dma_start3A_1153 = tpu.memref_slice %arg5[%add3A_1144, %dma_start3A_1152] : memref<512x50xi32, #tpu.memory_space<vmem>> -> memref<1x50xi32, #tpu.memory_space<vmem>>
        %dma_start3A_1154 = tpu.memref_squeeze %dma_start3A_1153 : memref<1x50xi32, #tpu.memory_space<vmem>> -> memref<50xi32, #tpu.memory_space<vmem>>
        %dma_start3A_1155 = arith.constant 0 : i32
        %dma_start3A_1156 = arith.constant 0 : i32
        %dma_start3A_1157 = tpu.memref_slice %arg3[%dma_start3A_1155, %dma_start3A_1156] : memref<1000000x32xf32, #tpu.memory_space<hbm>> -> memref<1000000x32xf32, #tpu.memory_space<hbm>>
        %dma_start3A_1158 = tpu.memref_slice %arg7[%dma_start3A_1147] : memref<4x!tpu.dma_semaphore, #tpu.memory_space<semaphore_mem>> -> memref<1x!tpu.dma_semaphore, #tpu.memory_space<semaphore_mem>>
        %dma_start3A_1159 = tpu.memref_squeeze %dma_start3A_1158 : memref<1x!tpu.dma_semaphore, #tpu.memory_space<semaphore_mem>> -> memref<!tpu.dma_semaphore, #tpu.memory_space<semaphore_mem>>
        tpu.enqueue_indirect_dma source(%dma_start3A_1157 : memref<1000000x32xf32, #tpu.memory_space<hbm>>) target(%dma_start3A_1151 : memref<50x32xf32, #tpu.memory_space<vmem>>) offsets(%dma_start3A_1154 : memref<50xi32, #tpu.memory_space<vmem>>) semaphore(%dma_start3A_1159 : memref<!tpu.dma_semaphore, #tpu.memory_space<semaphore_mem>>)
        %mul3A_1160 = arith.constant 8 : i32
        %mul3A_1161 = arith.muli %add3A_531, %mul3A_1160 : i32
        %add3A_1162 = arith.constant 2 : i32
        %add3A_1163 = arith.addi %mul3A_1161, %add3A_1162 : i32
        %dma_start3A_1164 = arith.constant 2 : i32
        %dma_start3A_1165 = arith.constant 2 : i32
        %dma_start3A_1166 = arith.constant 2 : i32
        %dma_start3A_1167 = arith.constant 0 : i32
        %dma_start3A_1168 = arith.constant 0 : i32
        %dma_start3A_1169 = tpu.memref_slice %arg6[%dma_start3A_1164, %dma_start3A_1165, %dma_start3A_1167, %dma_start3A_1168] : memref<4x8x50x32xf32, #tpu.memory_space<vmem>> -> memref<1x1x50x32xf32, #tpu.memory_space<vmem>>
        %dma_start3A_1170 = tpu.memref_squeeze %dma_start3A_1169 : memref<1x1x50x32xf32, #tpu.memory_space<vmem>> -> memref<50x32xf32, #tpu.memory_space<vmem>>
        %dma_start3A_1171 = arith.constant 0 : i32
        %dma_start3A_1172 = tpu.memref_slice %arg5[%add3A_1163, %dma_start3A_1171] : memref<512x50xi32, #tpu.memory_space<vmem>> -> memref<1x50xi32, #tpu.memory_space<vmem>>
        %dma_start3A_1173 = tpu.memref_squeeze %dma_start3A_1172 : memref<1x50xi32, #tpu.memory_space<vmem>> -> memref<50xi32, #tpu.memory_space<vmem>>
        %dma_start3A_1174 = arith.constant 0 : i32
        %dma_start3A_1175 = arith.constant 0 : i32
        %dma_start3A_1176 = tpu.memref_slice %arg3[%dma_start3A_1174, %dma_start3A_1175] : memref<1000000x32xf32, #tpu.memory_space<hbm>> -> memref<1000000x32xf32, #tpu.memory_space<hbm>>
        %dma_start3A_1177 = tpu.memref_slice %arg7[%dma_start3A_1166] : memref<4x!tpu.dma_semaphore, #tpu.memory_space<semaphore_mem>> -> memref<1x!tpu.dma_semaphore, #tpu.memory_space<semaphore_mem>>
        %dma_start3A_1178 = tpu.memref_squeeze %dma_start3A_1177 : memref<1x!tpu.dma_semaphore, #tpu.memory_space<semaphore_mem>> -> memref<!tpu.dma_semaphore, #tpu.memory_space<semaphore_mem>>
        tpu.enqueue_indirect_dma source(%dma_start3A_1176 : memref<1000000x32xf32, #tpu.memory_space<hbm>>) target(%dma_start3A_1170 : memref<50x32xf32, #tpu.memory_space<vmem>>) offsets(%dma_start3A_1173 : memref<50xi32, #tpu.memory_space<vmem>>) semaphore(%dma_start3A_1178 : memref<!tpu.dma_semaphore, #tpu.memory_space<semaphore_mem>>)
        %mul3A_1179 = arith.constant 8 : i32
        %mul3A_1180 = arith.muli %add3A_531, %mul3A_1179 : i32
        %add3A_1181 = arith.constant 3 : i32
        %add3A_1182 = arith.addi %mul3A_1180, %add3A_1181 : i32
        %dma_start3A_1183 = arith.constant 2 : i32
        %dma_start3A_1184 = arith.constant 3 : i32
        %dma_start3A_1185 = arith.constant 2 : i32
        %dma_start3A_1186 = arith.constant 0 : i32
        %dma_start3A_1187 = arith.constant 0 : i32
        %dma_start3A_1188 = tpu.memref_slice %arg6[%dma_start3A_1183, %dma_start3A_1184, %dma_start3A_1186, %dma_start3A_1187] : memref<4x8x50x32xf32, #tpu.memory_space<vmem>> -> memref<1x1x50x32xf32, #tpu.memory_space<vmem>>
        %dma_start3A_1189 = tpu.memref_squeeze %dma_start3A_1188 : memref<1x1x50x32xf32, #tpu.memory_space<vmem>> -> memref<50x32xf32, #tpu.memory_space<vmem>>
        %dma_start3A_1190 = arith.constant 0 : i32
        %dma_start3A_1191 = tpu.memref_slice %arg5[%add3A_1182, %dma_start3A_1190] : memref<512x50xi32, #tpu.memory_space<vmem>> -> memref<1x50xi32, #tpu.memory_space<vmem>>
        %dma_start3A_1192 = tpu.memref_squeeze %dma_start3A_1191 : memref<1x50xi32, #tpu.memory_space<vmem>> -> memref<50xi32, #tpu.memory_space<vmem>>
        %dma_start3A_1193 = arith.constant 0 : i32
        %dma_start3A_1194 = arith.constant 0 : i32
        %dma_start3A_1195 = tpu.memref_slice %arg3[%dma_start3A_1193, %dma_start3A_1194] : memref<1000000x32xf32, #tpu.memory_space<hbm>> -> memref<1000000x32xf32, #tpu.memory_space<hbm>>
        %dma_start3A_1196 = tpu.memref_slice %arg7[%dma_start3A_1185] : memref<4x!tpu.dma_semaphore, #tpu.memory_space<semaphore_mem>> -> memref<1x!tpu.dma_semaphore, #tpu.memory_space<semaphore_mem>>
        %dma_start3A_1197 = tpu.memref_squeeze %dma_start3A_1196 : memref<1x!tpu.dma_semaphore, #tpu.memory_space<semaphore_mem>> -> memref<!tpu.dma_semaphore, #tpu.memory_space<semaphore_mem>>
        tpu.enqueue_indirect_dma source(%dma_start3A_1195 : memref<1000000x32xf32, #tpu.memory_space<hbm>>) target(%dma_start3A_1189 : memref<50x32xf32, #tpu.memory_space<vmem>>) offsets(%dma_start3A_1192 : memref<50xi32, #tpu.memory_space<vmem>>) semaphore(%dma_start3A_1197 : memref<!tpu.dma_semaphore, #tpu.memory_space<semaphore_mem>>)
        %mul3A_1198 = arith.constant 8 : i32
        %mul3A_1199 = arith.muli %add3A_531, %mul3A_1198 : i32
        %add3A_1200 = arith.constant 4 : i32
        %add3A_1201 = arith.addi %mul3A_1199, %add3A_1200 : i32
        %dma_start3A_1202 = arith.constant 2 : i32
        %dma_start3A_1203 = arith.constant 4 : i32
        %dma_start3A_1204 = arith.constant 2 : i32
        %dma_start3A_1205 = arith.constant 0 : i32
        %dma_start3A_1206 = arith.constant 0 : i32
        %dma_start3A_1207 = tpu.memref_slice %arg6[%dma_start3A_1202, %dma_start3A_1203, %dma_start3A_1205, %dma_start3A_1206] : memref<4x8x50x32xf32, #tpu.memory_space<vmem>> -> memref<1x1x50x32xf32, #tpu.memory_space<vmem>>
        %dma_start3A_1208 = tpu.memref_squeeze %dma_start3A_1207 : memref<1x1x50x32xf32, #tpu.memory_space<vmem>> -> memref<50x32xf32, #tpu.memory_space<vmem>>
        %dma_start3A_1209 = arith.constant 0 : i32
        %dma_start3A_1210 = tpu.memref_slice %arg5[%add3A_1201, %dma_start3A_1209] : memref<512x50xi32, #tpu.memory_space<vmem>> -> memref<1x50xi32, #tpu.memory_space<vmem>>
        %dma_start3A_1211 = tpu.memref_squeeze %dma_start3A_1210 : memref<1x50xi32, #tpu.memory_space<vmem>> -> memref<50xi32, #tpu.memory_space<vmem>>
        %dma_start3A_1212 = arith.constant 0 : i32
        %dma_start3A_1213 = arith.constant 0 : i32
        %dma_start3A_1214 = tpu.memref_slice %arg3[%dma_start3A_1212, %dma_start3A_1213] : memref<1000000x32xf32, #tpu.memory_space<hbm>> -> memref<1000000x32xf32, #tpu.memory_space<hbm>>
        %dma_start3A_1215 = tpu.memref_slice %arg7[%dma_start3A_1204] : memref<4x!tpu.dma_semaphore, #tpu.memory_space<semaphore_mem>> -> memref<1x!tpu.dma_semaphore, #tpu.memory_space<semaphore_mem>>
        %dma_start3A_1216 = tpu.memref_squeeze %dma_start3A_1215 : memref<1x!tpu.dma_semaphore, #tpu.memory_space<semaphore_mem>> -> memref<!tpu.dma_semaphore, #tpu.memory_space<semaphore_mem>>
        tpu.enqueue_indirect_dma source(%dma_start3A_1214 : memref<1000000x32xf32, #tpu.memory_space<hbm>>) target(%dma_start3A_1208 : memref<50x32xf32, #tpu.memory_space<vmem>>) offsets(%dma_start3A_1211 : memref<50xi32, #tpu.memory_space<vmem>>) semaphore(%dma_start3A_1216 : memref<!tpu.dma_semaphore, #tpu.memory_space<semaphore_mem>>)
        %mul3A_1217 = arith.constant 8 : i32
        %mul3A_1218 = arith.muli %add3A_531, %mul3A_1217 : i32
        %add3A_1219 = arith.constant 5 : i32
        %add3A_1220 = arith.addi %mul3A_1218, %add3A_1219 : i32
        %dma_start3A_1221 = arith.constant 2 : i32
        %dma_start3A_1222 = arith.constant 5 : i32
        %dma_start3A_1223 = arith.constant 2 : i32
        %dma_start3A_1224 = arith.constant 0 : i32
        %dma_start3A_1225 = arith.constant 0 : i32
        %dma_start3A_1226 = tpu.memref_slice %arg6[%dma_start3A_1221, %dma_start3A_1222, %dma_start3A_1224, %dma_start3A_1225] : memref<4x8x50x32xf32, #tpu.memory_space<vmem>> -> memref<1x1x50x32xf32, #tpu.memory_space<vmem>>
        %dma_start3A_1227 = tpu.memref_squeeze %dma_start3A_1226 : memref<1x1x50x32xf32, #tpu.memory_space<vmem>> -> memref<50x32xf32, #tpu.memory_space<vmem>>
        %dma_start3A_1228 = arith.constant 0 : i32
        %dma_start3A_1229 = tpu.memref_slice %arg5[%add3A_1220, %dma_start3A_1228] : memref<512x50xi32, #tpu.memory_space<vmem>> -> memref<1x50xi32, #tpu.memory_space<vmem>>
        %dma_start3A_1230 = tpu.memref_squeeze %dma_start3A_1229 : memref<1x50xi32, #tpu.memory_space<vmem>> -> memref<50xi32, #tpu.memory_space<vmem>>
        %dma_start3A_1231 = arith.constant 0 : i32
        %dma_start3A_1232 = arith.constant 0 : i32
        %dma_start3A_1233 = tpu.memref_slice %arg3[%dma_start3A_1231, %dma_start3A_1232] : memref<1000000x32xf32, #tpu.memory_space<hbm>> -> memref<1000000x32xf32, #tpu.memory_space<hbm>>
        %dma_start3A_1234 = tpu.memref_slice %arg7[%dma_start3A_1223] : memref<4x!tpu.dma_semaphore, #tpu.memory_space<semaphore_mem>> -> memref<1x!tpu.dma_semaphore, #tpu.memory_space<semaphore_mem>>
        %dma_start3A_1235 = tpu.memref_squeeze %dma_start3A_1234 : memref<1x!tpu.dma_semaphore, #tpu.memory_space<semaphore_mem>> -> memref<!tpu.dma_semaphore, #tpu.memory_space<semaphore_mem>>
        tpu.enqueue_indirect_dma source(%dma_start3A_1233 : memref<1000000x32xf32, #tpu.memory_space<hbm>>) target(%dma_start3A_1227 : memref<50x32xf32, #tpu.memory_space<vmem>>) offsets(%dma_start3A_1230 : memref<50xi32, #tpu.memory_space<vmem>>) semaphore(%dma_start3A_1235 : memref<!tpu.dma_semaphore, #tpu.memory_space<semaphore_mem>>)
        %mul3A_1236 = arith.constant 8 : i32
        %mul3A_1237 = arith.muli %add3A_531, %mul3A_1236 : i32
        %add3A_1238 = arith.constant 6 : i32
        %add3A_1239 = arith.addi %mul3A_1237, %add3A_1238 : i32
        %dma_start3A_1240 = arith.constant 2 : i32
        %dma_start3A_1241 = arith.constant 6 : i32
        %dma_start3A_1242 = arith.constant 2 : i32
        %dma_start3A_1243 = arith.constant 0 : i32
        %dma_start3A_1244 = arith.constant 0 : i32
        %dma_start3A_1245 = tpu.memref_slice %arg6[%dma_start3A_1240, %dma_start3A_1241, %dma_start3A_1243, %dma_start3A_1244] : memref<4x8x50x32xf32, #tpu.memory_space<vmem>> -> memref<1x1x50x32xf32, #tpu.memory_space<vmem>>
        %dma_start3A_1246 = tpu.memref_squeeze %dma_start3A_1245 : memref<1x1x50x32xf32, #tpu.memory_space<vmem>> -> memref<50x32xf32, #tpu.memory_space<vmem>>
        %dma_start3A_1247 = arith.constant 0 : i32
        %dma_start3A_1248 = tpu.memref_slice %arg5[%add3A_1239, %dma_start3A_1247] : memref<512x50xi32, #tpu.memory_space<vmem>> -> memref<1x50xi32, #tpu.memory_space<vmem>>
        %dma_start3A_1249 = tpu.memref_squeeze %dma_start3A_1248 : memref<1x50xi32, #tpu.memory_space<vmem>> -> memref<50xi32, #tpu.memory_space<vmem>>
        %dma_start3A_1250 = arith.constant 0 : i32
        %dma_start3A_1251 = arith.constant 0 : i32
        %dma_start3A_1252 = tpu.memref_slice %arg3[%dma_start3A_1250, %dma_start3A_1251] : memref<1000000x32xf32, #tpu.memory_space<hbm>> -> memref<1000000x32xf32, #tpu.memory_space<hbm>>
        %dma_start3A_1253 = tpu.memref_slice %arg7[%dma_start3A_1242] : memref<4x!tpu.dma_semaphore, #tpu.memory_space<semaphore_mem>> -> memref<1x!tpu.dma_semaphore, #tpu.memory_space<semaphore_mem>>
        %dma_start3A_1254 = tpu.memref_squeeze %dma_start3A_1253 : memref<1x!tpu.dma_semaphore, #tpu.memory_space<semaphore_mem>> -> memref<!tpu.dma_semaphore, #tpu.memory_space<semaphore_mem>>
        tpu.enqueue_indirect_dma source(%dma_start3A_1252 : memref<1000000x32xf32, #tpu.memory_space<hbm>>) target(%dma_start3A_1246 : memref<50x32xf32, #tpu.memory_space<vmem>>) offsets(%dma_start3A_1249 : memref<50xi32, #tpu.memory_space<vmem>>) semaphore(%dma_start3A_1254 : memref<!tpu.dma_semaphore, #tpu.memory_space<semaphore_mem>>)
        %mul3A_1255 = arith.constant 8 : i32
        %mul3A_1256 = arith.muli %add3A_531, %mul3A_1255 : i32
        %add3A_1257 = arith.constant 7 : i32
        %add3A_1258 = arith.addi %mul3A_1256, %add3A_1257 : i32
        %dma_start3A_1259 = arith.constant 2 : i32
        %dma_start3A_1260 = arith.constant 7 : i32
        %dma_start3A_1261 = arith.constant 2 : i32
        %dma_start3A_1262 = arith.constant 0 : i32
        %dma_start3A_1263 = arith.constant 0 : i32
        %dma_start3A_1264 = tpu.memref_slice %arg6[%dma_start3A_1259, %dma_start3A_1260, %dma_start3A_1262, %dma_start3A_1263] : memref<4x8x50x32xf32, #tpu.memory_space<vmem>> -> memref<1x1x50x32xf32, #tpu.memory_space<vmem>>
        %dma_start3A_1265 = tpu.memref_squeeze %dma_start3A_1264 : memref<1x1x50x32xf32, #tpu.memory_space<vmem>> -> memref<50x32xf32, #tpu.memory_space<vmem>>
        %dma_start3A_1266 = arith.constant 0 : i32
        %dma_start3A_1267 = tpu.memref_slice %arg5[%add3A_1258, %dma_start3A_1266] : memref<512x50xi32, #tpu.memory_space<vmem>> -> memref<1x50xi32, #tpu.memory_space<vmem>>
        %dma_start3A_1268 = tpu.memref_squeeze %dma_start3A_1267 : memref<1x50xi32, #tpu.memory_space<vmem>> -> memref<50xi32, #tpu.memory_space<vmem>>
        %dma_start3A_1269 = arith.constant 0 : i32
        %dma_start3A_1270 = arith.constant 0 : i32
        %dma_start3A_1271 = tpu.memref_slice %arg3[%dma_start3A_1269, %dma_start3A_1270] : memref<1000000x32xf32, #tpu.memory_space<hbm>> -> memref<1000000x32xf32, #tpu.memory_space<hbm>>
        %dma_start3A_1272 = tpu.memref_slice %arg7[%dma_start3A_1261] : memref<4x!tpu.dma_semaphore, #tpu.memory_space<semaphore_mem>> -> memref<1x!tpu.dma_semaphore, #tpu.memory_space<semaphore_mem>>
        %dma_start3A_1273 = tpu.memref_squeeze %dma_start3A_1272 : memref<1x!tpu.dma_semaphore, #tpu.memory_space<semaphore_mem>> -> memref<!tpu.dma_semaphore, #tpu.memory_space<semaphore_mem>>
        tpu.enqueue_indirect_dma source(%dma_start3A_1271 : memref<1000000x32xf32, #tpu.memory_space<hbm>>) target(%dma_start3A_1265 : memref<50x32xf32, #tpu.memory_space<vmem>>) offsets(%dma_start3A_1268 : memref<50xi32, #tpu.memory_space<vmem>>) semaphore(%dma_start3A_1273 : memref<!tpu.dma_semaphore, #tpu.memory_space<semaphore_mem>>)
      } else {
      }
      %mul3A_540 = arith.constant 4 : i32
      %mul3A_541 = arith.muli %scan3A_350, %mul3A_540 : i32
      %add3A_542 = arith.constant 1 : i32
      %add3A_543 = arith.addi %mul3A_541, %add3A_542 : i32
      %mul3A_544 = arith.constant 8 : i32
      %mul3A_545 = arith.muli %add3A_543, %mul3A_544 : i32
      %add3A_546 = arith.constant 0 : i32
      %add3A_547 = arith.addi %mul3A_545, %add3A_546 : i32
      %dma_wait3A_548 = arith.constant 1 : i32
      %dma_wait3A_549 = arith.constant 0 : i32
      %dma_wait3A_550 = arith.constant 1 : i32
      %dma_wait3A_551 = arith.constant 0 : i32
      %dma_wait3A_552 = arith.constant 0 : i32
      %dma_wait3A_553 = tpu.memref_slice %arg6[%dma_wait3A_548, %dma_wait3A_549, %dma_wait3A_551, %dma_wait3A_552] : memref<4x8x50x32xf32, #tpu.memory_space<vmem>> -> memref<1x1x50x32xf32, #tpu.memory_space<vmem>>
      %dma_wait3A_554 = tpu.memref_squeeze %dma_wait3A_553 : memref<1x1x50x32xf32, #tpu.memory_space<vmem>> -> memref<50x32xf32, #tpu.memory_space<vmem>>
      %dma_wait3A_555 = arith.constant 0 : i32
      %dma_wait3A_556 = tpu.memref_slice %arg5[%add3A_547, %dma_wait3A_555] : memref<512x50xi32, #tpu.memory_space<vmem>> -> memref<1x50xi32, #tpu.memory_space<vmem>>
      %dma_wait3A_557 = tpu.memref_squeeze %dma_wait3A_556 : memref<1x50xi32, #tpu.memory_space<vmem>> -> memref<50xi32, #tpu.memory_space<vmem>>
      %dma_wait3A_558 = arith.constant 0 : i32
      %dma_wait3A_559 = arith.constant 0 : i32
      %dma_wait3A_560 = tpu.memref_slice %arg3[%dma_wait3A_558, %dma_wait3A_559] : memref<1000000x32xf32, #tpu.memory_space<hbm>> -> memref<1000000x32xf32, #tpu.memory_space<hbm>>
      %dma_wait3A_561 = tpu.memref_slice %arg7[%dma_wait3A_550] : memref<4x!tpu.dma_semaphore, #tpu.memory_space<semaphore_mem>> -> memref<1x!tpu.dma_semaphore, #tpu.memory_space<semaphore_mem>>
      %dma_wait3A_562 = tpu.memref_squeeze %dma_wait3A_561 : memref<1x!tpu.dma_semaphore, #tpu.memory_space<semaphore_mem>> -> memref<!tpu.dma_semaphore, #tpu.memory_space<semaphore_mem>>
      tpu.wait_indirect_dma semaphore(%dma_wait3A_562 : memref<!tpu.dma_semaphore, #tpu.memory_space<semaphore_mem>>) src(%dma_wait3A_560 : memref<1000000x32xf32, #tpu.memory_space<hbm>>) dst(%dma_wait3A_554 : memref<50x32xf32, #tpu.memory_space<vmem>>)
      %mul3A_563 = arith.constant 8 : i32
      %mul3A_564 = arith.muli %add3A_543, %mul3A_563 : i32
      %add3A_565 = arith.constant 1 : i32
      %add3A_566 = arith.addi %mul3A_564, %add3A_565 : i32
      %dma_wait3A_567 = arith.constant 1 : i32
      %dma_wait3A_568 = arith.constant 1 : i32
      %dma_wait3A_569 = arith.constant 1 : i32
      %dma_wait3A_570 = arith.constant 0 : i32
      %dma_wait3A_571 = arith.constant 0 : i32
      %dma_wait3A_572 = tpu.memref_slice %arg6[%dma_wait3A_567, %dma_wait3A_568, %dma_wait3A_570, %dma_wait3A_571] : memref<4x8x50x32xf32, #tpu.memory_space<vmem>> -> memref<1x1x50x32xf32, #tpu.memory_space<vmem>>
      %dma_wait3A_573 = tpu.memref_squeeze %dma_wait3A_572 : memref<1x1x50x32xf32, #tpu.memory_space<vmem>> -> memref<50x32xf32, #tpu.memory_space<vmem>>
      %dma_wait3A_574 = arith.constant 0 : i32
      %dma_wait3A_575 = tpu.memref_slice %arg5[%add3A_566, %dma_wait3A_574] : memref<512x50xi32, #tpu.memory_space<vmem>> -> memref<1x50xi32, #tpu.memory_space<vmem>>
      %dma_wait3A_576 = tpu.memref_squeeze %dma_wait3A_575 : memref<1x50xi32, #tpu.memory_space<vmem>> -> memref<50xi32, #tpu.memory_space<vmem>>
      %dma_wait3A_577 = arith.constant 0 : i32
      %dma_wait3A_578 = arith.constant 0 : i32
      %dma_wait3A_579 = tpu.memref_slice %arg3[%dma_wait3A_577, %dma_wait3A_578] : memref<1000000x32xf32, #tpu.memory_space<hbm>> -> memref<1000000x32xf32, #tpu.memory_space<hbm>>
      %dma_wait3A_580 = tpu.memref_slice %arg7[%dma_wait3A_569] : memref<4x!tpu.dma_semaphore, #tpu.memory_space<semaphore_mem>> -> memref<1x!tpu.dma_semaphore, #tpu.memory_space<semaphore_mem>>
      %dma_wait3A_581 = tpu.memref_squeeze %dma_wait3A_580 : memref<1x!tpu.dma_semaphore, #tpu.memory_space<semaphore_mem>> -> memref<!tpu.dma_semaphore, #tpu.memory_space<semaphore_mem>>
      tpu.wait_indirect_dma semaphore(%dma_wait3A_581 : memref<!tpu.dma_semaphore, #tpu.memory_space<semaphore_mem>>) src(%dma_wait3A_579 : memref<1000000x32xf32, #tpu.memory_space<hbm>>) dst(%dma_wait3A_573 : memref<50x32xf32, #tpu.memory_space<vmem>>)
      %mul3A_582 = arith.constant 8 : i32
      %mul3A_583 = arith.muli %add3A_543, %mul3A_582 : i32
      %add3A_584 = arith.constant 2 : i32
      %add3A_585 = arith.addi %mul3A_583, %add3A_584 : i32
      %dma_wait3A_586 = arith.constant 1 : i32
      %dma_wait3A_587 = arith.constant 2 : i32
      %dma_wait3A_588 = arith.constant 1 : i32
      %dma_wait3A_589 = arith.constant 0 : i32
      %dma_wait3A_590 = arith.constant 0 : i32
      %dma_wait3A_591 = tpu.memref_slice %arg6[%dma_wait3A_586, %dma_wait3A_587, %dma_wait3A_589, %dma_wait3A_590] : memref<4x8x50x32xf32, #tpu.memory_space<vmem>> -> memref<1x1x50x32xf32, #tpu.memory_space<vmem>>
      %dma_wait3A_592 = tpu.memref_squeeze %dma_wait3A_591 : memref<1x1x50x32xf32, #tpu.memory_space<vmem>> -> memref<50x32xf32, #tpu.memory_space<vmem>>
      %dma_wait3A_593 = arith.constant 0 : i32
      %dma_wait3A_594 = tpu.memref_slice %arg5[%add3A_585, %dma_wait3A_593] : memref<512x50xi32, #tpu.memory_space<vmem>> -> memref<1x50xi32, #tpu.memory_space<vmem>>
      %dma_wait3A_595 = tpu.memref_squeeze %dma_wait3A_594 : memref<1x50xi32, #tpu.memory_space<vmem>> -> memref<50xi32, #tpu.memory_space<vmem>>
      %dma_wait3A_596 = arith.constant 0 : i32
      %dma_wait3A_597 = arith.constant 0 : i32
      %dma_wait3A_598 = tpu.memref_slice %arg3[%dma_wait3A_596, %dma_wait3A_597] : memref<1000000x32xf32, #tpu.memory_space<hbm>> -> memref<1000000x32xf32, #tpu.memory_space<hbm>>
      %dma_wait3A_599 = tpu.memref_slice %arg7[%dma_wait3A_588] : memref<4x!tpu.dma_semaphore, #tpu.memory_space<semaphore_mem>> -> memref<1x!tpu.dma_semaphore, #tpu.memory_space<semaphore_mem>>
      %dma_wait3A_600 = tpu.memref_squeeze %dma_wait3A_599 : memref<1x!tpu.dma_semaphore, #tpu.memory_space<semaphore_mem>> -> memref<!tpu.dma_semaphore, #tpu.memory_space<semaphore_mem>>
      tpu.wait_indirect_dma semaphore(%dma_wait3A_600 : memref<!tpu.dma_semaphore, #tpu.memory_space<semaphore_mem>>) src(%dma_wait3A_598 : memref<1000000x32xf32, #tpu.memory_space<hbm>>) dst(%dma_wait3A_592 : memref<50x32xf32, #tpu.memory_space<vmem>>)
      %mul3A_601 = arith.constant 8 : i32
      %mul3A_602 = arith.muli %add3A_543, %mul3A_601 : i32
      %add3A_603 = arith.constant 3 : i32
      %add3A_604 = arith.addi %mul3A_602, %add3A_603 : i32
      %dma_wait3A_605 = arith.constant 1 : i32
      %dma_wait3A_606 = arith.constant 3 : i32
      %dma_wait3A_607 = arith.constant 1 : i32
      %dma_wait3A_608 = arith.constant 0 : i32
      %dma_wait3A_609 = arith.constant 0 : i32
      %dma_wait3A_610 = tpu.memref_slice %arg6[%dma_wait3A_605, %dma_wait3A_606, %dma_wait3A_608, %dma_wait3A_609] : memref<4x8x50x32xf32, #tpu.memory_space<vmem>> -> memref<1x1x50x32xf32, #tpu.memory_space<vmem>>
      %dma_wait3A_611 = tpu.memref_squeeze %dma_wait3A_610 : memref<1x1x50x32xf32, #tpu.memory_space<vmem>> -> memref<50x32xf32, #tpu.memory_space<vmem>>
      %dma_wait3A_612 = arith.constant 0 : i32
      %dma_wait3A_613 = tpu.memref_slice %arg5[%add3A_604, %dma_wait3A_612] : memref<512x50xi32, #tpu.memory_space<vmem>> -> memref<1x50xi32, #tpu.memory_space<vmem>>
      %dma_wait3A_614 = tpu.memref_squeeze %dma_wait3A_613 : memref<1x50xi32, #tpu.memory_space<vmem>> -> memref<50xi32, #tpu.memory_space<vmem>>
      %dma_wait3A_615 = arith.constant 0 : i32
      %dma_wait3A_616 = arith.constant 0 : i32
      %dma_wait3A_617 = tpu.memref_slice %arg3[%dma_wait3A_615, %dma_wait3A_616] : memref<1000000x32xf32, #tpu.memory_space<hbm>> -> memref<1000000x32xf32, #tpu.memory_space<hbm>>
      %dma_wait3A_618 = tpu.memref_slice %arg7[%dma_wait3A_607] : memref<4x!tpu.dma_semaphore, #tpu.memory_space<semaphore_mem>> -> memref<1x!tpu.dma_semaphore, #tpu.memory_space<semaphore_mem>>
      %dma_wait3A_619 = tpu.memref_squeeze %dma_wait3A_618 : memref<1x!tpu.dma_semaphore, #tpu.memory_space<semaphore_mem>> -> memref<!tpu.dma_semaphore, #tpu.memory_space<semaphore_mem>>
      tpu.wait_indirect_dma semaphore(%dma_wait3A_619 : memref<!tpu.dma_semaphore, #tpu.memory_space<semaphore_mem>>) src(%dma_wait3A_617 : memref<1000000x32xf32, #tpu.memory_space<hbm>>) dst(%dma_wait3A_611 : memref<50x32xf32, #tpu.memory_space<vmem>>)
      %mul3A_620 = arith.constant 8 : i32
      %mul3A_621 = arith.muli %add3A_543, %mul3A_620 : i32
      %add3A_622 = arith.constant 4 : i32
      %add3A_623 = arith.addi %mul3A_621, %add3A_622 : i32
      %dma_wait3A_624 = arith.constant 1 : i32
      %dma_wait3A_625 = arith.constant 4 : i32
      %dma_wait3A_626 = arith.constant 1 : i32
      %dma_wait3A_627 = arith.constant 0 : i32
      %dma_wait3A_628 = arith.constant 0 : i32
      %dma_wait3A_629 = tpu.memref_slice %arg6[%dma_wait3A_624, %dma_wait3A_625, %dma_wait3A_627, %dma_wait3A_628] : memref<4x8x50x32xf32, #tpu.memory_space<vmem>> -> memref<1x1x50x32xf32, #tpu.memory_space<vmem>>
      %dma_wait3A_630 = tpu.memref_squeeze %dma_wait3A_629 : memref<1x1x50x32xf32, #tpu.memory_space<vmem>> -> memref<50x32xf32, #tpu.memory_space<vmem>>
      %dma_wait3A_631 = arith.constant 0 : i32
      %dma_wait3A_632 = tpu.memref_slice %arg5[%add3A_623, %dma_wait3A_631] : memref<512x50xi32, #tpu.memory_space<vmem>> -> memref<1x50xi32, #tpu.memory_space<vmem>>
      %dma_wait3A_633 = tpu.memref_squeeze %dma_wait3A_632 : memref<1x50xi32, #tpu.memory_space<vmem>> -> memref<50xi32, #tpu.memory_space<vmem>>
      %dma_wait3A_634 = arith.constant 0 : i32
      %dma_wait3A_635 = arith.constant 0 : i32
      %dma_wait3A_636 = tpu.memref_slice %arg3[%dma_wait3A_634, %dma_wait3A_635] : memref<1000000x32xf32, #tpu.memory_space<hbm>> -> memref<1000000x32xf32, #tpu.memory_space<hbm>>
      %dma_wait3A_637 = tpu.memref_slice %arg7[%dma_wait3A_626] : memref<4x!tpu.dma_semaphore, #tpu.memory_space<semaphore_mem>> -> memref<1x!tpu.dma_semaphore, #tpu.memory_space<semaphore_mem>>
      %dma_wait3A_638 = tpu.memref_squeeze %dma_wait3A_637 : memref<1x!tpu.dma_semaphore, #tpu.memory_space<semaphore_mem>> -> memref<!tpu.dma_semaphore, #tpu.memory_space<semaphore_mem>>
      tpu.wait_indirect_dma semaphore(%dma_wait3A_638 : memref<!tpu.dma_semaphore, #tpu.memory_space<semaphore_mem>>) src(%dma_wait3A_636 : memref<1000000x32xf32, #tpu.memory_space<hbm>>) dst(%dma_wait3A_630 : memref<50x32xf32, #tpu.memory_space<vmem>>)
      %mul3A_639 = arith.constant 8 : i32
      %mul3A_640 = arith.muli %add3A_543, %mul3A_639 : i32
      %add3A_641 = arith.constant 5 : i32
      %add3A_642 = arith.addi %mul3A_640, %add3A_641 : i32
      %dma_wait3A_643 = arith.constant 1 : i32
      %dma_wait3A_644 = arith.constant 5 : i32
      %dma_wait3A_645 = arith.constant 1 : i32
      %dma_wait3A_646 = arith.constant 0 : i32
      %dma_wait3A_647 = arith.constant 0 : i32
      %dma_wait3A_648 = tpu.memref_slice %arg6[%dma_wait3A_643, %dma_wait3A_644, %dma_wait3A_646, %dma_wait3A_647] : memref<4x8x50x32xf32, #tpu.memory_space<vmem>> -> memref<1x1x50x32xf32, #tpu.memory_space<vmem>>
      %dma_wait3A_649 = tpu.memref_squeeze %dma_wait3A_648 : memref<1x1x50x32xf32, #tpu.memory_space<vmem>> -> memref<50x32xf32, #tpu.memory_space<vmem>>
      %dma_wait3A_650 = arith.constant 0 : i32
      %dma_wait3A_651 = tpu.memref_slice %arg5[%add3A_642, %dma_wait3A_650] : memref<512x50xi32, #tpu.memory_space<vmem>> -> memref<1x50xi32, #tpu.memory_space<vmem>>
      %dma_wait3A_652 = tpu.memref_squeeze %dma_wait3A_651 : memref<1x50xi32, #tpu.memory_space<vmem>> -> memref<50xi32, #tpu.memory_space<vmem>>
      %dma_wait3A_653 = arith.constant 0 : i32
      %dma_wait3A_654 = arith.constant 0 : i32
      %dma_wait3A_655 = tpu.memref_slice %arg3[%dma_wait3A_653, %dma_wait3A_654] : memref<1000000x32xf32, #tpu.memory_space<hbm>> -> memref<1000000x32xf32, #tpu.memory_space<hbm>>
      %dma_wait3A_656 = tpu.memref_slice %arg7[%dma_wait3A_645] : memref<4x!tpu.dma_semaphore, #tpu.memory_space<semaphore_mem>> -> memref<1x!tpu.dma_semaphore, #tpu.memory_space<semaphore_mem>>
      %dma_wait3A_657 = tpu.memref_squeeze %dma_wait3A_656 : memref<1x!tpu.dma_semaphore, #tpu.memory_space<semaphore_mem>> -> memref<!tpu.dma_semaphore, #tpu.memory_space<semaphore_mem>>
      tpu.wait_indirect_dma semaphore(%dma_wait3A_657 : memref<!tpu.dma_semaphore, #tpu.memory_space<semaphore_mem>>) src(%dma_wait3A_655 : memref<1000000x32xf32, #tpu.memory_space<hbm>>) dst(%dma_wait3A_649 : memref<50x32xf32, #tpu.memory_space<vmem>>)
      %mul3A_658 = arith.constant 8 : i32
      %mul3A_659 = arith.muli %add3A_543, %mul3A_658 : i32
      %add3A_660 = arith.constant 6 : i32
      %add3A_661 = arith.addi %mul3A_659, %add3A_660 : i32
      %dma_wait3A_662 = arith.constant 1 : i32
      %dma_wait3A_663 = arith.constant 6 : i32
      %dma_wait3A_664 = arith.constant 1 : i32
      %dma_wait3A_665 = arith.constant 0 : i32
      %dma_wait3A_666 = arith.constant 0 : i32
      %dma_wait3A_667 = tpu.memref_slice %arg6[%dma_wait3A_662, %dma_wait3A_663, %dma_wait3A_665, %dma_wait3A_666] : memref<4x8x50x32xf32, #tpu.memory_space<vmem>> -> memref<1x1x50x32xf32, #tpu.memory_space<vmem>>
      %dma_wait3A_668 = tpu.memref_squeeze %dma_wait3A_667 : memref<1x1x50x32xf32, #tpu.memory_space<vmem>> -> memref<50x32xf32, #tpu.memory_space<vmem>>
      %dma_wait3A_669 = arith.constant 0 : i32
      %dma_wait3A_670 = tpu.memref_slice %arg5[%add3A_661, %dma_wait3A_669] : memref<512x50xi32, #tpu.memory_space<vmem>> -> memref<1x50xi32, #tpu.memory_space<vmem>>
      %dma_wait3A_671 = tpu.memref_squeeze %dma_wait3A_670 : memref<1x50xi32, #tpu.memory_space<vmem>> -> memref<50xi32, #tpu.memory_space<vmem>>
      %dma_wait3A_672 = arith.constant 0 : i32
      %dma_wait3A_673 = arith.constant 0 : i32
      %dma_wait3A_674 = tpu.memref_slice %arg3[%dma_wait3A_672, %dma_wait3A_673] : memref<1000000x32xf32, #tpu.memory_space<hbm>> -> memref<1000000x32xf32, #tpu.memory_space<hbm>>
      %dma_wait3A_675 = tpu.memref_slice %arg7[%dma_wait3A_664] : memref<4x!tpu.dma_semaphore, #tpu.memory_space<semaphore_mem>> -> memref<1x!tpu.dma_semaphore, #tpu.memory_space<semaphore_mem>>
      %dma_wait3A_676 = tpu.memref_squeeze %dma_wait3A_675 : memref<1x!tpu.dma_semaphore, #tpu.memory_space<semaphore_mem>> -> memref<!tpu.dma_semaphore, #tpu.memory_space<semaphore_mem>>
      tpu.wait_indirect_dma semaphore(%dma_wait3A_676 : memref<!tpu.dma_semaphore, #tpu.memory_space<semaphore_mem>>) src(%dma_wait3A_674 : memref<1000000x32xf32, #tpu.memory_space<hbm>>) dst(%dma_wait3A_668 : memref<50x32xf32, #tpu.memory_space<vmem>>)
      %mul3A_677 = arith.constant 8 : i32
      %mul3A_678 = arith.muli %add3A_543, %mul3A_677 : i32
      %add3A_679 = arith.constant 7 : i32
      %add3A_680 = arith.addi %mul3A_678, %add3A_679 : i32
      %dma_wait3A_681 = arith.constant 1 : i32
      %dma_wait3A_682 = arith.constant 7 : i32
      %dma_wait3A_683 = arith.constant 1 : i32
      %dma_wait3A_684 = arith.constant 0 : i32
      %dma_wait3A_685 = arith.constant 0 : i32
      %dma_wait3A_686 = tpu.memref_slice %arg6[%dma_wait3A_681, %dma_wait3A_682, %dma_wait3A_684, %dma_wait3A_685] : memref<4x8x50x32xf32, #tpu.memory_space<vmem>> -> memref<1x1x50x32xf32, #tpu.memory_space<vmem>>
      %dma_wait3A_687 = tpu.memref_squeeze %dma_wait3A_686 : memref<1x1x50x32xf32, #tpu.memory_space<vmem>> -> memref<50x32xf32, #tpu.memory_space<vmem>>
      %dma_wait3A_688 = arith.constant 0 : i32
      %dma_wait3A_689 = tpu.memref_slice %arg5[%add3A_680, %dma_wait3A_688] : memref<512x50xi32, #tpu.memory_space<vmem>> -> memref<1x50xi32, #tpu.memory_space<vmem>>
      %dma_wait3A_690 = tpu.memref_squeeze %dma_wait3A_689 : memref<1x50xi32, #tpu.memory_space<vmem>> -> memref<50xi32, #tpu.memory_space<vmem>>
      %dma_wait3A_691 = arith.constant 0 : i32
      %dma_wait3A_692 = arith.constant 0 : i32
      %dma_wait3A_693 = tpu.memref_slice %arg3[%dma_wait3A_691, %dma_wait3A_692] : memref<1000000x32xf32, #tpu.memory_space<hbm>> -> memref<1000000x32xf32, #tpu.memory_space<hbm>>
      %dma_wait3A_694 = tpu.memref_slice %arg7[%dma_wait3A_683] : memref<4x!tpu.dma_semaphore, #tpu.memory_space<semaphore_mem>> -> memref<1x!tpu.dma_semaphore, #tpu.memory_space<semaphore_mem>>
      %dma_wait3A_695 = tpu.memref_squeeze %dma_wait3A_694 : memref<1x!tpu.dma_semaphore, #tpu.memory_space<semaphore_mem>> -> memref<!tpu.dma_semaphore, #tpu.memory_space<semaphore_mem>>
      tpu.wait_indirect_dma semaphore(%dma_wait3A_695 : memref<!tpu.dma_semaphore, #tpu.memory_space<semaphore_mem>>) src(%dma_wait3A_693 : memref<1000000x32xf32, #tpu.memory_space<hbm>>) dst(%dma_wait3A_687 : memref<50x32xf32, #tpu.memory_space<vmem>>)
      %mul3A_696 = arith.constant 8 : i32
      %mul3A_697 = arith.muli %add3A_543, %mul3A_696 : i32
      %add3A_698 = arith.addi %mul3A_2, %mul3A_697 : i32
      %dma_start3A_699 = arith.constant 1 : i32
      %dma_start3A_700 = arith.constant 1 : i32
      %dma_start3A_701 = arith.constant 0 : i32
      %dma_start3A_702 = arith.constant 0 : i32
      %dma_start3A_703 = arith.constant 0 : i32
      %dma_start3A_704 = tpu.memref_slice %arg6[%dma_start3A_699, %dma_start3A_701, %dma_start3A_702, %dma_start3A_703] : memref<4x8x50x32xf32, #tpu.memory_space<vmem>> -> memref<1x8x50x32xf32, #tpu.memory_space<vmem>>
      %dma_start3A_705 = tpu.memref_squeeze %dma_start3A_704 : memref<1x8x50x32xf32, #tpu.memory_space<vmem>> -> memref<8x50x32xf32, #tpu.memory_space<vmem>>
      %dma_start3A_706 = arith.constant 0 : i32
      %dma_start3A_707 = arith.constant 0 : i32
      %dma_start3A_708 = tpu.memref_slice %arg4[%add3A_698, %dma_start3A_706, %dma_start3A_707] : memref<16384x56x128xf32, #tpu.memory_space<hbm>> -> memref<8x50x32xf32, #tpu.memory_space<hbm>>
      %dma_start3A_709 = tpu.memref_slice %arg8[%dma_start3A_700] : memref<4x!tpu.dma_semaphore, #tpu.memory_space<semaphore_mem>> -> memref<1x!tpu.dma_semaphore, #tpu.memory_space<semaphore_mem>>
      %dma_start3A_710 = tpu.memref_squeeze %dma_start3A_709 : memref<1x!tpu.dma_semaphore, #tpu.memory_space<semaphore_mem>> -> memref<!tpu.dma_semaphore, #tpu.memory_space<semaphore_mem>>
      %dma_start3A_711 = arith.constant 0 : i32
      %dma_start3A_712 = arith.constant 0 : i32
      %dma_start3A_713 = tpu.memref_slice %arg4[%add3A_698, %dma_start3A_711, %dma_start3A_712] : memref<16384x56x128xf32, #tpu.memory_space<hbm>> -> memref<8x50x32xf32, #tpu.memory_space<hbm>>
      %dma_start3A_714 = arith.constant 0 : i32
      %dma_start3A_715 = arith.constant 0 : i32
      %dma_start3A_716 = arith.constant 0 : i32
      %dma_start3A_717 = tpu.memref_slice %arg6[%dma_start3A_699, %dma_start3A_714, %dma_start3A_715, %dma_start3A_716] : memref<4x8x50x32xf32, #tpu.memory_space<vmem>> -> memref<1x8x50x32xf32, #tpu.memory_space<vmem>>
      %dma_start3A_718 = tpu.memref_squeeze %dma_start3A_717 : memref<1x8x50x32xf32, #tpu.memory_space<vmem>> -> memref<8x50x32xf32, #tpu.memory_space<vmem>>
      tpu.enqueue_dma source(%dma_start3A_718 : memref<8x50x32xf32, #tpu.memory_space<vmem>>) target(%dma_start3A_713 : memref<8x50x32xf32, #tpu.memory_space<hbm>>) target_semaphore(%dma_start3A_710 : memref<!tpu.dma_semaphore, #tpu.memory_space<semaphore_mem>>)
      %add3A_719 = arith.constant 2 : i32
      %add3A_720 = arith.addi %add3A_543, %add3A_719 : i32
      %ge3A_721 = arith.constant 4 : i32
      %ge3A_722 = arith.cmpi sge, %add3A_720, %ge3A_721 : i32
      %lt3A_723 = arith.constant 64 : i32
      %lt3A_724 = arith.cmpi slt, %add3A_720, %lt3A_723 : i32
      %and3A_725 = arith.andi %ge3A_722, %lt3A_724 : i1
      %convert_element_type3A_726 = arith.extui %and3A_725 : i1 to i32
      %cond3A_727 = arith.constant 0 : i32
      %cond3A_728 = arith.cmpi ne, %convert_element_type3A_726, %cond3A_727 : i32
      scf.if %cond3A_728 {
        %sub3A = arith.constant 4 : i32
        %sub3A_1122 = arith.subi %add3A_720, %sub3A : i32
        %mul3A_1123 = arith.constant 8 : i32
        %mul3A_1124 = arith.muli %sub3A_1122, %mul3A_1123 : i32
        %add3A_1125 = arith.addi %mul3A_2, %mul3A_1124 : i32
        %dma_wait3A_1126 = arith.constant 3 : i32
        %dma_wait3A_1127 = arith.constant 3 : i32
        %dma_wait3A_1128 = arith.constant 0 : i32
        %dma_wait3A_1129 = arith.constant 0 : i32
        %dma_wait3A_1130 = arith.constant 0 : i32
        %dma_wait3A_1131 = tpu.memref_slice %arg6[%dma_wait3A_1126, %dma_wait3A_1128, %dma_wait3A_1129, %dma_wait3A_1130] : memref<4x8x50x32xf32, #tpu.memory_space<vmem>> -> memref<1x8x50x32xf32, #tpu.memory_space<vmem>>
        %dma_wait3A_1132 = tpu.memref_squeeze %dma_wait3A_1131 : memref<1x8x50x32xf32, #tpu.memory_space<vmem>> -> memref<8x50x32xf32, #tpu.memory_space<vmem>>
        %dma_wait3A_1133 = arith.constant 0 : i32
        %dma_wait3A_1134 = arith.constant 0 : i32
        %dma_wait3A_1135 = tpu.memref_slice %arg4[%add3A_1125, %dma_wait3A_1133, %dma_wait3A_1134] : memref<16384x56x128xf32, #tpu.memory_space<hbm>> -> memref<8x50x32xf32, #tpu.memory_space<hbm>>
        %dma_wait3A_1136 = tpu.memref_slice %arg8[%dma_wait3A_1127] : memref<4x!tpu.dma_semaphore, #tpu.memory_space<semaphore_mem>> -> memref<1x!tpu.dma_semaphore, #tpu.memory_space<semaphore_mem>>
        %dma_wait3A_1137 = tpu.memref_squeeze %dma_wait3A_1136 : memref<1x!tpu.dma_semaphore, #tpu.memory_space<semaphore_mem>> -> memref<!tpu.dma_semaphore, #tpu.memory_space<semaphore_mem>>
        %dma_wait3A_1138 = arith.constant 0 : i32
        %dma_wait3A_1139 = arith.constant 0 : i32
        %dma_wait3A_1140 = tpu.memref_slice %arg4[%add3A_1125, %dma_wait3A_1138, %dma_wait3A_1139] : memref<16384x56x128xf32, #tpu.memory_space<hbm>> -> memref<8x50x32xf32, #tpu.memory_space<hbm>>
        %dma_wait3A_1141 = arith.constant 0 : i32
        %dma_wait3A_1142 = arith.constant 0 : i32
        %dma_wait3A_1143 = arith.constant 0 : i32
        %dma_wait3A_1144 = tpu.memref_slice %arg6[%dma_wait3A_1126, %dma_wait3A_1141, %dma_wait3A_1142, %dma_wait3A_1143] : memref<4x8x50x32xf32, #tpu.memory_space<vmem>> -> memref<1x8x50x32xf32, #tpu.memory_space<vmem>>
        %dma_wait3A_1145 = tpu.memref_squeeze %dma_wait3A_1144 : memref<1x8x50x32xf32, #tpu.memory_space<vmem>> -> memref<8x50x32xf32, #tpu.memory_space<vmem>>
        tpu.wait_dma2 semaphore(%dma_wait3A_1137 : memref<!tpu.dma_semaphore, #tpu.memory_space<semaphore_mem>>) src(%dma_wait3A_1145 : memref<8x50x32xf32, #tpu.memory_space<vmem>>) dst(%dma_wait3A_1140 : memref<8x50x32xf32, #tpu.memory_space<hbm>>)
      } else {
      }
      %lt3A_729 = arith.constant 64 : i32
      %lt3A_730 = arith.cmpi slt, %add3A_720, %lt3A_729 : i32
      %convert_element_type3A_731 = arith.extui %lt3A_730 : i1 to i32
      %cond3A_732 = arith.constant 0 : i32
      %cond3A_733 = arith.cmpi ne, %convert_element_type3A_731, %cond3A_732 : i32
      scf.if %cond3A_733 {
        %mul3A_1122 = arith.constant 8 : i32
        %mul3A_1123 = arith.muli %add3A_720, %mul3A_1122 : i32
        %add3A_1124 = arith.constant 0 : i32
        %add3A_1125 = arith.addi %mul3A_1123, %add3A_1124 : i32
        %dma_start3A_1126 = arith.constant 3 : i32
        %dma_start3A_1127 = arith.constant 0 : i32
        %dma_start3A_1128 = arith.constant 3 : i32
        %dma_start3A_1129 = arith.constant 0 : i32
        %dma_start3A_1130 = arith.constant 0 : i32
        %dma_start3A_1131 = tpu.memref_slice %arg6[%dma_start3A_1126, %dma_start3A_1127, %dma_start3A_1129, %dma_start3A_1130] : memref<4x8x50x32xf32, #tpu.memory_space<vmem>> -> memref<1x1x50x32xf32, #tpu.memory_space<vmem>>
        %dma_start3A_1132 = tpu.memref_squeeze %dma_start3A_1131 : memref<1x1x50x32xf32, #tpu.memory_space<vmem>> -> memref<50x32xf32, #tpu.memory_space<vmem>>
        %dma_start3A_1133 = arith.constant 0 : i32
        %dma_start3A_1134 = tpu.memref_slice %arg5[%add3A_1125, %dma_start3A_1133] : memref<512x50xi32, #tpu.memory_space<vmem>> -> memref<1x50xi32, #tpu.memory_space<vmem>>
        %dma_start3A_1135 = tpu.memref_squeeze %dma_start3A_1134 : memref<1x50xi32, #tpu.memory_space<vmem>> -> memref<50xi32, #tpu.memory_space<vmem>>
        %dma_start3A_1136 = arith.constant 0 : i32
        %dma_start3A_1137 = arith.constant 0 : i32
        %dma_start3A_1138 = tpu.memref_slice %arg3[%dma_start3A_1136, %dma_start3A_1137] : memref<1000000x32xf32, #tpu.memory_space<hbm>> -> memref<1000000x32xf32, #tpu.memory_space<hbm>>
        %dma_start3A_1139 = tpu.memref_slice %arg7[%dma_start3A_1128] : memref<4x!tpu.dma_semaphore, #tpu.memory_space<semaphore_mem>> -> memref<1x!tpu.dma_semaphore, #tpu.memory_space<semaphore_mem>>
        %dma_start3A_1140 = tpu.memref_squeeze %dma_start3A_1139 : memref<1x!tpu.dma_semaphore, #tpu.memory_space<semaphore_mem>> -> memref<!tpu.dma_semaphore, #tpu.memory_space<semaphore_mem>>
        tpu.enqueue_indirect_dma source(%dma_start3A_1138 : memref<1000000x32xf32, #tpu.memory_space<hbm>>) target(%dma_start3A_1132 : memref<50x32xf32, #tpu.memory_space<vmem>>) offsets(%dma_start3A_1135 : memref<50xi32, #tpu.memory_space<vmem>>) semaphore(%dma_start3A_1140 : memref<!tpu.dma_semaphore, #tpu.memory_space<semaphore_mem>>)
        %mul3A_1141 = arith.constant 8 : i32
        %mul3A_1142 = arith.muli %add3A_720, %mul3A_1141 : i32
        %add3A_1143 = arith.constant 1 : i32
        %add3A_1144 = arith.addi %mul3A_1142, %add3A_1143 : i32
        %dma_start3A_1145 = arith.constant 3 : i32
        %dma_start3A_1146 = arith.constant 1 : i32
        %dma_start3A_1147 = arith.constant 3 : i32
        %dma_start3A_1148 = arith.constant 0 : i32
        %dma_start3A_1149 = arith.constant 0 : i32
        %dma_start3A_1150 = tpu.memref_slice %arg6[%dma_start3A_1145, %dma_start3A_1146, %dma_start3A_1148, %dma_start3A_1149] : memref<4x8x50x32xf32, #tpu.memory_space<vmem>> -> memref<1x1x50x32xf32, #tpu.memory_space<vmem>>
        %dma_start3A_1151 = tpu.memref_squeeze %dma_start3A_1150 : memref<1x1x50x32xf32, #tpu.memory_space<vmem>> -> memref<50x32xf32, #tpu.memory_space<vmem>>
        %dma_start3A_1152 = arith.constant 0 : i32
        %dma_start3A_1153 = tpu.memref_slice %arg5[%add3A_1144, %dma_start3A_1152] : memref<512x50xi32, #tpu.memory_space<vmem>> -> memref<1x50xi32, #tpu.memory_space<vmem>>
        %dma_start3A_1154 = tpu.memref_squeeze %dma_start3A_1153 : memref<1x50xi32, #tpu.memory_space<vmem>> -> memref<50xi32, #tpu.memory_space<vmem>>
        %dma_start3A_1155 = arith.constant 0 : i32
        %dma_start3A_1156 = arith.constant 0 : i32
        %dma_start3A_1157 = tpu.memref_slice %arg3[%dma_start3A_1155, %dma_start3A_1156] : memref<1000000x32xf32, #tpu.memory_space<hbm>> -> memref<1000000x32xf32, #tpu.memory_space<hbm>>
        %dma_start3A_1158 = tpu.memref_slice %arg7[%dma_start3A_1147] : memref<4x!tpu.dma_semaphore, #tpu.memory_space<semaphore_mem>> -> memref<1x!tpu.dma_semaphore, #tpu.memory_space<semaphore_mem>>
        %dma_start3A_1159 = tpu.memref_squeeze %dma_start3A_1158 : memref<1x!tpu.dma_semaphore, #tpu.memory_space<semaphore_mem>> -> memref<!tpu.dma_semaphore, #tpu.memory_space<semaphore_mem>>
        tpu.enqueue_indirect_dma source(%dma_start3A_1157 : memref<1000000x32xf32, #tpu.memory_space<hbm>>) target(%dma_start3A_1151 : memref<50x32xf32, #tpu.memory_space<vmem>>) offsets(%dma_start3A_1154 : memref<50xi32, #tpu.memory_space<vmem>>) semaphore(%dma_start3A_1159 : memref<!tpu.dma_semaphore, #tpu.memory_space<semaphore_mem>>)
        %mul3A_1160 = arith.constant 8 : i32
        %mul3A_1161 = arith.muli %add3A_720, %mul3A_1160 : i32
        %add3A_1162 = arith.constant 2 : i32
        %add3A_1163 = arith.addi %mul3A_1161, %add3A_1162 : i32
        %dma_start3A_1164 = arith.constant 3 : i32
        %dma_start3A_1165 = arith.constant 2 : i32
        %dma_start3A_1166 = arith.constant 3 : i32
        %dma_start3A_1167 = arith.constant 0 : i32
        %dma_start3A_1168 = arith.constant 0 : i32
        %dma_start3A_1169 = tpu.memref_slice %arg6[%dma_start3A_1164, %dma_start3A_1165, %dma_start3A_1167, %dma_start3A_1168] : memref<4x8x50x32xf32, #tpu.memory_space<vmem>> -> memref<1x1x50x32xf32, #tpu.memory_space<vmem>>
        %dma_start3A_1170 = tpu.memref_squeeze %dma_start3A_1169 : memref<1x1x50x32xf32, #tpu.memory_space<vmem>> -> memref<50x32xf32, #tpu.memory_space<vmem>>
        %dma_start3A_1171 = arith.constant 0 : i32
        %dma_start3A_1172 = tpu.memref_slice %arg5[%add3A_1163, %dma_start3A_1171] : memref<512x50xi32, #tpu.memory_space<vmem>> -> memref<1x50xi32, #tpu.memory_space<vmem>>
        %dma_start3A_1173 = tpu.memref_squeeze %dma_start3A_1172 : memref<1x50xi32, #tpu.memory_space<vmem>> -> memref<50xi32, #tpu.memory_space<vmem>>
        %dma_start3A_1174 = arith.constant 0 : i32
        %dma_start3A_1175 = arith.constant 0 : i32
        %dma_start3A_1176 = tpu.memref_slice %arg3[%dma_start3A_1174, %dma_start3A_1175] : memref<1000000x32xf32, #tpu.memory_space<hbm>> -> memref<1000000x32xf32, #tpu.memory_space<hbm>>
        %dma_start3A_1177 = tpu.memref_slice %arg7[%dma_start3A_1166] : memref<4x!tpu.dma_semaphore, #tpu.memory_space<semaphore_mem>> -> memref<1x!tpu.dma_semaphore, #tpu.memory_space<semaphore_mem>>
        %dma_start3A_1178 = tpu.memref_squeeze %dma_start3A_1177 : memref<1x!tpu.dma_semaphore, #tpu.memory_space<semaphore_mem>> -> memref<!tpu.dma_semaphore, #tpu.memory_space<semaphore_mem>>
        tpu.enqueue_indirect_dma source(%dma_start3A_1176 : memref<1000000x32xf32, #tpu.memory_space<hbm>>) target(%dma_start3A_1170 : memref<50x32xf32, #tpu.memory_space<vmem>>) offsets(%dma_start3A_1173 : memref<50xi32, #tpu.memory_space<vmem>>) semaphore(%dma_start3A_1178 : memref<!tpu.dma_semaphore, #tpu.memory_space<semaphore_mem>>)
        %mul3A_1179 = arith.constant 8 : i32
        %mul3A_1180 = arith.muli %add3A_720, %mul3A_1179 : i32
        %add3A_1181 = arith.constant 3 : i32
        %add3A_1182 = arith.addi %mul3A_1180, %add3A_1181 : i32
        %dma_start3A_1183 = arith.constant 3 : i32
        %dma_start3A_1184 = arith.constant 3 : i32
        %dma_start3A_1185 = arith.constant 3 : i32
        %dma_start3A_1186 = arith.constant 0 : i32
        %dma_start3A_1187 = arith.constant 0 : i32
        %dma_start3A_1188 = tpu.memref_slice %arg6[%dma_start3A_1183, %dma_start3A_1184, %dma_start3A_1186, %dma_start3A_1187] : memref<4x8x50x32xf32, #tpu.memory_space<vmem>> -> memref<1x1x50x32xf32, #tpu.memory_space<vmem>>
        %dma_start3A_1189 = tpu.memref_squeeze %dma_start3A_1188 : memref<1x1x50x32xf32, #tpu.memory_space<vmem>> -> memref<50x32xf32, #tpu.memory_space<vmem>>
        %dma_start3A_1190 = arith.constant 0 : i32
        %dma_start3A_1191 = tpu.memref_slice %arg5[%add3A_1182, %dma_start3A_1190] : memref<512x50xi32, #tpu.memory_space<vmem>> -> memref<1x50xi32, #tpu.memory_space<vmem>>
        %dma_start3A_1192 = tpu.memref_squeeze %dma_start3A_1191 : memref<1x50xi32, #tpu.memory_space<vmem>> -> memref<50xi32, #tpu.memory_space<vmem>>
        %dma_start3A_1193 = arith.constant 0 : i32
        %dma_start3A_1194 = arith.constant 0 : i32
        %dma_start3A_1195 = tpu.memref_slice %arg3[%dma_start3A_1193, %dma_start3A_1194] : memref<1000000x32xf32, #tpu.memory_space<hbm>> -> memref<1000000x32xf32, #tpu.memory_space<hbm>>
        %dma_start3A_1196 = tpu.memref_slice %arg7[%dma_start3A_1185] : memref<4x!tpu.dma_semaphore, #tpu.memory_space<semaphore_mem>> -> memref<1x!tpu.dma_semaphore, #tpu.memory_space<semaphore_mem>>
        %dma_start3A_1197 = tpu.memref_squeeze %dma_start3A_1196 : memref<1x!tpu.dma_semaphore, #tpu.memory_space<semaphore_mem>> -> memref<!tpu.dma_semaphore, #tpu.memory_space<semaphore_mem>>
        tpu.enqueue_indirect_dma source(%dma_start3A_1195 : memref<1000000x32xf32, #tpu.memory_space<hbm>>) target(%dma_start3A_1189 : memref<50x32xf32, #tpu.memory_space<vmem>>) offsets(%dma_start3A_1192 : memref<50xi32, #tpu.memory_space<vmem>>) semaphore(%dma_start3A_1197 : memref<!tpu.dma_semaphore, #tpu.memory_space<semaphore_mem>>)
        %mul3A_1198 = arith.constant 8 : i32
        %mul3A_1199 = arith.muli %add3A_720, %mul3A_1198 : i32
        %add3A_1200 = arith.constant 4 : i32
        %add3A_1201 = arith.addi %mul3A_1199, %add3A_1200 : i32
        %dma_start3A_1202 = arith.constant 3 : i32
        %dma_start3A_1203 = arith.constant 4 : i32
        %dma_start3A_1204 = arith.constant 3 : i32
        %dma_start3A_1205 = arith.constant 0 : i32
        %dma_start3A_1206 = arith.constant 0 : i32
        %dma_start3A_1207 = tpu.memref_slice %arg6[%dma_start3A_1202, %dma_start3A_1203, %dma_start3A_1205, %dma_start3A_1206] : memref<4x8x50x32xf32, #tpu.memory_space<vmem>> -> memref<1x1x50x32xf32, #tpu.memory_space<vmem>>
        %dma_start3A_1208 = tpu.memref_squeeze %dma_start3A_1207 : memref<1x1x50x32xf32, #tpu.memory_space<vmem>> -> memref<50x32xf32, #tpu.memory_space<vmem>>
        %dma_start3A_1209 = arith.constant 0 : i32
        %dma_start3A_1210 = tpu.memref_slice %arg5[%add3A_1201, %dma_start3A_1209] : memref<512x50xi32, #tpu.memory_space<vmem>> -> memref<1x50xi32, #tpu.memory_space<vmem>>
        %dma_start3A_1211 = tpu.memref_squeeze %dma_start3A_1210 : memref<1x50xi32, #tpu.memory_space<vmem>> -> memref<50xi32, #tpu.memory_space<vmem>>
        %dma_start3A_1212 = arith.constant 0 : i32
        %dma_start3A_1213 = arith.constant 0 : i32
        %dma_start3A_1214 = tpu.memref_slice %arg3[%dma_start3A_1212, %dma_start3A_1213] : memref<1000000x32xf32, #tpu.memory_space<hbm>> -> memref<1000000x32xf32, #tpu.memory_space<hbm>>
        %dma_start3A_1215 = tpu.memref_slice %arg7[%dma_start3A_1204] : memref<4x!tpu.dma_semaphore, #tpu.memory_space<semaphore_mem>> -> memref<1x!tpu.dma_semaphore, #tpu.memory_space<semaphore_mem>>
        %dma_start3A_1216 = tpu.memref_squeeze %dma_start3A_1215 : memref<1x!tpu.dma_semaphore, #tpu.memory_space<semaphore_mem>> -> memref<!tpu.dma_semaphore, #tpu.memory_space<semaphore_mem>>
        tpu.enqueue_indirect_dma source(%dma_start3A_1214 : memref<1000000x32xf32, #tpu.memory_space<hbm>>) target(%dma_start3A_1208 : memref<50x32xf32, #tpu.memory_space<vmem>>) offsets(%dma_start3A_1211 : memref<50xi32, #tpu.memory_space<vmem>>) semaphore(%dma_start3A_1216 : memref<!tpu.dma_semaphore, #tpu.memory_space<semaphore_mem>>)
        %mul3A_1217 = arith.constant 8 : i32
        %mul3A_1218 = arith.muli %add3A_720, %mul3A_1217 : i32
        %add3A_1219 = arith.constant 5 : i32
        %add3A_1220 = arith.addi %mul3A_1218, %add3A_1219 : i32
        %dma_start3A_1221 = arith.constant 3 : i32
        %dma_start3A_1222 = arith.constant 5 : i32
        %dma_start3A_1223 = arith.constant 3 : i32
        %dma_start3A_1224 = arith.constant 0 : i32
        %dma_start3A_1225 = arith.constant 0 : i32
        %dma_start3A_1226 = tpu.memref_slice %arg6[%dma_start3A_1221, %dma_start3A_1222, %dma_start3A_1224, %dma_start3A_1225] : memref<4x8x50x32xf32, #tpu.memory_space<vmem>> -> memref<1x1x50x32xf32, #tpu.memory_space<vmem>>
        %dma_start3A_1227 = tpu.memref_squeeze %dma_start3A_1226 : memref<1x1x50x32xf32, #tpu.memory_space<vmem>> -> memref<50x32xf32, #tpu.memory_space<vmem>>
        %dma_start3A_1228 = arith.constant 0 : i32
        %dma_start3A_1229 = tpu.memref_slice %arg5[%add3A_1220, %dma_start3A_1228] : memref<512x50xi32, #tpu.memory_space<vmem>> -> memref<1x50xi32, #tpu.memory_space<vmem>>
        %dma_start3A_1230 = tpu.memref_squeeze %dma_start3A_1229 : memref<1x50xi32, #tpu.memory_space<vmem>> -> memref<50xi32, #tpu.memory_space<vmem>>
        %dma_start3A_1231 = arith.constant 0 : i32
        %dma_start3A_1232 = arith.constant 0 : i32
        %dma_start3A_1233 = tpu.memref_slice %arg3[%dma_start3A_1231, %dma_start3A_1232] : memref<1000000x32xf32, #tpu.memory_space<hbm>> -> memref<1000000x32xf32, #tpu.memory_space<hbm>>
        %dma_start3A_1234 = tpu.memref_slice %arg7[%dma_start3A_1223] : memref<4x!tpu.dma_semaphore, #tpu.memory_space<semaphore_mem>> -> memref<1x!tpu.dma_semaphore, #tpu.memory_space<semaphore_mem>>
        %dma_start3A_1235 = tpu.memref_squeeze %dma_start3A_1234 : memref<1x!tpu.dma_semaphore, #tpu.memory_space<semaphore_mem>> -> memref<!tpu.dma_semaphore, #tpu.memory_space<semaphore_mem>>
        tpu.enqueue_indirect_dma source(%dma_start3A_1233 : memref<1000000x32xf32, #tpu.memory_space<hbm>>) target(%dma_start3A_1227 : memref<50x32xf32, #tpu.memory_space<vmem>>) offsets(%dma_start3A_1230 : memref<50xi32, #tpu.memory_space<vmem>>) semaphore(%dma_start3A_1235 : memref<!tpu.dma_semaphore, #tpu.memory_space<semaphore_mem>>)
        %mul3A_1236 = arith.constant 8 : i32
        %mul3A_1237 = arith.muli %add3A_720, %mul3A_1236 : i32
        %add3A_1238 = arith.constant 6 : i32
        %add3A_1239 = arith.addi %mul3A_1237, %add3A_1238 : i32
        %dma_start3A_1240 = arith.constant 3 : i32
        %dma_start3A_1241 = arith.constant 6 : i32
        %dma_start3A_1242 = arith.constant 3 : i32
        %dma_start3A_1243 = arith.constant 0 : i32
        %dma_start3A_1244 = arith.constant 0 : i32
        %dma_start3A_1245 = tpu.memref_slice %arg6[%dma_start3A_1240, %dma_start3A_1241, %dma_start3A_1243, %dma_start3A_1244] : memref<4x8x50x32xf32, #tpu.memory_space<vmem>> -> memref<1x1x50x32xf32, #tpu.memory_space<vmem>>
        %dma_start3A_1246 = tpu.memref_squeeze %dma_start3A_1245 : memref<1x1x50x32xf32, #tpu.memory_space<vmem>> -> memref<50x32xf32, #tpu.memory_space<vmem>>
        %dma_start3A_1247 = arith.constant 0 : i32
        %dma_start3A_1248 = tpu.memref_slice %arg5[%add3A_1239, %dma_start3A_1247] : memref<512x50xi32, #tpu.memory_space<vmem>> -> memref<1x50xi32, #tpu.memory_space<vmem>>
        %dma_start3A_1249 = tpu.memref_squeeze %dma_start3A_1248 : memref<1x50xi32, #tpu.memory_space<vmem>> -> memref<50xi32, #tpu.memory_space<vmem>>
        %dma_start3A_1250 = arith.constant 0 : i32
        %dma_start3A_1251 = arith.constant 0 : i32
        %dma_start3A_1252 = tpu.memref_slice %arg3[%dma_start3A_1250, %dma_start3A_1251] : memref<1000000x32xf32, #tpu.memory_space<hbm>> -> memref<1000000x32xf32, #tpu.memory_space<hbm>>
        %dma_start3A_1253 = tpu.memref_slice %arg7[%dma_start3A_1242] : memref<4x!tpu.dma_semaphore, #tpu.memory_space<semaphore_mem>> -> memref<1x!tpu.dma_semaphore, #tpu.memory_space<semaphore_mem>>
        %dma_start3A_1254 = tpu.memref_squeeze %dma_start3A_1253 : memref<1x!tpu.dma_semaphore, #tpu.memory_space<semaphore_mem>> -> memref<!tpu.dma_semaphore, #tpu.memory_space<semaphore_mem>>
        tpu.enqueue_indirect_dma source(%dma_start3A_1252 : memref<1000000x32xf32, #tpu.memory_space<hbm>>) target(%dma_start3A_1246 : memref<50x32xf32, #tpu.memory_space<vmem>>) offsets(%dma_start3A_1249 : memref<50xi32, #tpu.memory_space<vmem>>) semaphore(%dma_start3A_1254 : memref<!tpu.dma_semaphore, #tpu.memory_space<semaphore_mem>>)
        %mul3A_1255 = arith.constant 8 : i32
        %mul3A_1256 = arith.muli %add3A_720, %mul3A_1255 : i32
        %add3A_1257 = arith.constant 7 : i32
        %add3A_1258 = arith.addi %mul3A_1256, %add3A_1257 : i32
        %dma_start3A_1259 = arith.constant 3 : i32
        %dma_start3A_1260 = arith.constant 7 : i32
        %dma_start3A_1261 = arith.constant 3 : i32
        %dma_start3A_1262 = arith.constant 0 : i32
        %dma_start3A_1263 = arith.constant 0 : i32
        %dma_start3A_1264 = tpu.memref_slice %arg6[%dma_start3A_1259, %dma_start3A_1260, %dma_start3A_1262, %dma_start3A_1263] : memref<4x8x50x32xf32, #tpu.memory_space<vmem>> -> memref<1x1x50x32xf32, #tpu.memory_space<vmem>>
        %dma_start3A_1265 = tpu.memref_squeeze %dma_start3A_1264 : memref<1x1x50x32xf32, #tpu.memory_space<vmem>> -> memref<50x32xf32, #tpu.memory_space<vmem>>
        %dma_start3A_1266 = arith.constant 0 : i32
        %dma_start3A_1267 = tpu.memref_slice %arg5[%add3A_1258, %dma_start3A_1266] : memref<512x50xi32, #tpu.memory_space<vmem>> -> memref<1x50xi32, #tpu.memory_space<vmem>>
        %dma_start3A_1268 = tpu.memref_squeeze %dma_start3A_1267 : memref<1x50xi32, #tpu.memory_space<vmem>> -> memref<50xi32, #tpu.memory_space<vmem>>
        %dma_start3A_1269 = arith.constant 0 : i32
        %dma_start3A_1270 = arith.constant 0 : i32
        %dma_start3A_1271 = tpu.memref_slice %arg3[%dma_start3A_1269, %dma_start3A_1270] : memref<1000000x32xf32, #tpu.memory_space<hbm>> -> memref<1000000x32xf32, #tpu.memory_space<hbm>>
        %dma_start3A_1272 = tpu.memref_slice %arg7[%dma_start3A_1261] : memref<4x!tpu.dma_semaphore, #tpu.memory_space<semaphore_mem>> -> memref<1x!tpu.dma_semaphore, #tpu.memory_space<semaphore_mem>>
        %dma_start3A_1273 = tpu.memref_squeeze %dma_start3A_1272 : memref<1x!tpu.dma_semaphore, #tpu.memory_space<semaphore_mem>> -> memref<!tpu.dma_semaphore, #tpu.memory_space<semaphore_mem>>
        tpu.enqueue_indirect_dma source(%dma_start3A_1271 : memref<1000000x32xf32, #tpu.memory_space<hbm>>) target(%dma_start3A_1265 : memref<50x32xf32, #tpu.memory_space<vmem>>) offsets(%dma_start3A_1268 : memref<50xi32, #tpu.memory_space<vmem>>) semaphore(%dma_start3A_1273 : memref<!tpu.dma_semaphore, #tpu.memory_space<semaphore_mem>>)
      } else {
      }
      %mul3A_734 = arith.constant 4 : i32
      %mul3A_735 = arith.muli %scan3A_350, %mul3A_734 : i32
      %add3A_736 = arith.constant 2 : i32
      %add3A_737 = arith.addi %mul3A_735, %add3A_736 : i32
      %mul3A_738 = arith.constant 8 : i32
      %mul3A_739 = arith.muli %add3A_737, %mul3A_738 : i32
      %add3A_740 = arith.constant 0 : i32
      %add3A_741 = arith.addi %mul3A_739, %add3A_740 : i32
      %dma_wait3A_742 = arith.constant 2 : i32
      %dma_wait3A_743 = arith.constant 0 : i32
      %dma_wait3A_744 = arith.constant 2 : i32
      %dma_wait3A_745 = arith.constant 0 : i32
      %dma_wait3A_746 = arith.constant 0 : i32
      %dma_wait3A_747 = tpu.memref_slice %arg6[%dma_wait3A_742, %dma_wait3A_743, %dma_wait3A_745, %dma_wait3A_746] : memref<4x8x50x32xf32, #tpu.memory_space<vmem>> -> memref<1x1x50x32xf32, #tpu.memory_space<vmem>>
      %dma_wait3A_748 = tpu.memref_squeeze %dma_wait3A_747 : memref<1x1x50x32xf32, #tpu.memory_space<vmem>> -> memref<50x32xf32, #tpu.memory_space<vmem>>
      %dma_wait3A_749 = arith.constant 0 : i32
      %dma_wait3A_750 = tpu.memref_slice %arg5[%add3A_741, %dma_wait3A_749] : memref<512x50xi32, #tpu.memory_space<vmem>> -> memref<1x50xi32, #tpu.memory_space<vmem>>
      %dma_wait3A_751 = tpu.memref_squeeze %dma_wait3A_750 : memref<1x50xi32, #tpu.memory_space<vmem>> -> memref<50xi32, #tpu.memory_space<vmem>>
      %dma_wait3A_752 = arith.constant 0 : i32
      %dma_wait3A_753 = arith.constant 0 : i32
      %dma_wait3A_754 = tpu.memref_slice %arg3[%dma_wait3A_752, %dma_wait3A_753] : memref<1000000x32xf32, #tpu.memory_space<hbm>> -> memref<1000000x32xf32, #tpu.memory_space<hbm>>
      %dma_wait3A_755 = tpu.memref_slice %arg7[%dma_wait3A_744] : memref<4x!tpu.dma_semaphore, #tpu.memory_space<semaphore_mem>> -> memref<1x!tpu.dma_semaphore, #tpu.memory_space<semaphore_mem>>
      %dma_wait3A_756 = tpu.memref_squeeze %dma_wait3A_755 : memref<1x!tpu.dma_semaphore, #tpu.memory_space<semaphore_mem>> -> memref<!tpu.dma_semaphore, #tpu.memory_space<semaphore_mem>>
      tpu.wait_indirect_dma semaphore(%dma_wait3A_756 : memref<!tpu.dma_semaphore, #tpu.memory_space<semaphore_mem>>) src(%dma_wait3A_754 : memref<1000000x32xf32, #tpu.memory_space<hbm>>) dst(%dma_wait3A_748 : memref<50x32xf32, #tpu.memory_space<vmem>>)
      %mul3A_757 = arith.constant 8 : i32
      %mul3A_758 = arith.muli %add3A_737, %mul3A_757 : i32
      %add3A_759 = arith.constant 1 : i32
      %add3A_760 = arith.addi %mul3A_758, %add3A_759 : i32
      %dma_wait3A_761 = arith.constant 2 : i32
      %dma_wait3A_762 = arith.constant 1 : i32
      %dma_wait3A_763 = arith.constant 2 : i32
      %dma_wait3A_764 = arith.constant 0 : i32
      %dma_wait3A_765 = arith.constant 0 : i32
      %dma_wait3A_766 = tpu.memref_slice %arg6[%dma_wait3A_761, %dma_wait3A_762, %dma_wait3A_764, %dma_wait3A_765] : memref<4x8x50x32xf32, #tpu.memory_space<vmem>> -> memref<1x1x50x32xf32, #tpu.memory_space<vmem>>
      %dma_wait3A_767 = tpu.memref_squeeze %dma_wait3A_766 : memref<1x1x50x32xf32, #tpu.memory_space<vmem>> -> memref<50x32xf32, #tpu.memory_space<vmem>>
      %dma_wait3A_768 = arith.constant 0 : i32
      %dma_wait3A_769 = tpu.memref_slice %arg5[%add3A_760, %dma_wait3A_768] : memref<512x50xi32, #tpu.memory_space<vmem>> -> memref<1x50xi32, #tpu.memory_space<vmem>>
      %dma_wait3A_770 = tpu.memref_squeeze %dma_wait3A_769 : memref<1x50xi32, #tpu.memory_space<vmem>> -> memref<50xi32, #tpu.memory_space<vmem>>
      %dma_wait3A_771 = arith.constant 0 : i32
      %dma_wait3A_772 = arith.constant 0 : i32
      %dma_wait3A_773 = tpu.memref_slice %arg3[%dma_wait3A_771, %dma_wait3A_772] : memref<1000000x32xf32, #tpu.memory_space<hbm>> -> memref<1000000x32xf32, #tpu.memory_space<hbm>>
      %dma_wait3A_774 = tpu.memref_slice %arg7[%dma_wait3A_763] : memref<4x!tpu.dma_semaphore, #tpu.memory_space<semaphore_mem>> -> memref<1x!tpu.dma_semaphore, #tpu.memory_space<semaphore_mem>>
      %dma_wait3A_775 = tpu.memref_squeeze %dma_wait3A_774 : memref<1x!tpu.dma_semaphore, #tpu.memory_space<semaphore_mem>> -> memref<!tpu.dma_semaphore, #tpu.memory_space<semaphore_mem>>
      tpu.wait_indirect_dma semaphore(%dma_wait3A_775 : memref<!tpu.dma_semaphore, #tpu.memory_space<semaphore_mem>>) src(%dma_wait3A_773 : memref<1000000x32xf32, #tpu.memory_space<hbm>>) dst(%dma_wait3A_767 : memref<50x32xf32, #tpu.memory_space<vmem>>)
      %mul3A_776 = arith.constant 8 : i32
      %mul3A_777 = arith.muli %add3A_737, %mul3A_776 : i32
      %add3A_778 = arith.constant 2 : i32
      %add3A_779 = arith.addi %mul3A_777, %add3A_778 : i32
      %dma_wait3A_780 = arith.constant 2 : i32
      %dma_wait3A_781 = arith.constant 2 : i32
      %dma_wait3A_782 = arith.constant 2 : i32
      %dma_wait3A_783 = arith.constant 0 : i32
      %dma_wait3A_784 = arith.constant 0 : i32
      %dma_wait3A_785 = tpu.memref_slice %arg6[%dma_wait3A_780, %dma_wait3A_781, %dma_wait3A_783, %dma_wait3A_784] : memref<4x8x50x32xf32, #tpu.memory_space<vmem>> -> memref<1x1x50x32xf32, #tpu.memory_space<vmem>>
      %dma_wait3A_786 = tpu.memref_squeeze %dma_wait3A_785 : memref<1x1x50x32xf32, #tpu.memory_space<vmem>> -> memref<50x32xf32, #tpu.memory_space<vmem>>
      %dma_wait3A_787 = arith.constant 0 : i32
      %dma_wait3A_788 = tpu.memref_slice %arg5[%add3A_779, %dma_wait3A_787] : memref<512x50xi32, #tpu.memory_space<vmem>> -> memref<1x50xi32, #tpu.memory_space<vmem>>
      %dma_wait3A_789 = tpu.memref_squeeze %dma_wait3A_788 : memref<1x50xi32, #tpu.memory_space<vmem>> -> memref<50xi32, #tpu.memory_space<vmem>>
      %dma_wait3A_790 = arith.constant 0 : i32
      %dma_wait3A_791 = arith.constant 0 : i32
      %dma_wait3A_792 = tpu.memref_slice %arg3[%dma_wait3A_790, %dma_wait3A_791] : memref<1000000x32xf32, #tpu.memory_space<hbm>> -> memref<1000000x32xf32, #tpu.memory_space<hbm>>
      %dma_wait3A_793 = tpu.memref_slice %arg7[%dma_wait3A_782] : memref<4x!tpu.dma_semaphore, #tpu.memory_space<semaphore_mem>> -> memref<1x!tpu.dma_semaphore, #tpu.memory_space<semaphore_mem>>
      %dma_wait3A_794 = tpu.memref_squeeze %dma_wait3A_793 : memref<1x!tpu.dma_semaphore, #tpu.memory_space<semaphore_mem>> -> memref<!tpu.dma_semaphore, #tpu.memory_space<semaphore_mem>>
      tpu.wait_indirect_dma semaphore(%dma_wait3A_794 : memref<!tpu.dma_semaphore, #tpu.memory_space<semaphore_mem>>) src(%dma_wait3A_792 : memref<1000000x32xf32, #tpu.memory_space<hbm>>) dst(%dma_wait3A_786 : memref<50x32xf32, #tpu.memory_space<vmem>>)
      %mul3A_795 = arith.constant 8 : i32
      %mul3A_796 = arith.muli %add3A_737, %mul3A_795 : i32
      %add3A_797 = arith.constant 3 : i32
      %add3A_798 = arith.addi %mul3A_796, %add3A_797 : i32
      %dma_wait3A_799 = arith.constant 2 : i32
      %dma_wait3A_800 = arith.constant 3 : i32
      %dma_wait3A_801 = arith.constant 2 : i32
      %dma_wait3A_802 = arith.constant 0 : i32
      %dma_wait3A_803 = arith.constant 0 : i32
      %dma_wait3A_804 = tpu.memref_slice %arg6[%dma_wait3A_799, %dma_wait3A_800, %dma_wait3A_802, %dma_wait3A_803] : memref<4x8x50x32xf32, #tpu.memory_space<vmem>> -> memref<1x1x50x32xf32, #tpu.memory_space<vmem>>
      %dma_wait3A_805 = tpu.memref_squeeze %dma_wait3A_804 : memref<1x1x50x32xf32, #tpu.memory_space<vmem>> -> memref<50x32xf32, #tpu.memory_space<vmem>>
      %dma_wait3A_806 = arith.constant 0 : i32
      %dma_wait3A_807 = tpu.memref_slice %arg5[%add3A_798, %dma_wait3A_806] : memref<512x50xi32, #tpu.memory_space<vmem>> -> memref<1x50xi32, #tpu.memory_space<vmem>>
      %dma_wait3A_808 = tpu.memref_squeeze %dma_wait3A_807 : memref<1x50xi32, #tpu.memory_space<vmem>> -> memref<50xi32, #tpu.memory_space<vmem>>
      %dma_wait3A_809 = arith.constant 0 : i32
      %dma_wait3A_810 = arith.constant 0 : i32
      %dma_wait3A_811 = tpu.memref_slice %arg3[%dma_wait3A_809, %dma_wait3A_810] : memref<1000000x32xf32, #tpu.memory_space<hbm>> -> memref<1000000x32xf32, #tpu.memory_space<hbm>>
      %dma_wait3A_812 = tpu.memref_slice %arg7[%dma_wait3A_801] : memref<4x!tpu.dma_semaphore, #tpu.memory_space<semaphore_mem>> -> memref<1x!tpu.dma_semaphore, #tpu.memory_space<semaphore_mem>>
      %dma_wait3A_813 = tpu.memref_squeeze %dma_wait3A_812 : memref<1x!tpu.dma_semaphore, #tpu.memory_space<semaphore_mem>> -> memref<!tpu.dma_semaphore, #tpu.memory_space<semaphore_mem>>
      tpu.wait_indirect_dma semaphore(%dma_wait3A_813 : memref<!tpu.dma_semaphore, #tpu.memory_space<semaphore_mem>>) src(%dma_wait3A_811 : memref<1000000x32xf32, #tpu.memory_space<hbm>>) dst(%dma_wait3A_805 : memref<50x32xf32, #tpu.memory_space<vmem>>)
      %mul3A_814 = arith.constant 8 : i32
      %mul3A_815 = arith.muli %add3A_737, %mul3A_814 : i32
      %add3A_816 = arith.constant 4 : i32
      %add3A_817 = arith.addi %mul3A_815, %add3A_816 : i32
      %dma_wait3A_818 = arith.constant 2 : i32
      %dma_wait3A_819 = arith.constant 4 : i32
      %dma_wait3A_820 = arith.constant 2 : i32
      %dma_wait3A_821 = arith.constant 0 : i32
      %dma_wait3A_822 = arith.constant 0 : i32
      %dma_wait3A_823 = tpu.memref_slice %arg6[%dma_wait3A_818, %dma_wait3A_819, %dma_wait3A_821, %dma_wait3A_822] : memref<4x8x50x32xf32, #tpu.memory_space<vmem>> -> memref<1x1x50x32xf32, #tpu.memory_space<vmem>>
      %dma_wait3A_824 = tpu.memref_squeeze %dma_wait3A_823 : memref<1x1x50x32xf32, #tpu.memory_space<vmem>> -> memref<50x32xf32, #tpu.memory_space<vmem>>
      %dma_wait3A_825 = arith.constant 0 : i32
      %dma_wait3A_826 = tpu.memref_slice %arg5[%add3A_817, %dma_wait3A_825] : memref<512x50xi32, #tpu.memory_space<vmem>> -> memref<1x50xi32, #tpu.memory_space<vmem>>
      %dma_wait3A_827 = tpu.memref_squeeze %dma_wait3A_826 : memref<1x50xi32, #tpu.memory_space<vmem>> -> memref<50xi32, #tpu.memory_space<vmem>>
      %dma_wait3A_828 = arith.constant 0 : i32
      %dma_wait3A_829 = arith.constant 0 : i32
      %dma_wait3A_830 = tpu.memref_slice %arg3[%dma_wait3A_828, %dma_wait3A_829] : memref<1000000x32xf32, #tpu.memory_space<hbm>> -> memref<1000000x32xf32, #tpu.memory_space<hbm>>
      %dma_wait3A_831 = tpu.memref_slice %arg7[%dma_wait3A_820] : memref<4x!tpu.dma_semaphore, #tpu.memory_space<semaphore_mem>> -> memref<1x!tpu.dma_semaphore, #tpu.memory_space<semaphore_mem>>
      %dma_wait3A_832 = tpu.memref_squeeze %dma_wait3A_831 : memref<1x!tpu.dma_semaphore, #tpu.memory_space<semaphore_mem>> -> memref<!tpu.dma_semaphore, #tpu.memory_space<semaphore_mem>>
      tpu.wait_indirect_dma semaphore(%dma_wait3A_832 : memref<!tpu.dma_semaphore, #tpu.memory_space<semaphore_mem>>) src(%dma_wait3A_830 : memref<1000000x32xf32, #tpu.memory_space<hbm>>) dst(%dma_wait3A_824 : memref<50x32xf32, #tpu.memory_space<vmem>>)
      %mul3A_833 = arith.constant 8 : i32
      %mul3A_834 = arith.muli %add3A_737, %mul3A_833 : i32
      %add3A_835 = arith.constant 5 : i32
      %add3A_836 = arith.addi %mul3A_834, %add3A_835 : i32
      %dma_wait3A_837 = arith.constant 2 : i32
      %dma_wait3A_838 = arith.constant 5 : i32
      %dma_wait3A_839 = arith.constant 2 : i32
      %dma_wait3A_840 = arith.constant 0 : i32
      %dma_wait3A_841 = arith.constant 0 : i32
      %dma_wait3A_842 = tpu.memref_slice %arg6[%dma_wait3A_837, %dma_wait3A_838, %dma_wait3A_840, %dma_wait3A_841] : memref<4x8x50x32xf32, #tpu.memory_space<vmem>> -> memref<1x1x50x32xf32, #tpu.memory_space<vmem>>
      %dma_wait3A_843 = tpu.memref_squeeze %dma_wait3A_842 : memref<1x1x50x32xf32, #tpu.memory_space<vmem>> -> memref<50x32xf32, #tpu.memory_space<vmem>>
      %dma_wait3A_844 = arith.constant 0 : i32
      %dma_wait3A_845 = tpu.memref_slice %arg5[%add3A_836, %dma_wait3A_844] : memref<512x50xi32, #tpu.memory_space<vmem>> -> memref<1x50xi32, #tpu.memory_space<vmem>>
      %dma_wait3A_846 = tpu.memref_squeeze %dma_wait3A_845 : memref<1x50xi32, #tpu.memory_space<vmem>> -> memref<50xi32, #tpu.memory_space<vmem>>
      %dma_wait3A_847 = arith.constant 0 : i32
      %dma_wait3A_848 = arith.constant 0 : i32
      %dma_wait3A_849 = tpu.memref_slice %arg3[%dma_wait3A_847, %dma_wait3A_848] : memref<1000000x32xf32, #tpu.memory_space<hbm>> -> memref<1000000x32xf32, #tpu.memory_space<hbm>>
      %dma_wait3A_850 = tpu.memref_slice %arg7[%dma_wait3A_839] : memref<4x!tpu.dma_semaphore, #tpu.memory_space<semaphore_mem>> -> memref<1x!tpu.dma_semaphore, #tpu.memory_space<semaphore_mem>>
      %dma_wait3A_851 = tpu.memref_squeeze %dma_wait3A_850 : memref<1x!tpu.dma_semaphore, #tpu.memory_space<semaphore_mem>> -> memref<!tpu.dma_semaphore, #tpu.memory_space<semaphore_mem>>
      tpu.wait_indirect_dma semaphore(%dma_wait3A_851 : memref<!tpu.dma_semaphore, #tpu.memory_space<semaphore_mem>>) src(%dma_wait3A_849 : memref<1000000x32xf32, #tpu.memory_space<hbm>>) dst(%dma_wait3A_843 : memref<50x32xf32, #tpu.memory_space<vmem>>)
      %mul3A_852 = arith.constant 8 : i32
      %mul3A_853 = arith.muli %add3A_737, %mul3A_852 : i32
      %add3A_854 = arith.constant 6 : i32
      %add3A_855 = arith.addi %mul3A_853, %add3A_854 : i32
      %dma_wait3A_856 = arith.constant 2 : i32
      %dma_wait3A_857 = arith.constant 6 : i32
      %dma_wait3A_858 = arith.constant 2 : i32
      %dma_wait3A_859 = arith.constant 0 : i32
      %dma_wait3A_860 = arith.constant 0 : i32
      %dma_wait3A_861 = tpu.memref_slice %arg6[%dma_wait3A_856, %dma_wait3A_857, %dma_wait3A_859, %dma_wait3A_860] : memref<4x8x50x32xf32, #tpu.memory_space<vmem>> -> memref<1x1x50x32xf32, #tpu.memory_space<vmem>>
      %dma_wait3A_862 = tpu.memref_squeeze %dma_wait3A_861 : memref<1x1x50x32xf32, #tpu.memory_space<vmem>> -> memref<50x32xf32, #tpu.memory_space<vmem>>
      %dma_wait3A_863 = arith.constant 0 : i32
      %dma_wait3A_864 = tpu.memref_slice %arg5[%add3A_855, %dma_wait3A_863] : memref<512x50xi32, #tpu.memory_space<vmem>> -> memref<1x50xi32, #tpu.memory_space<vmem>>
      %dma_wait3A_865 = tpu.memref_squeeze %dma_wait3A_864 : memref<1x50xi32, #tpu.memory_space<vmem>> -> memref<50xi32, #tpu.memory_space<vmem>>
      %dma_wait3A_866 = arith.constant 0 : i32
      %dma_wait3A_867 = arith.constant 0 : i32
      %dma_wait3A_868 = tpu.memref_slice %arg3[%dma_wait3A_866, %dma_wait3A_867] : memref<1000000x32xf32, #tpu.memory_space<hbm>> -> memref<1000000x32xf32, #tpu.memory_space<hbm>>
      %dma_wait3A_869 = tpu.memref_slice %arg7[%dma_wait3A_858] : memref<4x!tpu.dma_semaphore, #tpu.memory_space<semaphore_mem>> -> memref<1x!tpu.dma_semaphore, #tpu.memory_space<semaphore_mem>>
      %dma_wait3A_870 = tpu.memref_squeeze %dma_wait3A_869 : memref<1x!tpu.dma_semaphore, #tpu.memory_space<semaphore_mem>> -> memref<!tpu.dma_semaphore, #tpu.memory_space<semaphore_mem>>
      tpu.wait_indirect_dma semaphore(%dma_wait3A_870 : memref<!tpu.dma_semaphore, #tpu.memory_space<semaphore_mem>>) src(%dma_wait3A_868 : memref<1000000x32xf32, #tpu.memory_space<hbm>>) dst(%dma_wait3A_862 : memref<50x32xf32, #tpu.memory_space<vmem>>)
      %mul3A_871 = arith.constant 8 : i32
      %mul3A_872 = arith.muli %add3A_737, %mul3A_871 : i32
      %add3A_873 = arith.constant 7 : i32
      %add3A_874 = arith.addi %mul3A_872, %add3A_873 : i32
      %dma_wait3A_875 = arith.constant 2 : i32
      %dma_wait3A_876 = arith.constant 7 : i32
      %dma_wait3A_877 = arith.constant 2 : i32
      %dma_wait3A_878 = arith.constant 0 : i32
      %dma_wait3A_879 = arith.constant 0 : i32
      %dma_wait3A_880 = tpu.memref_slice %arg6[%dma_wait3A_875, %dma_wait3A_876, %dma_wait3A_878, %dma_wait3A_879] : memref<4x8x50x32xf32, #tpu.memory_space<vmem>> -> memref<1x1x50x32xf32, #tpu.memory_space<vmem>>
      %dma_wait3A_881 = tpu.memref_squeeze %dma_wait3A_880 : memref<1x1x50x32xf32, #tpu.memory_space<vmem>> -> memref<50x32xf32, #tpu.memory_space<vmem>>
      %dma_wait3A_882 = arith.constant 0 : i32
      %dma_wait3A_883 = tpu.memref_slice %arg5[%add3A_874, %dma_wait3A_882] : memref<512x50xi32, #tpu.memory_space<vmem>> -> memref<1x50xi32, #tpu.memory_space<vmem>>
      %dma_wait3A_884 = tpu.memref_squeeze %dma_wait3A_883 : memref<1x50xi32, #tpu.memory_space<vmem>> -> memref<50xi32, #tpu.memory_space<vmem>>
      %dma_wait3A_885 = arith.constant 0 : i32
      %dma_wait3A_886 = arith.constant 0 : i32
      %dma_wait3A_887 = tpu.memref_slice %arg3[%dma_wait3A_885, %dma_wait3A_886] : memref<1000000x32xf32, #tpu.memory_space<hbm>> -> memref<1000000x32xf32, #tpu.memory_space<hbm>>
      %dma_wait3A_888 = tpu.memref_slice %arg7[%dma_wait3A_877] : memref<4x!tpu.dma_semaphore, #tpu.memory_space<semaphore_mem>> -> memref<1x!tpu.dma_semaphore, #tpu.memory_space<semaphore_mem>>
      %dma_wait3A_889 = tpu.memref_squeeze %dma_wait3A_888 : memref<1x!tpu.dma_semaphore, #tpu.memory_space<semaphore_mem>> -> memref<!tpu.dma_semaphore, #tpu.memory_space<semaphore_mem>>
      tpu.wait_indirect_dma semaphore(%dma_wait3A_889 : memref<!tpu.dma_semaphore, #tpu.memory_space<semaphore_mem>>) src(%dma_wait3A_887 : memref<1000000x32xf32, #tpu.memory_space<hbm>>) dst(%dma_wait3A_881 : memref<50x32xf32, #tpu.memory_space<vmem>>)
      %mul3A_890 = arith.constant 8 : i32
      %mul3A_891 = arith.muli %add3A_737, %mul3A_890 : i32
      %add3A_892 = arith.addi %mul3A_2, %mul3A_891 : i32
      %dma_start3A_893 = arith.constant 2 : i32
      %dma_start3A_894 = arith.constant 2 : i32
      %dma_start3A_895 = arith.constant 0 : i32
      %dma_start3A_896 = arith.constant 0 : i32
      %dma_start3A_897 = arith.constant 0 : i32
      %dma_start3A_898 = tpu.memref_slice %arg6[%dma_start3A_893, %dma_start3A_895, %dma_start3A_896, %dma_start3A_897] : memref<4x8x50x32xf32, #tpu.memory_space<vmem>> -> memref<1x8x50x32xf32, #tpu.memory_space<vmem>>
      %dma_start3A_899 = tpu.memref_squeeze %dma_start3A_898 : memref<1x8x50x32xf32, #tpu.memory_space<vmem>> -> memref<8x50x32xf32, #tpu.memory_space<vmem>>
      %dma_start3A_900 = arith.constant 0 : i32
      %dma_start3A_901 = arith.constant 0 : i32
      %dma_start3A_902 = tpu.memref_slice %arg4[%add3A_892, %dma_start3A_900, %dma_start3A_901] : memref<16384x56x128xf32, #tpu.memory_space<hbm>> -> memref<8x50x32xf32, #tpu.memory_space<hbm>>
      %dma_start3A_903 = tpu.memref_slice %arg8[%dma_start3A_894] : memref<4x!tpu.dma_semaphore, #tpu.memory_space<semaphore_mem>> -> memref<1x!tpu.dma_semaphore, #tpu.memory_space<semaphore_mem>>
      %dma_start3A_904 = tpu.memref_squeeze %dma_start3A_903 : memref<1x!tpu.dma_semaphore, #tpu.memory_space<semaphore_mem>> -> memref<!tpu.dma_semaphore, #tpu.memory_space<semaphore_mem>>
      %dma_start3A_905 = arith.constant 0 : i32
      %dma_start3A_906 = arith.constant 0 : i32
      %dma_start3A_907 = tpu.memref_slice %arg4[%add3A_892, %dma_start3A_905, %dma_start3A_906] : memref<16384x56x128xf32, #tpu.memory_space<hbm>> -> memref<8x50x32xf32, #tpu.memory_space<hbm>>
      %dma_start3A_908 = arith.constant 0 : i32
      %dma_start3A_909 = arith.constant 0 : i32
      %dma_start3A_910 = arith.constant 0 : i32
      %dma_start3A_911 = tpu.memref_slice %arg6[%dma_start3A_893, %dma_start3A_908, %dma_start3A_909, %dma_start3A_910] : memref<4x8x50x32xf32, #tpu.memory_space<vmem>> -> memref<1x8x50x32xf32, #tpu.memory_space<vmem>>
      %dma_start3A_912 = tpu.memref_squeeze %dma_start3A_911 : memref<1x8x50x32xf32, #tpu.memory_space<vmem>> -> memref<8x50x32xf32, #tpu.memory_space<vmem>>
      tpu.enqueue_dma source(%dma_start3A_912 : memref<8x50x32xf32, #tpu.memory_space<vmem>>) target(%dma_start3A_907 : memref<8x50x32xf32, #tpu.memory_space<hbm>>) target_semaphore(%dma_start3A_904 : memref<!tpu.dma_semaphore, #tpu.memory_space<semaphore_mem>>)
      %add3A_913 = arith.constant 2 : i32
      %add3A_914 = arith.addi %add3A_737, %add3A_913 : i32
      %ge3A_915 = arith.constant 4 : i32
      %ge3A_916 = arith.cmpi sge, %add3A_914, %ge3A_915 : i32
      %lt3A_917 = arith.constant 64 : i32
      %lt3A_918 = arith.cmpi slt, %add3A_914, %lt3A_917 : i32
      %and3A_919 = arith.andi %ge3A_916, %lt3A_918 : i1
      %convert_element_type3A_920 = arith.extui %and3A_919 : i1 to i32
      %cond3A_921 = arith.constant 0 : i32
      %cond3A_922 = arith.cmpi ne, %convert_element_type3A_920, %cond3A_921 : i32
      scf.if %cond3A_922 {
        %sub3A = arith.constant 4 : i32
        %sub3A_1122 = arith.subi %add3A_914, %sub3A : i32
        %mul3A_1123 = arith.constant 8 : i32
        %mul3A_1124 = arith.muli %sub3A_1122, %mul3A_1123 : i32
        %add3A_1125 = arith.addi %mul3A_2, %mul3A_1124 : i32
        %dma_wait3A_1126 = arith.constant 0 : i32
        %dma_wait3A_1127 = arith.constant 0 : i32
        %dma_wait3A_1128 = arith.constant 0 : i32
        %dma_wait3A_1129 = arith.constant 0 : i32
        %dma_wait3A_1130 = arith.constant 0 : i32
        %dma_wait3A_1131 = tpu.memref_slice %arg6[%dma_wait3A_1126, %dma_wait3A_1128, %dma_wait3A_1129, %dma_wait3A_1130] : memref<4x8x50x32xf32, #tpu.memory_space<vmem>> -> memref<1x8x50x32xf32, #tpu.memory_space<vmem>>
        %dma_wait3A_1132 = tpu.memref_squeeze %dma_wait3A_1131 : memref<1x8x50x32xf32, #tpu.memory_space<vmem>> -> memref<8x50x32xf32, #tpu.memory_space<vmem>>
        %dma_wait3A_1133 = arith.constant 0 : i32
        %dma_wait3A_1134 = arith.constant 0 : i32
        %dma_wait3A_1135 = tpu.memref_slice %arg4[%add3A_1125, %dma_wait3A_1133, %dma_wait3A_1134] : memref<16384x56x128xf32, #tpu.memory_space<hbm>> -> memref<8x50x32xf32, #tpu.memory_space<hbm>>
        %dma_wait3A_1136 = tpu.memref_slice %arg8[%dma_wait3A_1127] : memref<4x!tpu.dma_semaphore, #tpu.memory_space<semaphore_mem>> -> memref<1x!tpu.dma_semaphore, #tpu.memory_space<semaphore_mem>>
        %dma_wait3A_1137 = tpu.memref_squeeze %dma_wait3A_1136 : memref<1x!tpu.dma_semaphore, #tpu.memory_space<semaphore_mem>> -> memref<!tpu.dma_semaphore, #tpu.memory_space<semaphore_mem>>
        %dma_wait3A_1138 = arith.constant 0 : i32
        %dma_wait3A_1139 = arith.constant 0 : i32
        %dma_wait3A_1140 = tpu.memref_slice %arg4[%add3A_1125, %dma_wait3A_1138, %dma_wait3A_1139] : memref<16384x56x128xf32, #tpu.memory_space<hbm>> -> memref<8x50x32xf32, #tpu.memory_space<hbm>>
        %dma_wait3A_1141 = arith.constant 0 : i32
        %dma_wait3A_1142 = arith.constant 0 : i32
        %dma_wait3A_1143 = arith.constant 0 : i32
        %dma_wait3A_1144 = tpu.memref_slice %arg6[%dma_wait3A_1126, %dma_wait3A_1141, %dma_wait3A_1142, %dma_wait3A_1143] : memref<4x8x50x32xf32, #tpu.memory_space<vmem>> -> memref<1x8x50x32xf32, #tpu.memory_space<vmem>>
        %dma_wait3A_1145 = tpu.memref_squeeze %dma_wait3A_1144 : memref<1x8x50x32xf32, #tpu.memory_space<vmem>> -> memref<8x50x32xf32, #tpu.memory_space<vmem>>
        tpu.wait_dma2 semaphore(%dma_wait3A_1137 : memref<!tpu.dma_semaphore, #tpu.memory_space<semaphore_mem>>) src(%dma_wait3A_1145 : memref<8x50x32xf32, #tpu.memory_space<vmem>>) dst(%dma_wait3A_1140 : memref<8x50x32xf32, #tpu.memory_space<hbm>>)
      } else {
      }
      %lt3A_923 = arith.constant 64 : i32
      %lt3A_924 = arith.cmpi slt, %add3A_914, %lt3A_923 : i32
      %convert_element_type3A_925 = arith.extui %lt3A_924 : i1 to i32
      %cond3A_926 = arith.constant 0 : i32
      %cond3A_927 = arith.cmpi ne, %convert_element_type3A_925, %cond3A_926 : i32
      scf.if %cond3A_927 {
        %mul3A_1122 = arith.constant 8 : i32
        %mul3A_1123 = arith.muli %add3A_914, %mul3A_1122 : i32
        %add3A_1124 = arith.constant 0 : i32
        %add3A_1125 = arith.addi %mul3A_1123, %add3A_1124 : i32
        %dma_start3A_1126 = arith.constant 0 : i32
        %dma_start3A_1127 = arith.constant 0 : i32
        %dma_start3A_1128 = arith.constant 0 : i32
        %dma_start3A_1129 = arith.constant 0 : i32
        %dma_start3A_1130 = arith.constant 0 : i32
        %dma_start3A_1131 = tpu.memref_slice %arg6[%dma_start3A_1126, %dma_start3A_1127, %dma_start3A_1129, %dma_start3A_1130] : memref<4x8x50x32xf32, #tpu.memory_space<vmem>> -> memref<1x1x50x32xf32, #tpu.memory_space<vmem>>
        %dma_start3A_1132 = tpu.memref_squeeze %dma_start3A_1131 : memref<1x1x50x32xf32, #tpu.memory_space<vmem>> -> memref<50x32xf32, #tpu.memory_space<vmem>>
        %dma_start3A_1133 = arith.constant 0 : i32
        %dma_start3A_1134 = tpu.memref_slice %arg5[%add3A_1125, %dma_start3A_1133] : memref<512x50xi32, #tpu.memory_space<vmem>> -> memref<1x50xi32, #tpu.memory_space<vmem>>
        %dma_start3A_1135 = tpu.memref_squeeze %dma_start3A_1134 : memref<1x50xi32, #tpu.memory_space<vmem>> -> memref<50xi32, #tpu.memory_space<vmem>>
        %dma_start3A_1136 = arith.constant 0 : i32
        %dma_start3A_1137 = arith.constant 0 : i32
        %dma_start3A_1138 = tpu.memref_slice %arg3[%dma_start3A_1136, %dma_start3A_1137] : memref<1000000x32xf32, #tpu.memory_space<hbm>> -> memref<1000000x32xf32, #tpu.memory_space<hbm>>
        %dma_start3A_1139 = tpu.memref_slice %arg7[%dma_start3A_1128] : memref<4x!tpu.dma_semaphore, #tpu.memory_space<semaphore_mem>> -> memref<1x!tpu.dma_semaphore, #tpu.memory_space<semaphore_mem>>
        %dma_start3A_1140 = tpu.memref_squeeze %dma_start3A_1139 : memref<1x!tpu.dma_semaphore, #tpu.memory_space<semaphore_mem>> -> memref<!tpu.dma_semaphore, #tpu.memory_space<semaphore_mem>>
        tpu.enqueue_indirect_dma source(%dma_start3A_1138 : memref<1000000x32xf32, #tpu.memory_space<hbm>>) target(%dma_start3A_1132 : memref<50x32xf32, #tpu.memory_space<vmem>>) offsets(%dma_start3A_1135 : memref<50xi32, #tpu.memory_space<vmem>>) semaphore(%dma_start3A_1140 : memref<!tpu.dma_semaphore, #tpu.memory_space<semaphore_mem>>)
        %mul3A_1141 = arith.constant 8 : i32
        %mul3A_1142 = arith.muli %add3A_914, %mul3A_1141 : i32
        %add3A_1143 = arith.constant 1 : i32
        %add3A_1144 = arith.addi %mul3A_1142, %add3A_1143 : i32
        %dma_start3A_1145 = arith.constant 0 : i32
        %dma_start3A_1146 = arith.constant 1 : i32
        %dma_start3A_1147 = arith.constant 0 : i32
        %dma_start3A_1148 = arith.constant 0 : i32
        %dma_start3A_1149 = arith.constant 0 : i32
        %dma_start3A_1150 = tpu.memref_slice %arg6[%dma_start3A_1145, %dma_start3A_1146, %dma_start3A_1148, %dma_start3A_1149] : memref<4x8x50x32xf32, #tpu.memory_space<vmem>> -> memref<1x1x50x32xf32, #tpu.memory_space<vmem>>
        %dma_start3A_1151 = tpu.memref_squeeze %dma_start3A_1150 : memref<1x1x50x32xf32, #tpu.memory_space<vmem>> -> memref<50x32xf32, #tpu.memory_space<vmem>>
        %dma_start3A_1152 = arith.constant 0 : i32
        %dma_start3A_1153 = tpu.memref_slice %arg5[%add3A_1144, %dma_start3A_1152] : memref<512x50xi32, #tpu.memory_space<vmem>> -> memref<1x50xi32, #tpu.memory_space<vmem>>
        %dma_start3A_1154 = tpu.memref_squeeze %dma_start3A_1153 : memref<1x50xi32, #tpu.memory_space<vmem>> -> memref<50xi32, #tpu.memory_space<vmem>>
        %dma_start3A_1155 = arith.constant 0 : i32
        %dma_start3A_1156 = arith.constant 0 : i32
        %dma_start3A_1157 = tpu.memref_slice %arg3[%dma_start3A_1155, %dma_start3A_1156] : memref<1000000x32xf32, #tpu.memory_space<hbm>> -> memref<1000000x32xf32, #tpu.memory_space<hbm>>
        %dma_start3A_1158 = tpu.memref_slice %arg7[%dma_start3A_1147] : memref<4x!tpu.dma_semaphore, #tpu.memory_space<semaphore_mem>> -> memref<1x!tpu.dma_semaphore, #tpu.memory_space<semaphore_mem>>
        %dma_start3A_1159 = tpu.memref_squeeze %dma_start3A_1158 : memref<1x!tpu.dma_semaphore, #tpu.memory_space<semaphore_mem>> -> memref<!tpu.dma_semaphore, #tpu.memory_space<semaphore_mem>>
        tpu.enqueue_indirect_dma source(%dma_start3A_1157 : memref<1000000x32xf32, #tpu.memory_space<hbm>>) target(%dma_start3A_1151 : memref<50x32xf32, #tpu.memory_space<vmem>>) offsets(%dma_start3A_1154 : memref<50xi32, #tpu.memory_space<vmem>>) semaphore(%dma_start3A_1159 : memref<!tpu.dma_semaphore, #tpu.memory_space<semaphore_mem>>)
        %mul3A_1160 = arith.constant 8 : i32
        %mul3A_1161 = arith.muli %add3A_914, %mul3A_1160 : i32
        %add3A_1162 = arith.constant 2 : i32
        %add3A_1163 = arith.addi %mul3A_1161, %add3A_1162 : i32
        %dma_start3A_1164 = arith.constant 0 : i32
        %dma_start3A_1165 = arith.constant 2 : i32
        %dma_start3A_1166 = arith.constant 0 : i32
        %dma_start3A_1167 = arith.constant 0 : i32
        %dma_start3A_1168 = arith.constant 0 : i32
        %dma_start3A_1169 = tpu.memref_slice %arg6[%dma_start3A_1164, %dma_start3A_1165, %dma_start3A_1167, %dma_start3A_1168] : memref<4x8x50x32xf32, #tpu.memory_space<vmem>> -> memref<1x1x50x32xf32, #tpu.memory_space<vmem>>
        %dma_start3A_1170 = tpu.memref_squeeze %dma_start3A_1169 : memref<1x1x50x32xf32, #tpu.memory_space<vmem>> -> memref<50x32xf32, #tpu.memory_space<vmem>>
        %dma_start3A_1171 = arith.constant 0 : i32
        %dma_start3A_1172 = tpu.memref_slice %arg5[%add3A_1163, %dma_start3A_1171] : memref<512x50xi32, #tpu.memory_space<vmem>> -> memref<1x50xi32, #tpu.memory_space<vmem>>
        %dma_start3A_1173 = tpu.memref_squeeze %dma_start3A_1172 : memref<1x50xi32, #tpu.memory_space<vmem>> -> memref<50xi32, #tpu.memory_space<vmem>>
        %dma_start3A_1174 = arith.constant 0 : i32
        %dma_start3A_1175 = arith.constant 0 : i32
        %dma_start3A_1176 = tpu.memref_slice %arg3[%dma_start3A_1174, %dma_start3A_1175] : memref<1000000x32xf32, #tpu.memory_space<hbm>> -> memref<1000000x32xf32, #tpu.memory_space<hbm>>
        %dma_start3A_1177 = tpu.memref_slice %arg7[%dma_start3A_1166] : memref<4x!tpu.dma_semaphore, #tpu.memory_space<semaphore_mem>> -> memref<1x!tpu.dma_semaphore, #tpu.memory_space<semaphore_mem>>
        %dma_start3A_1178 = tpu.memref_squeeze %dma_start3A_1177 : memref<1x!tpu.dma_semaphore, #tpu.memory_space<semaphore_mem>> -> memref<!tpu.dma_semaphore, #tpu.memory_space<semaphore_mem>>
        tpu.enqueue_indirect_dma source(%dma_start3A_1176 : memref<1000000x32xf32, #tpu.memory_space<hbm>>) target(%dma_start3A_1170 : memref<50x32xf32, #tpu.memory_space<vmem>>) offsets(%dma_start3A_1173 : memref<50xi32, #tpu.memory_space<vmem>>) semaphore(%dma_start3A_1178 : memref<!tpu.dma_semaphore, #tpu.memory_space<semaphore_mem>>)
        %mul3A_1179 = arith.constant 8 : i32
        %mul3A_1180 = arith.muli %add3A_914, %mul3A_1179 : i32
        %add3A_1181 = arith.constant 3 : i32
        %add3A_1182 = arith.addi %mul3A_1180, %add3A_1181 : i32
        %dma_start3A_1183 = arith.constant 0 : i32
        %dma_start3A_1184 = arith.constant 3 : i32
        %dma_start3A_1185 = arith.constant 0 : i32
        %dma_start3A_1186 = arith.constant 0 : i32
        %dma_start3A_1187 = arith.constant 0 : i32
        %dma_start3A_1188 = tpu.memref_slice %arg6[%dma_start3A_1183, %dma_start3A_1184, %dma_start3A_1186, %dma_start3A_1187] : memref<4x8x50x32xf32, #tpu.memory_space<vmem>> -> memref<1x1x50x32xf32, #tpu.memory_space<vmem>>
        %dma_start3A_1189 = tpu.memref_squeeze %dma_start3A_1188 : memref<1x1x50x32xf32, #tpu.memory_space<vmem>> -> memref<50x32xf32, #tpu.memory_space<vmem>>
        %dma_start3A_1190 = arith.constant 0 : i32
        %dma_start3A_1191 = tpu.memref_slice %arg5[%add3A_1182, %dma_start3A_1190] : memref<512x50xi32, #tpu.memory_space<vmem>> -> memref<1x50xi32, #tpu.memory_space<vmem>>
        %dma_start3A_1192 = tpu.memref_squeeze %dma_start3A_1191 : memref<1x50xi32, #tpu.memory_space<vmem>> -> memref<50xi32, #tpu.memory_space<vmem>>
        %dma_start3A_1193 = arith.constant 0 : i32
        %dma_start3A_1194 = arith.constant 0 : i32
        %dma_start3A_1195 = tpu.memref_slice %arg3[%dma_start3A_1193, %dma_start3A_1194] : memref<1000000x32xf32, #tpu.memory_space<hbm>> -> memref<1000000x32xf32, #tpu.memory_space<hbm>>
        %dma_start3A_1196 = tpu.memref_slice %arg7[%dma_start3A_1185] : memref<4x!tpu.dma_semaphore, #tpu.memory_space<semaphore_mem>> -> memref<1x!tpu.dma_semaphore, #tpu.memory_space<semaphore_mem>>
        %dma_start3A_1197 = tpu.memref_squeeze %dma_start3A_1196 : memref<1x!tpu.dma_semaphore, #tpu.memory_space<semaphore_mem>> -> memref<!tpu.dma_semaphore, #tpu.memory_space<semaphore_mem>>
        tpu.enqueue_indirect_dma source(%dma_start3A_1195 : memref<1000000x32xf32, #tpu.memory_space<hbm>>) target(%dma_start3A_1189 : memref<50x32xf32, #tpu.memory_space<vmem>>) offsets(%dma_start3A_1192 : memref<50xi32, #tpu.memory_space<vmem>>) semaphore(%dma_start3A_1197 : memref<!tpu.dma_semaphore, #tpu.memory_space<semaphore_mem>>)
        %mul3A_1198 = arith.constant 8 : i32
        %mul3A_1199 = arith.muli %add3A_914, %mul3A_1198 : i32
        %add3A_1200 = arith.constant 4 : i32
        %add3A_1201 = arith.addi %mul3A_1199, %add3A_1200 : i32
        %dma_start3A_1202 = arith.constant 0 : i32
        %dma_start3A_1203 = arith.constant 4 : i32
        %dma_start3A_1204 = arith.constant 0 : i32
        %dma_start3A_1205 = arith.constant 0 : i32
        %dma_start3A_1206 = arith.constant 0 : i32
        %dma_start3A_1207 = tpu.memref_slice %arg6[%dma_start3A_1202, %dma_start3A_1203, %dma_start3A_1205, %dma_start3A_1206] : memref<4x8x50x32xf32, #tpu.memory_space<vmem>> -> memref<1x1x50x32xf32, #tpu.memory_space<vmem>>
        %dma_start3A_1208 = tpu.memref_squeeze %dma_start3A_1207 : memref<1x1x50x32xf32, #tpu.memory_space<vmem>> -> memref<50x32xf32, #tpu.memory_space<vmem>>
        %dma_start3A_1209 = arith.constant 0 : i32
        %dma_start3A_1210 = tpu.memref_slice %arg5[%add3A_1201, %dma_start3A_1209] : memref<512x50xi32, #tpu.memory_space<vmem>> -> memref<1x50xi32, #tpu.memory_space<vmem>>
        %dma_start3A_1211 = tpu.memref_squeeze %dma_start3A_1210 : memref<1x50xi32, #tpu.memory_space<vmem>> -> memref<50xi32, #tpu.memory_space<vmem>>
        %dma_start3A_1212 = arith.constant 0 : i32
        %dma_start3A_1213 = arith.constant 0 : i32
        %dma_start3A_1214 = tpu.memref_slice %arg3[%dma_start3A_1212, %dma_start3A_1213] : memref<1000000x32xf32, #tpu.memory_space<hbm>> -> memref<1000000x32xf32, #tpu.memory_space<hbm>>
        %dma_start3A_1215 = tpu.memref_slice %arg7[%dma_start3A_1204] : memref<4x!tpu.dma_semaphore, #tpu.memory_space<semaphore_mem>> -> memref<1x!tpu.dma_semaphore, #tpu.memory_space<semaphore_mem>>
        %dma_start3A_1216 = tpu.memref_squeeze %dma_start3A_1215 : memref<1x!tpu.dma_semaphore, #tpu.memory_space<semaphore_mem>> -> memref<!tpu.dma_semaphore, #tpu.memory_space<semaphore_mem>>
        tpu.enqueue_indirect_dma source(%dma_start3A_1214 : memref<1000000x32xf32, #tpu.memory_space<hbm>>) target(%dma_start3A_1208 : memref<50x32xf32, #tpu.memory_space<vmem>>) offsets(%dma_start3A_1211 : memref<50xi32, #tpu.memory_space<vmem>>) semaphore(%dma_start3A_1216 : memref<!tpu.dma_semaphore, #tpu.memory_space<semaphore_mem>>)
        %mul3A_1217 = arith.constant 8 : i32
        %mul3A_1218 = arith.muli %add3A_914, %mul3A_1217 : i32
        %add3A_1219 = arith.constant 5 : i32
        %add3A_1220 = arith.addi %mul3A_1218, %add3A_1219 : i32
        %dma_start3A_1221 = arith.constant 0 : i32
        %dma_start3A_1222 = arith.constant 5 : i32
        %dma_start3A_1223 = arith.constant 0 : i32
        %dma_start3A_1224 = arith.constant 0 : i32
        %dma_start3A_1225 = arith.constant 0 : i32
        %dma_start3A_1226 = tpu.memref_slice %arg6[%dma_start3A_1221, %dma_start3A_1222, %dma_start3A_1224, %dma_start3A_1225] : memref<4x8x50x32xf32, #tpu.memory_space<vmem>> -> memref<1x1x50x32xf32, #tpu.memory_space<vmem>>
        %dma_start3A_1227 = tpu.memref_squeeze %dma_start3A_1226 : memref<1x1x50x32xf32, #tpu.memory_space<vmem>> -> memref<50x32xf32, #tpu.memory_space<vmem>>
        %dma_start3A_1228 = arith.constant 0 : i32
        %dma_start3A_1229 = tpu.memref_slice %arg5[%add3A_1220, %dma_start3A_1228] : memref<512x50xi32, #tpu.memory_space<vmem>> -> memref<1x50xi32, #tpu.memory_space<vmem>>
        %dma_start3A_1230 = tpu.memref_squeeze %dma_start3A_1229 : memref<1x50xi32, #tpu.memory_space<vmem>> -> memref<50xi32, #tpu.memory_space<vmem>>
        %dma_start3A_1231 = arith.constant 0 : i32
        %dma_start3A_1232 = arith.constant 0 : i32
        %dma_start3A_1233 = tpu.memref_slice %arg3[%dma_start3A_1231, %dma_start3A_1232] : memref<1000000x32xf32, #tpu.memory_space<hbm>> -> memref<1000000x32xf32, #tpu.memory_space<hbm>>
        %dma_start3A_1234 = tpu.memref_slice %arg7[%dma_start3A_1223] : memref<4x!tpu.dma_semaphore, #tpu.memory_space<semaphore_mem>> -> memref<1x!tpu.dma_semaphore, #tpu.memory_space<semaphore_mem>>
        %dma_start3A_1235 = tpu.memref_squeeze %dma_start3A_1234 : memref<1x!tpu.dma_semaphore, #tpu.memory_space<semaphore_mem>> -> memref<!tpu.dma_semaphore, #tpu.memory_space<semaphore_mem>>
        tpu.enqueue_indirect_dma source(%dma_start3A_1233 : memref<1000000x32xf32, #tpu.memory_space<hbm>>) target(%dma_start3A_1227 : memref<50x32xf32, #tpu.memory_space<vmem>>) offsets(%dma_start3A_1230 : memref<50xi32, #tpu.memory_space<vmem>>) semaphore(%dma_start3A_1235 : memref<!tpu.dma_semaphore, #tpu.memory_space<semaphore_mem>>)
        %mul3A_1236 = arith.constant 8 : i32
        %mul3A_1237 = arith.muli %add3A_914, %mul3A_1236 : i32
        %add3A_1238 = arith.constant 6 : i32
        %add3A_1239 = arith.addi %mul3A_1237, %add3A_1238 : i32
        %dma_start3A_1240 = arith.constant 0 : i32
        %dma_start3A_1241 = arith.constant 6 : i32
        %dma_start3A_1242 = arith.constant 0 : i32
        %dma_start3A_1243 = arith.constant 0 : i32
        %dma_start3A_1244 = arith.constant 0 : i32
        %dma_start3A_1245 = tpu.memref_slice %arg6[%dma_start3A_1240, %dma_start3A_1241, %dma_start3A_1243, %dma_start3A_1244] : memref<4x8x50x32xf32, #tpu.memory_space<vmem>> -> memref<1x1x50x32xf32, #tpu.memory_space<vmem>>
        %dma_start3A_1246 = tpu.memref_squeeze %dma_start3A_1245 : memref<1x1x50x32xf32, #tpu.memory_space<vmem>> -> memref<50x32xf32, #tpu.memory_space<vmem>>
        %dma_start3A_1247 = arith.constant 0 : i32
        %dma_start3A_1248 = tpu.memref_slice %arg5[%add3A_1239, %dma_start3A_1247] : memref<512x50xi32, #tpu.memory_space<vmem>> -> memref<1x50xi32, #tpu.memory_space<vmem>>
        %dma_start3A_1249 = tpu.memref_squeeze %dma_start3A_1248 : memref<1x50xi32, #tpu.memory_space<vmem>> -> memref<50xi32, #tpu.memory_space<vmem>>
        %dma_start3A_1250 = arith.constant 0 : i32
        %dma_start3A_1251 = arith.constant 0 : i32
        %dma_start3A_1252 = tpu.memref_slice %arg3[%dma_start3A_1250, %dma_start3A_1251] : memref<1000000x32xf32, #tpu.memory_space<hbm>> -> memref<1000000x32xf32, #tpu.memory_space<hbm>>
        %dma_start3A_1253 = tpu.memref_slice %arg7[%dma_start3A_1242] : memref<4x!tpu.dma_semaphore, #tpu.memory_space<semaphore_mem>> -> memref<1x!tpu.dma_semaphore, #tpu.memory_space<semaphore_mem>>
        %dma_start3A_1254 = tpu.memref_squeeze %dma_start3A_1253 : memref<1x!tpu.dma_semaphore, #tpu.memory_space<semaphore_mem>> -> memref<!tpu.dma_semaphore, #tpu.memory_space<semaphore_mem>>
        tpu.enqueue_indirect_dma source(%dma_start3A_1252 : memref<1000000x32xf32, #tpu.memory_space<hbm>>) target(%dma_start3A_1246 : memref<50x32xf32, #tpu.memory_space<vmem>>) offsets(%dma_start3A_1249 : memref<50xi32, #tpu.memory_space<vmem>>) semaphore(%dma_start3A_1254 : memref<!tpu.dma_semaphore, #tpu.memory_space<semaphore_mem>>)
        %mul3A_1255 = arith.constant 8 : i32
        %mul3A_1256 = arith.muli %add3A_914, %mul3A_1255 : i32
        %add3A_1257 = arith.constant 7 : i32
        %add3A_1258 = arith.addi %mul3A_1256, %add3A_1257 : i32
        %dma_start3A_1259 = arith.constant 0 : i32
        %dma_start3A_1260 = arith.constant 7 : i32
        %dma_start3A_1261 = arith.constant 0 : i32
        %dma_start3A_1262 = arith.constant 0 : i32
        %dma_start3A_1263 = arith.constant 0 : i32
        %dma_start3A_1264 = tpu.memref_slice %arg6[%dma_start3A_1259, %dma_start3A_1260, %dma_start3A_1262, %dma_start3A_1263] : memref<4x8x50x32xf32, #tpu.memory_space<vmem>> -> memref<1x1x50x32xf32, #tpu.memory_space<vmem>>
        %dma_start3A_1265 = tpu.memref_squeeze %dma_start3A_1264 : memref<1x1x50x32xf32, #tpu.memory_space<vmem>> -> memref<50x32xf32, #tpu.memory_space<vmem>>
        %dma_start3A_1266 = arith.constant 0 : i32
        %dma_start3A_1267 = tpu.memref_slice %arg5[%add3A_1258, %dma_start3A_1266] : memref<512x50xi32, #tpu.memory_space<vmem>> -> memref<1x50xi32, #tpu.memory_space<vmem>>
        %dma_start3A_1268 = tpu.memref_squeeze %dma_start3A_1267 : memref<1x50xi32, #tpu.memory_space<vmem>> -> memref<50xi32, #tpu.memory_space<vmem>>
        %dma_start3A_1269 = arith.constant 0 : i32
        %dma_start3A_1270 = arith.constant 0 : i32
        %dma_start3A_1271 = tpu.memref_slice %arg3[%dma_start3A_1269, %dma_start3A_1270] : memref<1000000x32xf32, #tpu.memory_space<hbm>> -> memref<1000000x32xf32, #tpu.memory_space<hbm>>
        %dma_start3A_1272 = tpu.memref_slice %arg7[%dma_start3A_1261] : memref<4x!tpu.dma_semaphore, #tpu.memory_space<semaphore_mem>> -> memref<1x!tpu.dma_semaphore, #tpu.memory_space<semaphore_mem>>
        %dma_start3A_1273 = tpu.memref_squeeze %dma_start3A_1272 : memref<1x!tpu.dma_semaphore, #tpu.memory_space<semaphore_mem>> -> memref<!tpu.dma_semaphore, #tpu.memory_space<semaphore_mem>>
        tpu.enqueue_indirect_dma source(%dma_start3A_1271 : memref<1000000x32xf32, #tpu.memory_space<hbm>>) target(%dma_start3A_1265 : memref<50x32xf32, #tpu.memory_space<vmem>>) offsets(%dma_start3A_1268 : memref<50xi32, #tpu.memory_space<vmem>>) semaphore(%dma_start3A_1273 : memref<!tpu.dma_semaphore, #tpu.memory_space<semaphore_mem>>)
      } else {
      }
      %mul3A_928 = arith.constant 4 : i32
      %mul3A_929 = arith.muli %scan3A_350, %mul3A_928 : i32
      %add3A_930 = arith.constant 3 : i32
      %add3A_931 = arith.addi %mul3A_929, %add3A_930 : i32
      %mul3A_932 = arith.constant 8 : i32
      %mul3A_933 = arith.muli %add3A_931, %mul3A_932 : i32
      %add3A_934 = arith.constant 0 : i32
      %add3A_935 = arith.addi %mul3A_933, %add3A_934 : i32
      %dma_wait3A_936 = arith.constant 3 : i32
      %dma_wait3A_937 = arith.constant 0 : i32
      %dma_wait3A_938 = arith.constant 3 : i32
      %dma_wait3A_939 = arith.constant 0 : i32
      %dma_wait3A_940 = arith.constant 0 : i32
      %dma_wait3A_941 = tpu.memref_slice %arg6[%dma_wait3A_936, %dma_wait3A_937, %dma_wait3A_939, %dma_wait3A_940] : memref<4x8x50x32xf32, #tpu.memory_space<vmem>> -> memref<1x1x50x32xf32, #tpu.memory_space<vmem>>
      %dma_wait3A_942 = tpu.memref_squeeze %dma_wait3A_941 : memref<1x1x50x32xf32, #tpu.memory_space<vmem>> -> memref<50x32xf32, #tpu.memory_space<vmem>>
      %dma_wait3A_943 = arith.constant 0 : i32
      %dma_wait3A_944 = tpu.memref_slice %arg5[%add3A_935, %dma_wait3A_943] : memref<512x50xi32, #tpu.memory_space<vmem>> -> memref<1x50xi32, #tpu.memory_space<vmem>>
      %dma_wait3A_945 = tpu.memref_squeeze %dma_wait3A_944 : memref<1x50xi32, #tpu.memory_space<vmem>> -> memref<50xi32, #tpu.memory_space<vmem>>
      %dma_wait3A_946 = arith.constant 0 : i32
      %dma_wait3A_947 = arith.constant 0 : i32
      %dma_wait3A_948 = tpu.memref_slice %arg3[%dma_wait3A_946, %dma_wait3A_947] : memref<1000000x32xf32, #tpu.memory_space<hbm>> -> memref<1000000x32xf32, #tpu.memory_space<hbm>>
      %dma_wait3A_949 = tpu.memref_slice %arg7[%dma_wait3A_938] : memref<4x!tpu.dma_semaphore, #tpu.memory_space<semaphore_mem>> -> memref<1x!tpu.dma_semaphore, #tpu.memory_space<semaphore_mem>>
      %dma_wait3A_950 = tpu.memref_squeeze %dma_wait3A_949 : memref<1x!tpu.dma_semaphore, #tpu.memory_space<semaphore_mem>> -> memref<!tpu.dma_semaphore, #tpu.memory_space<semaphore_mem>>
      tpu.wait_indirect_dma semaphore(%dma_wait3A_950 : memref<!tpu.dma_semaphore, #tpu.memory_space<semaphore_mem>>) src(%dma_wait3A_948 : memref<1000000x32xf32, #tpu.memory_space<hbm>>) dst(%dma_wait3A_942 : memref<50x32xf32, #tpu.memory_space<vmem>>)
      %mul3A_951 = arith.constant 8 : i32
      %mul3A_952 = arith.muli %add3A_931, %mul3A_951 : i32
      %add3A_953 = arith.constant 1 : i32
      %add3A_954 = arith.addi %mul3A_952, %add3A_953 : i32
      %dma_wait3A_955 = arith.constant 3 : i32
      %dma_wait3A_956 = arith.constant 1 : i32
      %dma_wait3A_957 = arith.constant 3 : i32
      %dma_wait3A_958 = arith.constant 0 : i32
      %dma_wait3A_959 = arith.constant 0 : i32
      %dma_wait3A_960 = tpu.memref_slice %arg6[%dma_wait3A_955, %dma_wait3A_956, %dma_wait3A_958, %dma_wait3A_959] : memref<4x8x50x32xf32, #tpu.memory_space<vmem>> -> memref<1x1x50x32xf32, #tpu.memory_space<vmem>>
      %dma_wait3A_961 = tpu.memref_squeeze %dma_wait3A_960 : memref<1x1x50x32xf32, #tpu.memory_space<vmem>> -> memref<50x32xf32, #tpu.memory_space<vmem>>
      %dma_wait3A_962 = arith.constant 0 : i32
      %dma_wait3A_963 = tpu.memref_slice %arg5[%add3A_954, %dma_wait3A_962] : memref<512x50xi32, #tpu.memory_space<vmem>> -> memref<1x50xi32, #tpu.memory_space<vmem>>
      %dma_wait3A_964 = tpu.memref_squeeze %dma_wait3A_963 : memref<1x50xi32, #tpu.memory_space<vmem>> -> memref<50xi32, #tpu.memory_space<vmem>>
      %dma_wait3A_965 = arith.constant 0 : i32
      %dma_wait3A_966 = arith.constant 0 : i32
      %dma_wait3A_967 = tpu.memref_slice %arg3[%dma_wait3A_965, %dma_wait3A_966] : memref<1000000x32xf32, #tpu.memory_space<hbm>> -> memref<1000000x32xf32, #tpu.memory_space<hbm>>
      %dma_wait3A_968 = tpu.memref_slice %arg7[%dma_wait3A_957] : memref<4x!tpu.dma_semaphore, #tpu.memory_space<semaphore_mem>> -> memref<1x!tpu.dma_semaphore, #tpu.memory_space<semaphore_mem>>
      %dma_wait3A_969 = tpu.memref_squeeze %dma_wait3A_968 : memref<1x!tpu.dma_semaphore, #tpu.memory_space<semaphore_mem>> -> memref<!tpu.dma_semaphore, #tpu.memory_space<semaphore_mem>>
      tpu.wait_indirect_dma semaphore(%dma_wait3A_969 : memref<!tpu.dma_semaphore, #tpu.memory_space<semaphore_mem>>) src(%dma_wait3A_967 : memref<1000000x32xf32, #tpu.memory_space<hbm>>) dst(%dma_wait3A_961 : memref<50x32xf32, #tpu.memory_space<vmem>>)
      %mul3A_970 = arith.constant 8 : i32
      %mul3A_971 = arith.muli %add3A_931, %mul3A_970 : i32
      %add3A_972 = arith.constant 2 : i32
      %add3A_973 = arith.addi %mul3A_971, %add3A_972 : i32
      %dma_wait3A_974 = arith.constant 3 : i32
      %dma_wait3A_975 = arith.constant 2 : i32
      %dma_wait3A_976 = arith.constant 3 : i32
      %dma_wait3A_977 = arith.constant 0 : i32
      %dma_wait3A_978 = arith.constant 0 : i32
      %dma_wait3A_979 = tpu.memref_slice %arg6[%dma_wait3A_974, %dma_wait3A_975, %dma_wait3A_977, %dma_wait3A_978] : memref<4x8x50x32xf32, #tpu.memory_space<vmem>> -> memref<1x1x50x32xf32, #tpu.memory_space<vmem>>
      %dma_wait3A_980 = tpu.memref_squeeze %dma_wait3A_979 : memref<1x1x50x32xf32, #tpu.memory_space<vmem>> -> memref<50x32xf32, #tpu.memory_space<vmem>>
      %dma_wait3A_981 = arith.constant 0 : i32
      %dma_wait3A_982 = tpu.memref_slice %arg5[%add3A_973, %dma_wait3A_981] : memref<512x50xi32, #tpu.memory_space<vmem>> -> memref<1x50xi32, #tpu.memory_space<vmem>>
      %dma_wait3A_983 = tpu.memref_squeeze %dma_wait3A_982 : memref<1x50xi32, #tpu.memory_space<vmem>> -> memref<50xi32, #tpu.memory_space<vmem>>
      %dma_wait3A_984 = arith.constant 0 : i32
      %dma_wait3A_985 = arith.constant 0 : i32
      %dma_wait3A_986 = tpu.memref_slice %arg3[%dma_wait3A_984, %dma_wait3A_985] : memref<1000000x32xf32, #tpu.memory_space<hbm>> -> memref<1000000x32xf32, #tpu.memory_space<hbm>>
      %dma_wait3A_987 = tpu.memref_slice %arg7[%dma_wait3A_976] : memref<4x!tpu.dma_semaphore, #tpu.memory_space<semaphore_mem>> -> memref<1x!tpu.dma_semaphore, #tpu.memory_space<semaphore_mem>>
      %dma_wait3A_988 = tpu.memref_squeeze %dma_wait3A_987 : memref<1x!tpu.dma_semaphore, #tpu.memory_space<semaphore_mem>> -> memref<!tpu.dma_semaphore, #tpu.memory_space<semaphore_mem>>
      tpu.wait_indirect_dma semaphore(%dma_wait3A_988 : memref<!tpu.dma_semaphore, #tpu.memory_space<semaphore_mem>>) src(%dma_wait3A_986 : memref<1000000x32xf32, #tpu.memory_space<hbm>>) dst(%dma_wait3A_980 : memref<50x32xf32, #tpu.memory_space<vmem>>)
      %mul3A_989 = arith.constant 8 : i32
      %mul3A_990 = arith.muli %add3A_931, %mul3A_989 : i32
      %add3A_991 = arith.constant 3 : i32
      %add3A_992 = arith.addi %mul3A_990, %add3A_991 : i32
      %dma_wait3A_993 = arith.constant 3 : i32
      %dma_wait3A_994 = arith.constant 3 : i32
      %dma_wait3A_995 = arith.constant 3 : i32
      %dma_wait3A_996 = arith.constant 0 : i32
      %dma_wait3A_997 = arith.constant 0 : i32
      %dma_wait3A_998 = tpu.memref_slice %arg6[%dma_wait3A_993, %dma_wait3A_994, %dma_wait3A_996, %dma_wait3A_997] : memref<4x8x50x32xf32, #tpu.memory_space<vmem>> -> memref<1x1x50x32xf32, #tpu.memory_space<vmem>>
      %dma_wait3A_999 = tpu.memref_squeeze %dma_wait3A_998 : memref<1x1x50x32xf32, #tpu.memory_space<vmem>> -> memref<50x32xf32, #tpu.memory_space<vmem>>
      %dma_wait3A_1000 = arith.constant 0 : i32
      %dma_wait3A_1001 = tpu.memref_slice %arg5[%add3A_992, %dma_wait3A_1000] : memref<512x50xi32, #tpu.memory_space<vmem>> -> memref<1x50xi32, #tpu.memory_space<vmem>>
      %dma_wait3A_1002 = tpu.memref_squeeze %dma_wait3A_1001 : memref<1x50xi32, #tpu.memory_space<vmem>> -> memref<50xi32, #tpu.memory_space<vmem>>
      %dma_wait3A_1003 = arith.constant 0 : i32
      %dma_wait3A_1004 = arith.constant 0 : i32
      %dma_wait3A_1005 = tpu.memref_slice %arg3[%dma_wait3A_1003, %dma_wait3A_1004] : memref<1000000x32xf32, #tpu.memory_space<hbm>> -> memref<1000000x32xf32, #tpu.memory_space<hbm>>
      %dma_wait3A_1006 = tpu.memref_slice %arg7[%dma_wait3A_995] : memref<4x!tpu.dma_semaphore, #tpu.memory_space<semaphore_mem>> -> memref<1x!tpu.dma_semaphore, #tpu.memory_space<semaphore_mem>>
      %dma_wait3A_1007 = tpu.memref_squeeze %dma_wait3A_1006 : memref<1x!tpu.dma_semaphore, #tpu.memory_space<semaphore_mem>> -> memref<!tpu.dma_semaphore, #tpu.memory_space<semaphore_mem>>
      tpu.wait_indirect_dma semaphore(%dma_wait3A_1007 : memref<!tpu.dma_semaphore, #tpu.memory_space<semaphore_mem>>) src(%dma_wait3A_1005 : memref<1000000x32xf32, #tpu.memory_space<hbm>>) dst(%dma_wait3A_999 : memref<50x32xf32, #tpu.memory_space<vmem>>)
      %mul3A_1008 = arith.constant 8 : i32
      %mul3A_1009 = arith.muli %add3A_931, %mul3A_1008 : i32
      %add3A_1010 = arith.constant 4 : i32
      %add3A_1011 = arith.addi %mul3A_1009, %add3A_1010 : i32
      %dma_wait3A_1012 = arith.constant 3 : i32
      %dma_wait3A_1013 = arith.constant 4 : i32
      %dma_wait3A_1014 = arith.constant 3 : i32
      %dma_wait3A_1015 = arith.constant 0 : i32
      %dma_wait3A_1016 = arith.constant 0 : i32
      %dma_wait3A_1017 = tpu.memref_slice %arg6[%dma_wait3A_1012, %dma_wait3A_1013, %dma_wait3A_1015, %dma_wait3A_1016] : memref<4x8x50x32xf32, #tpu.memory_space<vmem>> -> memref<1x1x50x32xf32, #tpu.memory_space<vmem>>
      %dma_wait3A_1018 = tpu.memref_squeeze %dma_wait3A_1017 : memref<1x1x50x32xf32, #tpu.memory_space<vmem>> -> memref<50x32xf32, #tpu.memory_space<vmem>>
      %dma_wait3A_1019 = arith.constant 0 : i32
      %dma_wait3A_1020 = tpu.memref_slice %arg5[%add3A_1011, %dma_wait3A_1019] : memref<512x50xi32, #tpu.memory_space<vmem>> -> memref<1x50xi32, #tpu.memory_space<vmem>>
      %dma_wait3A_1021 = tpu.memref_squeeze %dma_wait3A_1020 : memref<1x50xi32, #tpu.memory_space<vmem>> -> memref<50xi32, #tpu.memory_space<vmem>>
      %dma_wait3A_1022 = arith.constant 0 : i32
      %dma_wait3A_1023 = arith.constant 0 : i32
      %dma_wait3A_1024 = tpu.memref_slice %arg3[%dma_wait3A_1022, %dma_wait3A_1023] : memref<1000000x32xf32, #tpu.memory_space<hbm>> -> memref<1000000x32xf32, #tpu.memory_space<hbm>>
      %dma_wait3A_1025 = tpu.memref_slice %arg7[%dma_wait3A_1014] : memref<4x!tpu.dma_semaphore, #tpu.memory_space<semaphore_mem>> -> memref<1x!tpu.dma_semaphore, #tpu.memory_space<semaphore_mem>>
      %dma_wait3A_1026 = tpu.memref_squeeze %dma_wait3A_1025 : memref<1x!tpu.dma_semaphore, #tpu.memory_space<semaphore_mem>> -> memref<!tpu.dma_semaphore, #tpu.memory_space<semaphore_mem>>
      tpu.wait_indirect_dma semaphore(%dma_wait3A_1026 : memref<!tpu.dma_semaphore, #tpu.memory_space<semaphore_mem>>) src(%dma_wait3A_1024 : memref<1000000x32xf32, #tpu.memory_space<hbm>>) dst(%dma_wait3A_1018 : memref<50x32xf32, #tpu.memory_space<vmem>>)
      %mul3A_1027 = arith.constant 8 : i32
      %mul3A_1028 = arith.muli %add3A_931, %mul3A_1027 : i32
      %add3A_1029 = arith.constant 5 : i32
      %add3A_1030 = arith.addi %mul3A_1028, %add3A_1029 : i32
      %dma_wait3A_1031 = arith.constant 3 : i32
      %dma_wait3A_1032 = arith.constant 5 : i32
      %dma_wait3A_1033 = arith.constant 3 : i32
      %dma_wait3A_1034 = arith.constant 0 : i32
      %dma_wait3A_1035 = arith.constant 0 : i32
      %dma_wait3A_1036 = tpu.memref_slice %arg6[%dma_wait3A_1031, %dma_wait3A_1032, %dma_wait3A_1034, %dma_wait3A_1035] : memref<4x8x50x32xf32, #tpu.memory_space<vmem>> -> memref<1x1x50x32xf32, #tpu.memory_space<vmem>>
      %dma_wait3A_1037 = tpu.memref_squeeze %dma_wait3A_1036 : memref<1x1x50x32xf32, #tpu.memory_space<vmem>> -> memref<50x32xf32, #tpu.memory_space<vmem>>
      %dma_wait3A_1038 = arith.constant 0 : i32
      %dma_wait3A_1039 = tpu.memref_slice %arg5[%add3A_1030, %dma_wait3A_1038] : memref<512x50xi32, #tpu.memory_space<vmem>> -> memref<1x50xi32, #tpu.memory_space<vmem>>
      %dma_wait3A_1040 = tpu.memref_squeeze %dma_wait3A_1039 : memref<1x50xi32, #tpu.memory_space<vmem>> -> memref<50xi32, #tpu.memory_space<vmem>>
      %dma_wait3A_1041 = arith.constant 0 : i32
      %dma_wait3A_1042 = arith.constant 0 : i32
      %dma_wait3A_1043 = tpu.memref_slice %arg3[%dma_wait3A_1041, %dma_wait3A_1042] : memref<1000000x32xf32, #tpu.memory_space<hbm>> -> memref<1000000x32xf32, #tpu.memory_space<hbm>>
      %dma_wait3A_1044 = tpu.memref_slice %arg7[%dma_wait3A_1033] : memref<4x!tpu.dma_semaphore, #tpu.memory_space<semaphore_mem>> -> memref<1x!tpu.dma_semaphore, #tpu.memory_space<semaphore_mem>>
      %dma_wait3A_1045 = tpu.memref_squeeze %dma_wait3A_1044 : memref<1x!tpu.dma_semaphore, #tpu.memory_space<semaphore_mem>> -> memref<!tpu.dma_semaphore, #tpu.memory_space<semaphore_mem>>
      tpu.wait_indirect_dma semaphore(%dma_wait3A_1045 : memref<!tpu.dma_semaphore, #tpu.memory_space<semaphore_mem>>) src(%dma_wait3A_1043 : memref<1000000x32xf32, #tpu.memory_space<hbm>>) dst(%dma_wait3A_1037 : memref<50x32xf32, #tpu.memory_space<vmem>>)
      %mul3A_1046 = arith.constant 8 : i32
      %mul3A_1047 = arith.muli %add3A_931, %mul3A_1046 : i32
      %add3A_1048 = arith.constant 6 : i32
      %add3A_1049 = arith.addi %mul3A_1047, %add3A_1048 : i32
      %dma_wait3A_1050 = arith.constant 3 : i32
      %dma_wait3A_1051 = arith.constant 6 : i32
      %dma_wait3A_1052 = arith.constant 3 : i32
      %dma_wait3A_1053 = arith.constant 0 : i32
      %dma_wait3A_1054 = arith.constant 0 : i32
      %dma_wait3A_1055 = tpu.memref_slice %arg6[%dma_wait3A_1050, %dma_wait3A_1051, %dma_wait3A_1053, %dma_wait3A_1054] : memref<4x8x50x32xf32, #tpu.memory_space<vmem>> -> memref<1x1x50x32xf32, #tpu.memory_space<vmem>>
      %dma_wait3A_1056 = tpu.memref_squeeze %dma_wait3A_1055 : memref<1x1x50x32xf32, #tpu.memory_space<vmem>> -> memref<50x32xf32, #tpu.memory_space<vmem>>
      %dma_wait3A_1057 = arith.constant 0 : i32
      %dma_wait3A_1058 = tpu.memref_slice %arg5[%add3A_1049, %dma_wait3A_1057] : memref<512x50xi32, #tpu.memory_space<vmem>> -> memref<1x50xi32, #tpu.memory_space<vmem>>
      %dma_wait3A_1059 = tpu.memref_squeeze %dma_wait3A_1058 : memref<1x50xi32, #tpu.memory_space<vmem>> -> memref<50xi32, #tpu.memory_space<vmem>>
      %dma_wait3A_1060 = arith.constant 0 : i32
      %dma_wait3A_1061 = arith.constant 0 : i32
      %dma_wait3A_1062 = tpu.memref_slice %arg3[%dma_wait3A_1060, %dma_wait3A_1061] : memref<1000000x32xf32, #tpu.memory_space<hbm>> -> memref<1000000x32xf32, #tpu.memory_space<hbm>>
      %dma_wait3A_1063 = tpu.memref_slice %arg7[%dma_wait3A_1052] : memref<4x!tpu.dma_semaphore, #tpu.memory_space<semaphore_mem>> -> memref<1x!tpu.dma_semaphore, #tpu.memory_space<semaphore_mem>>
      %dma_wait3A_1064 = tpu.memref_squeeze %dma_wait3A_1063 : memref<1x!tpu.dma_semaphore, #tpu.memory_space<semaphore_mem>> -> memref<!tpu.dma_semaphore, #tpu.memory_space<semaphore_mem>>
      tpu.wait_indirect_dma semaphore(%dma_wait3A_1064 : memref<!tpu.dma_semaphore, #tpu.memory_space<semaphore_mem>>) src(%dma_wait3A_1062 : memref<1000000x32xf32, #tpu.memory_space<hbm>>) dst(%dma_wait3A_1056 : memref<50x32xf32, #tpu.memory_space<vmem>>)
      %mul3A_1065 = arith.constant 8 : i32
      %mul3A_1066 = arith.muli %add3A_931, %mul3A_1065 : i32
      %add3A_1067 = arith.constant 7 : i32
      %add3A_1068 = arith.addi %mul3A_1066, %add3A_1067 : i32
      %dma_wait3A_1069 = arith.constant 3 : i32
      %dma_wait3A_1070 = arith.constant 7 : i32
      %dma_wait3A_1071 = arith.constant 3 : i32
      %dma_wait3A_1072 = arith.constant 0 : i32
      %dma_wait3A_1073 = arith.constant 0 : i32
      %dma_wait3A_1074 = tpu.memref_slice %arg6[%dma_wait3A_1069, %dma_wait3A_1070, %dma_wait3A_1072, %dma_wait3A_1073] : memref<4x8x50x32xf32, #tpu.memory_space<vmem>> -> memref<1x1x50x32xf32, #tpu.memory_space<vmem>>
      %dma_wait3A_1075 = tpu.memref_squeeze %dma_wait3A_1074 : memref<1x1x50x32xf32, #tpu.memory_space<vmem>> -> memref<50x32xf32, #tpu.memory_space<vmem>>
      %dma_wait3A_1076 = arith.constant 0 : i32
      %dma_wait3A_1077 = tpu.memref_slice %arg5[%add3A_1068, %dma_wait3A_1076] : memref<512x50xi32, #tpu.memory_space<vmem>> -> memref<1x50xi32, #tpu.memory_space<vmem>>
      %dma_wait3A_1078 = tpu.memref_squeeze %dma_wait3A_1077 : memref<1x50xi32, #tpu.memory_space<vmem>> -> memref<50xi32, #tpu.memory_space<vmem>>
      %dma_wait3A_1079 = arith.constant 0 : i32
      %dma_wait3A_1080 = arith.constant 0 : i32
      %dma_wait3A_1081 = tpu.memref_slice %arg3[%dma_wait3A_1079, %dma_wait3A_1080] : memref<1000000x32xf32, #tpu.memory_space<hbm>> -> memref<1000000x32xf32, #tpu.memory_space<hbm>>
      %dma_wait3A_1082 = tpu.memref_slice %arg7[%dma_wait3A_1071] : memref<4x!tpu.dma_semaphore, #tpu.memory_space<semaphore_mem>> -> memref<1x!tpu.dma_semaphore, #tpu.memory_space<semaphore_mem>>
      %dma_wait3A_1083 = tpu.memref_squeeze %dma_wait3A_1082 : memref<1x!tpu.dma_semaphore, #tpu.memory_space<semaphore_mem>> -> memref<!tpu.dma_semaphore, #tpu.memory_space<semaphore_mem>>
      tpu.wait_indirect_dma semaphore(%dma_wait3A_1083 : memref<!tpu.dma_semaphore, #tpu.memory_space<semaphore_mem>>) src(%dma_wait3A_1081 : memref<1000000x32xf32, #tpu.memory_space<hbm>>) dst(%dma_wait3A_1075 : memref<50x32xf32, #tpu.memory_space<vmem>>)
      %mul3A_1084 = arith.constant 8 : i32
      %mul3A_1085 = arith.muli %add3A_931, %mul3A_1084 : i32
      %add3A_1086 = arith.addi %mul3A_2, %mul3A_1085 : i32
      %dma_start3A_1087 = arith.constant 3 : i32
      %dma_start3A_1088 = arith.constant 3 : i32
      %dma_start3A_1089 = arith.constant 0 : i32
      %dma_start3A_1090 = arith.constant 0 : i32
      %dma_start3A_1091 = arith.constant 0 : i32
      %dma_start3A_1092 = tpu.memref_slice %arg6[%dma_start3A_1087, %dma_start3A_1089, %dma_start3A_1090, %dma_start3A_1091] : memref<4x8x50x32xf32, #tpu.memory_space<vmem>> -> memref<1x8x50x32xf32, #tpu.memory_space<vmem>>
      %dma_start3A_1093 = tpu.memref_squeeze %dma_start3A_1092 : memref<1x8x50x32xf32, #tpu.memory_space<vmem>> -> memref<8x50x32xf32, #tpu.memory_space<vmem>>
      %dma_start3A_1094 = arith.constant 0 : i32
      %dma_start3A_1095 = arith.constant 0 : i32
      %dma_start3A_1096 = tpu.memref_slice %arg4[%add3A_1086, %dma_start3A_1094, %dma_start3A_1095] : memref<16384x56x128xf32, #tpu.memory_space<hbm>> -> memref<8x50x32xf32, #tpu.memory_space<hbm>>
      %dma_start3A_1097 = tpu.memref_slice %arg8[%dma_start3A_1088] : memref<4x!tpu.dma_semaphore, #tpu.memory_space<semaphore_mem>> -> memref<1x!tpu.dma_semaphore, #tpu.memory_space<semaphore_mem>>
      %dma_start3A_1098 = tpu.memref_squeeze %dma_start3A_1097 : memref<1x!tpu.dma_semaphore, #tpu.memory_space<semaphore_mem>> -> memref<!tpu.dma_semaphore, #tpu.memory_space<semaphore_mem>>
      %dma_start3A_1099 = arith.constant 0 : i32
      %dma_start3A_1100 = arith.constant 0 : i32
      %dma_start3A_1101 = tpu.memref_slice %arg4[%add3A_1086, %dma_start3A_1099, %dma_start3A_1100] : memref<16384x56x128xf32, #tpu.memory_space<hbm>> -> memref<8x50x32xf32, #tpu.memory_space<hbm>>
      %dma_start3A_1102 = arith.constant 0 : i32
      %dma_start3A_1103 = arith.constant 0 : i32
      %dma_start3A_1104 = arith.constant 0 : i32
      %dma_start3A_1105 = tpu.memref_slice %arg6[%dma_start3A_1087, %dma_start3A_1102, %dma_start3A_1103, %dma_start3A_1104] : memref<4x8x50x32xf32, #tpu.memory_space<vmem>> -> memref<1x8x50x32xf32, #tpu.memory_space<vmem>>
      %dma_start3A_1106 = tpu.memref_squeeze %dma_start3A_1105 : memref<1x8x50x32xf32, #tpu.memory_space<vmem>> -> memref<8x50x32xf32, #tpu.memory_space<vmem>>
      tpu.enqueue_dma source(%dma_start3A_1106 : memref<8x50x32xf32, #tpu.memory_space<vmem>>) target(%dma_start3A_1101 : memref<8x50x32xf32, #tpu.memory_space<hbm>>) target_semaphore(%dma_start3A_1098 : memref<!tpu.dma_semaphore, #tpu.memory_space<semaphore_mem>>)
      %add3A_1107 = arith.constant 2 : i32
      %add3A_1108 = arith.addi %add3A_931, %add3A_1107 : i32
      %ge3A_1109 = arith.constant 4 : i32
      %ge3A_1110 = arith.cmpi sge, %add3A_1108, %ge3A_1109 : i32
      %lt3A_1111 = arith.constant 64 : i32
      %lt3A_1112 = arith.cmpi slt, %add3A_1108, %lt3A_1111 : i32
      %and3A_1113 = arith.andi %ge3A_1110, %lt3A_1112 : i1
      %convert_element_type3A_1114 = arith.extui %and3A_1113 : i1 to i32
      %cond3A_1115 = arith.constant 0 : i32
      %cond3A_1116 = arith.cmpi ne, %convert_element_type3A_1114, %cond3A_1115 : i32
      scf.if %cond3A_1116 {
        %sub3A = arith.constant 4 : i32
        %sub3A_1122 = arith.subi %add3A_1108, %sub3A : i32
        %mul3A_1123 = arith.constant 8 : i32
        %mul3A_1124 = arith.muli %sub3A_1122, %mul3A_1123 : i32
        %add3A_1125 = arith.addi %mul3A_2, %mul3A_1124 : i32
        %dma_wait3A_1126 = arith.constant 1 : i32
        %dma_wait3A_1127 = arith.constant 1 : i32
        %dma_wait3A_1128 = arith.constant 0 : i32
        %dma_wait3A_1129 = arith.constant 0 : i32
        %dma_wait3A_1130 = arith.constant 0 : i32
        %dma_wait3A_1131 = tpu.memref_slice %arg6[%dma_wait3A_1126, %dma_wait3A_1128, %dma_wait3A_1129, %dma_wait3A_1130] : memref<4x8x50x32xf32, #tpu.memory_space<vmem>> -> memref<1x8x50x32xf32, #tpu.memory_space<vmem>>
        %dma_wait3A_1132 = tpu.memref_squeeze %dma_wait3A_1131 : memref<1x8x50x32xf32, #tpu.memory_space<vmem>> -> memref<8x50x32xf32, #tpu.memory_space<vmem>>
        %dma_wait3A_1133 = arith.constant 0 : i32
        %dma_wait3A_1134 = arith.constant 0 : i32
        %dma_wait3A_1135 = tpu.memref_slice %arg4[%add3A_1125, %dma_wait3A_1133, %dma_wait3A_1134] : memref<16384x56x128xf32, #tpu.memory_space<hbm>> -> memref<8x50x32xf32, #tpu.memory_space<hbm>>
        %dma_wait3A_1136 = tpu.memref_slice %arg8[%dma_wait3A_1127] : memref<4x!tpu.dma_semaphore, #tpu.memory_space<semaphore_mem>> -> memref<1x!tpu.dma_semaphore, #tpu.memory_space<semaphore_mem>>
        %dma_wait3A_1137 = tpu.memref_squeeze %dma_wait3A_1136 : memref<1x!tpu.dma_semaphore, #tpu.memory_space<semaphore_mem>> -> memref<!tpu.dma_semaphore, #tpu.memory_space<semaphore_mem>>
        %dma_wait3A_1138 = arith.constant 0 : i32
        %dma_wait3A_1139 = arith.constant 0 : i32
        %dma_wait3A_1140 = tpu.memref_slice %arg4[%add3A_1125, %dma_wait3A_1138, %dma_wait3A_1139] : memref<16384x56x128xf32, #tpu.memory_space<hbm>> -> memref<8x50x32xf32, #tpu.memory_space<hbm>>
        %dma_wait3A_1141 = arith.constant 0 : i32
        %dma_wait3A_1142 = arith.constant 0 : i32
        %dma_wait3A_1143 = arith.constant 0 : i32
        %dma_wait3A_1144 = tpu.memref_slice %arg6[%dma_wait3A_1126, %dma_wait3A_1141, %dma_wait3A_1142, %dma_wait3A_1143] : memref<4x8x50x32xf32, #tpu.memory_space<vmem>> -> memref<1x8x50x32xf32, #tpu.memory_space<vmem>>
        %dma_wait3A_1145 = tpu.memref_squeeze %dma_wait3A_1144 : memref<1x8x50x32xf32, #tpu.memory_space<vmem>> -> memref<8x50x32xf32, #tpu.memory_space<vmem>>
        tpu.wait_dma2 semaphore(%dma_wait3A_1137 : memref<!tpu.dma_semaphore, #tpu.memory_space<semaphore_mem>>) src(%dma_wait3A_1145 : memref<8x50x32xf32, #tpu.memory_space<vmem>>) dst(%dma_wait3A_1140 : memref<8x50x32xf32, #tpu.memory_space<hbm>>)
      } else {
      }
      %lt3A_1117 = arith.constant 64 : i32
      %lt3A_1118 = arith.cmpi slt, %add3A_1108, %lt3A_1117 : i32
      %convert_element_type3A_1119 = arith.extui %lt3A_1118 : i1 to i32
      %cond3A_1120 = arith.constant 0 : i32
      %cond3A_1121 = arith.cmpi ne, %convert_element_type3A_1119, %cond3A_1120 : i32
      scf.if %cond3A_1121 {
        %mul3A_1122 = arith.constant 8 : i32
        %mul3A_1123 = arith.muli %add3A_1108, %mul3A_1122 : i32
        %add3A_1124 = arith.constant 0 : i32
        %add3A_1125 = arith.addi %mul3A_1123, %add3A_1124 : i32
        %dma_start3A_1126 = arith.constant 1 : i32
        %dma_start3A_1127 = arith.constant 0 : i32
        %dma_start3A_1128 = arith.constant 1 : i32
        %dma_start3A_1129 = arith.constant 0 : i32
        %dma_start3A_1130 = arith.constant 0 : i32
        %dma_start3A_1131 = tpu.memref_slice %arg6[%dma_start3A_1126, %dma_start3A_1127, %dma_start3A_1129, %dma_start3A_1130] : memref<4x8x50x32xf32, #tpu.memory_space<vmem>> -> memref<1x1x50x32xf32, #tpu.memory_space<vmem>>
        %dma_start3A_1132 = tpu.memref_squeeze %dma_start3A_1131 : memref<1x1x50x32xf32, #tpu.memory_space<vmem>> -> memref<50x32xf32, #tpu.memory_space<vmem>>
        %dma_start3A_1133 = arith.constant 0 : i32
        %dma_start3A_1134 = tpu.memref_slice %arg5[%add3A_1125, %dma_start3A_1133] : memref<512x50xi32, #tpu.memory_space<vmem>> -> memref<1x50xi32, #tpu.memory_space<vmem>>
        %dma_start3A_1135 = tpu.memref_squeeze %dma_start3A_1134 : memref<1x50xi32, #tpu.memory_space<vmem>> -> memref<50xi32, #tpu.memory_space<vmem>>
        %dma_start3A_1136 = arith.constant 0 : i32
        %dma_start3A_1137 = arith.constant 0 : i32
        %dma_start3A_1138 = tpu.memref_slice %arg3[%dma_start3A_1136, %dma_start3A_1137] : memref<1000000x32xf32, #tpu.memory_space<hbm>> -> memref<1000000x32xf32, #tpu.memory_space<hbm>>
        %dma_start3A_1139 = tpu.memref_slice %arg7[%dma_start3A_1128] : memref<4x!tpu.dma_semaphore, #tpu.memory_space<semaphore_mem>> -> memref<1x!tpu.dma_semaphore, #tpu.memory_space<semaphore_mem>>
        %dma_start3A_1140 = tpu.memref_squeeze %dma_start3A_1139 : memref<1x!tpu.dma_semaphore, #tpu.memory_space<semaphore_mem>> -> memref<!tpu.dma_semaphore, #tpu.memory_space<semaphore_mem>>
        tpu.enqueue_indirect_dma source(%dma_start3A_1138 : memref<1000000x32xf32, #tpu.memory_space<hbm>>) target(%dma_start3A_1132 : memref<50x32xf32, #tpu.memory_space<vmem>>) offsets(%dma_start3A_1135 : memref<50xi32, #tpu.memory_space<vmem>>) semaphore(%dma_start3A_1140 : memref<!tpu.dma_semaphore, #tpu.memory_space<semaphore_mem>>)
        %mul3A_1141 = arith.constant 8 : i32
        %mul3A_1142 = arith.muli %add3A_1108, %mul3A_1141 : i32
        %add3A_1143 = arith.constant 1 : i32
        %add3A_1144 = arith.addi %mul3A_1142, %add3A_1143 : i32
        %dma_start3A_1145 = arith.constant 1 : i32
        %dma_start3A_1146 = arith.constant 1 : i32
        %dma_start3A_1147 = arith.constant 1 : i32
        %dma_start3A_1148 = arith.constant 0 : i32
        %dma_start3A_1149 = arith.constant 0 : i32
        %dma_start3A_1150 = tpu.memref_slice %arg6[%dma_start3A_1145, %dma_start3A_1146, %dma_start3A_1148, %dma_start3A_1149] : memref<4x8x50x32xf32, #tpu.memory_space<vmem>> -> memref<1x1x50x32xf32, #tpu.memory_space<vmem>>
        %dma_start3A_1151 = tpu.memref_squeeze %dma_start3A_1150 : memref<1x1x50x32xf32, #tpu.memory_space<vmem>> -> memref<50x32xf32, #tpu.memory_space<vmem>>
        %dma_start3A_1152 = arith.constant 0 : i32
        %dma_start3A_1153 = tpu.memref_slice %arg5[%add3A_1144, %dma_start3A_1152] : memref<512x50xi32, #tpu.memory_space<vmem>> -> memref<1x50xi32, #tpu.memory_space<vmem>>
        %dma_start3A_1154 = tpu.memref_squeeze %dma_start3A_1153 : memref<1x50xi32, #tpu.memory_space<vmem>> -> memref<50xi32, #tpu.memory_space<vmem>>
        %dma_start3A_1155 = arith.constant 0 : i32
        %dma_start3A_1156 = arith.constant 0 : i32
        %dma_start3A_1157 = tpu.memref_slice %arg3[%dma_start3A_1155, %dma_start3A_1156] : memref<1000000x32xf32, #tpu.memory_space<hbm>> -> memref<1000000x32xf32, #tpu.memory_space<hbm>>
        %dma_start3A_1158 = tpu.memref_slice %arg7[%dma_start3A_1147] : memref<4x!tpu.dma_semaphore, #tpu.memory_space<semaphore_mem>> -> memref<1x!tpu.dma_semaphore, #tpu.memory_space<semaphore_mem>>
        %dma_start3A_1159 = tpu.memref_squeeze %dma_start3A_1158 : memref<1x!tpu.dma_semaphore, #tpu.memory_space<semaphore_mem>> -> memref<!tpu.dma_semaphore, #tpu.memory_space<semaphore_mem>>
        tpu.enqueue_indirect_dma source(%dma_start3A_1157 : memref<1000000x32xf32, #tpu.memory_space<hbm>>) target(%dma_start3A_1151 : memref<50x32xf32, #tpu.memory_space<vmem>>) offsets(%dma_start3A_1154 : memref<50xi32, #tpu.memory_space<vmem>>) semaphore(%dma_start3A_1159 : memref<!tpu.dma_semaphore, #tpu.memory_space<semaphore_mem>>)
        %mul3A_1160 = arith.constant 8 : i32
        %mul3A_1161 = arith.muli %add3A_1108, %mul3A_1160 : i32
        %add3A_1162 = arith.constant 2 : i32
        %add3A_1163 = arith.addi %mul3A_1161, %add3A_1162 : i32
        %dma_start3A_1164 = arith.constant 1 : i32
        %dma_start3A_1165 = arith.constant 2 : i32
        %dma_start3A_1166 = arith.constant 1 : i32
        %dma_start3A_1167 = arith.constant 0 : i32
        %dma_start3A_1168 = arith.constant 0 : i32
        %dma_start3A_1169 = tpu.memref_slice %arg6[%dma_start3A_1164, %dma_start3A_1165, %dma_start3A_1167, %dma_start3A_1168] : memref<4x8x50x32xf32, #tpu.memory_space<vmem>> -> memref<1x1x50x32xf32, #tpu.memory_space<vmem>>
        %dma_start3A_1170 = tpu.memref_squeeze %dma_start3A_1169 : memref<1x1x50x32xf32, #tpu.memory_space<vmem>> -> memref<50x32xf32, #tpu.memory_space<vmem>>
        %dma_start3A_1171 = arith.constant 0 : i32
        %dma_start3A_1172 = tpu.memref_slice %arg5[%add3A_1163, %dma_start3A_1171] : memref<512x50xi32, #tpu.memory_space<vmem>> -> memref<1x50xi32, #tpu.memory_space<vmem>>
        %dma_start3A_1173 = tpu.memref_squeeze %dma_start3A_1172 : memref<1x50xi32, #tpu.memory_space<vmem>> -> memref<50xi32, #tpu.memory_space<vmem>>
        %dma_start3A_1174 = arith.constant 0 : i32
        %dma_start3A_1175 = arith.constant 0 : i32
        %dma_start3A_1176 = tpu.memref_slice %arg3[%dma_start3A_1174, %dma_start3A_1175] : memref<1000000x32xf32, #tpu.memory_space<hbm>> -> memref<1000000x32xf32, #tpu.memory_space<hbm>>
        %dma_start3A_1177 = tpu.memref_slice %arg7[%dma_start3A_1166] : memref<4x!tpu.dma_semaphore, #tpu.memory_space<semaphore_mem>> -> memref<1x!tpu.dma_semaphore, #tpu.memory_space<semaphore_mem>>
        %dma_start3A_1178 = tpu.memref_squeeze %dma_start3A_1177 : memref<1x!tpu.dma_semaphore, #tpu.memory_space<semaphore_mem>> -> memref<!tpu.dma_semaphore, #tpu.memory_space<semaphore_mem>>
        tpu.enqueue_indirect_dma source(%dma_start3A_1176 : memref<1000000x32xf32, #tpu.memory_space<hbm>>) target(%dma_start3A_1170 : memref<50x32xf32, #tpu.memory_space<vmem>>) offsets(%dma_start3A_1173 : memref<50xi32, #tpu.memory_space<vmem>>) semaphore(%dma_start3A_1178 : memref<!tpu.dma_semaphore, #tpu.memory_space<semaphore_mem>>)
        %mul3A_1179 = arith.constant 8 : i32
        %mul3A_1180 = arith.muli %add3A_1108, %mul3A_1179 : i32
        %add3A_1181 = arith.constant 3 : i32
        %add3A_1182 = arith.addi %mul3A_1180, %add3A_1181 : i32
        %dma_start3A_1183 = arith.constant 1 : i32
        %dma_start3A_1184 = arith.constant 3 : i32
        %dma_start3A_1185 = arith.constant 1 : i32
        %dma_start3A_1186 = arith.constant 0 : i32
        %dma_start3A_1187 = arith.constant 0 : i32
        %dma_start3A_1188 = tpu.memref_slice %arg6[%dma_start3A_1183, %dma_start3A_1184, %dma_start3A_1186, %dma_start3A_1187] : memref<4x8x50x32xf32, #tpu.memory_space<vmem>> -> memref<1x1x50x32xf32, #tpu.memory_space<vmem>>
        %dma_start3A_1189 = tpu.memref_squeeze %dma_start3A_1188 : memref<1x1x50x32xf32, #tpu.memory_space<vmem>> -> memref<50x32xf32, #tpu.memory_space<vmem>>
        %dma_start3A_1190 = arith.constant 0 : i32
        %dma_start3A_1191 = tpu.memref_slice %arg5[%add3A_1182, %dma_start3A_1190] : memref<512x50xi32, #tpu.memory_space<vmem>> -> memref<1x50xi32, #tpu.memory_space<vmem>>
        %dma_start3A_1192 = tpu.memref_squeeze %dma_start3A_1191 : memref<1x50xi32, #tpu.memory_space<vmem>> -> memref<50xi32, #tpu.memory_space<vmem>>
        %dma_start3A_1193 = arith.constant 0 : i32
        %dma_start3A_1194 = arith.constant 0 : i32
        %dma_start3A_1195 = tpu.memref_slice %arg3[%dma_start3A_1193, %dma_start3A_1194] : memref<1000000x32xf32, #tpu.memory_space<hbm>> -> memref<1000000x32xf32, #tpu.memory_space<hbm>>
        %dma_start3A_1196 = tpu.memref_slice %arg7[%dma_start3A_1185] : memref<4x!tpu.dma_semaphore, #tpu.memory_space<semaphore_mem>> -> memref<1x!tpu.dma_semaphore, #tpu.memory_space<semaphore_mem>>
        %dma_start3A_1197 = tpu.memref_squeeze %dma_start3A_1196 : memref<1x!tpu.dma_semaphore, #tpu.memory_space<semaphore_mem>> -> memref<!tpu.dma_semaphore, #tpu.memory_space<semaphore_mem>>
        tpu.enqueue_indirect_dma source(%dma_start3A_1195 : memref<1000000x32xf32, #tpu.memory_space<hbm>>) target(%dma_start3A_1189 : memref<50x32xf32, #tpu.memory_space<vmem>>) offsets(%dma_start3A_1192 : memref<50xi32, #tpu.memory_space<vmem>>) semaphore(%dma_start3A_1197 : memref<!tpu.dma_semaphore, #tpu.memory_space<semaphore_mem>>)
        %mul3A_1198 = arith.constant 8 : i32
        %mul3A_1199 = arith.muli %add3A_1108, %mul3A_1198 : i32
        %add3A_1200 = arith.constant 4 : i32
        %add3A_1201 = arith.addi %mul3A_1199, %add3A_1200 : i32
        %dma_start3A_1202 = arith.constant 1 : i32
        %dma_start3A_1203 = arith.constant 4 : i32
        %dma_start3A_1204 = arith.constant 1 : i32
        %dma_start3A_1205 = arith.constant 0 : i32
        %dma_start3A_1206 = arith.constant 0 : i32
        %dma_start3A_1207 = tpu.memref_slice %arg6[%dma_start3A_1202, %dma_start3A_1203, %dma_start3A_1205, %dma_start3A_1206] : memref<4x8x50x32xf32, #tpu.memory_space<vmem>> -> memref<1x1x50x32xf32, #tpu.memory_space<vmem>>
        %dma_start3A_1208 = tpu.memref_squeeze %dma_start3A_1207 : memref<1x1x50x32xf32, #tpu.memory_space<vmem>> -> memref<50x32xf32, #tpu.memory_space<vmem>>
        %dma_start3A_1209 = arith.constant 0 : i32
        %dma_start3A_1210 = tpu.memref_slice %arg5[%add3A_1201, %dma_start3A_1209] : memref<512x50xi32, #tpu.memory_space<vmem>> -> memref<1x50xi32, #tpu.memory_space<vmem>>
        %dma_start3A_1211 = tpu.memref_squeeze %dma_start3A_1210 : memref<1x50xi32, #tpu.memory_space<vmem>> -> memref<50xi32, #tpu.memory_space<vmem>>
        %dma_start3A_1212 = arith.constant 0 : i32
        %dma_start3A_1213 = arith.constant 0 : i32
        %dma_start3A_1214 = tpu.memref_slice %arg3[%dma_start3A_1212, %dma_start3A_1213] : memref<1000000x32xf32, #tpu.memory_space<hbm>> -> memref<1000000x32xf32, #tpu.memory_space<hbm>>
        %dma_start3A_1215 = tpu.memref_slice %arg7[%dma_start3A_1204] : memref<4x!tpu.dma_semaphore, #tpu.memory_space<semaphore_mem>> -> memref<1x!tpu.dma_semaphore, #tpu.memory_space<semaphore_mem>>
        %dma_start3A_1216 = tpu.memref_squeeze %dma_start3A_1215 : memref<1x!tpu.dma_semaphore, #tpu.memory_space<semaphore_mem>> -> memref<!tpu.dma_semaphore, #tpu.memory_space<semaphore_mem>>
        tpu.enqueue_indirect_dma source(%dma_start3A_1214 : memref<1000000x32xf32, #tpu.memory_space<hbm>>) target(%dma_start3A_1208 : memref<50x32xf32, #tpu.memory_space<vmem>>) offsets(%dma_start3A_1211 : memref<50xi32, #tpu.memory_space<vmem>>) semaphore(%dma_start3A_1216 : memref<!tpu.dma_semaphore, #tpu.memory_space<semaphore_mem>>)
        %mul3A_1217 = arith.constant 8 : i32
        %mul3A_1218 = arith.muli %add3A_1108, %mul3A_1217 : i32
        %add3A_1219 = arith.constant 5 : i32
        %add3A_1220 = arith.addi %mul3A_1218, %add3A_1219 : i32
        %dma_start3A_1221 = arith.constant 1 : i32
        %dma_start3A_1222 = arith.constant 5 : i32
        %dma_start3A_1223 = arith.constant 1 : i32
        %dma_start3A_1224 = arith.constant 0 : i32
        %dma_start3A_1225 = arith.constant 0 : i32
        %dma_start3A_1226 = tpu.memref_slice %arg6[%dma_start3A_1221, %dma_start3A_1222, %dma_start3A_1224, %dma_start3A_1225] : memref<4x8x50x32xf32, #tpu.memory_space<vmem>> -> memref<1x1x50x32xf32, #tpu.memory_space<vmem>>
        %dma_start3A_1227 = tpu.memref_squeeze %dma_start3A_1226 : memref<1x1x50x32xf32, #tpu.memory_space<vmem>> -> memref<50x32xf32, #tpu.memory_space<vmem>>
        %dma_start3A_1228 = arith.constant 0 : i32
        %dma_start3A_1229 = tpu.memref_slice %arg5[%add3A_1220, %dma_start3A_1228] : memref<512x50xi32, #tpu.memory_space<vmem>> -> memref<1x50xi32, #tpu.memory_space<vmem>>
        %dma_start3A_1230 = tpu.memref_squeeze %dma_start3A_1229 : memref<1x50xi32, #tpu.memory_space<vmem>> -> memref<50xi32, #tpu.memory_space<vmem>>
        %dma_start3A_1231 = arith.constant 0 : i32
        %dma_start3A_1232 = arith.constant 0 : i32
        %dma_start3A_1233 = tpu.memref_slice %arg3[%dma_start3A_1231, %dma_start3A_1232] : memref<1000000x32xf32, #tpu.memory_space<hbm>> -> memref<1000000x32xf32, #tpu.memory_space<hbm>>
        %dma_start3A_1234 = tpu.memref_slice %arg7[%dma_start3A_1223] : memref<4x!tpu.dma_semaphore, #tpu.memory_space<semaphore_mem>> -> memref<1x!tpu.dma_semaphore, #tpu.memory_space<semaphore_mem>>
        %dma_start3A_1235 = tpu.memref_squeeze %dma_start3A_1234 : memref<1x!tpu.dma_semaphore, #tpu.memory_space<semaphore_mem>> -> memref<!tpu.dma_semaphore, #tpu.memory_space<semaphore_mem>>
        tpu.enqueue_indirect_dma source(%dma_start3A_1233 : memref<1000000x32xf32, #tpu.memory_space<hbm>>) target(%dma_start3A_1227 : memref<50x32xf32, #tpu.memory_space<vmem>>) offsets(%dma_start3A_1230 : memref<50xi32, #tpu.memory_space<vmem>>) semaphore(%dma_start3A_1235 : memref<!tpu.dma_semaphore, #tpu.memory_space<semaphore_mem>>)
        %mul3A_1236 = arith.constant 8 : i32
        %mul3A_1237 = arith.muli %add3A_1108, %mul3A_1236 : i32
        %add3A_1238 = arith.constant 6 : i32
        %add3A_1239 = arith.addi %mul3A_1237, %add3A_1238 : i32
        %dma_start3A_1240 = arith.constant 1 : i32
        %dma_start3A_1241 = arith.constant 6 : i32
        %dma_start3A_1242 = arith.constant 1 : i32
        %dma_start3A_1243 = arith.constant 0 : i32
        %dma_start3A_1244 = arith.constant 0 : i32
        %dma_start3A_1245 = tpu.memref_slice %arg6[%dma_start3A_1240, %dma_start3A_1241, %dma_start3A_1243, %dma_start3A_1244] : memref<4x8x50x32xf32, #tpu.memory_space<vmem>> -> memref<1x1x50x32xf32, #tpu.memory_space<vmem>>
        %dma_start3A_1246 = tpu.memref_squeeze %dma_start3A_1245 : memref<1x1x50x32xf32, #tpu.memory_space<vmem>> -> memref<50x32xf32, #tpu.memory_space<vmem>>
        %dma_start3A_1247 = arith.constant 0 : i32
        %dma_start3A_1248 = tpu.memref_slice %arg5[%add3A_1239, %dma_start3A_1247] : memref<512x50xi32, #tpu.memory_space<vmem>> -> memref<1x50xi32, #tpu.memory_space<vmem>>
        %dma_start3A_1249 = tpu.memref_squeeze %dma_start3A_1248 : memref<1x50xi32, #tpu.memory_space<vmem>> -> memref<50xi32, #tpu.memory_space<vmem>>
        %dma_start3A_1250 = arith.constant 0 : i32
        %dma_start3A_1251 = arith.constant 0 : i32
        %dma_start3A_1252 = tpu.memref_slice %arg3[%dma_start3A_1250, %dma_start3A_1251] : memref<1000000x32xf32, #tpu.memory_space<hbm>> -> memref<1000000x32xf32, #tpu.memory_space<hbm>>
        %dma_start3A_1253 = tpu.memref_slice %arg7[%dma_start3A_1242] : memref<4x!tpu.dma_semaphore, #tpu.memory_space<semaphore_mem>> -> memref<1x!tpu.dma_semaphore, #tpu.memory_space<semaphore_mem>>
        %dma_start3A_1254 = tpu.memref_squeeze %dma_start3A_1253 : memref<1x!tpu.dma_semaphore, #tpu.memory_space<semaphore_mem>> -> memref<!tpu.dma_semaphore, #tpu.memory_space<semaphore_mem>>
        tpu.enqueue_indirect_dma source(%dma_start3A_1252 : memref<1000000x32xf32, #tpu.memory_space<hbm>>) target(%dma_start3A_1246 : memref<50x32xf32, #tpu.memory_space<vmem>>) offsets(%dma_start3A_1249 : memref<50xi32, #tpu.memory_space<vmem>>) semaphore(%dma_start3A_1254 : memref<!tpu.dma_semaphore, #tpu.memory_space<semaphore_mem>>)
        %mul3A_1255 = arith.constant 8 : i32
        %mul3A_1256 = arith.muli %add3A_1108, %mul3A_1255 : i32
        %add3A_1257 = arith.constant 7 : i32
        %add3A_1258 = arith.addi %mul3A_1256, %add3A_1257 : i32
        %dma_start3A_1259 = arith.constant 1 : i32
        %dma_start3A_1260 = arith.constant 7 : i32
        %dma_start3A_1261 = arith.constant 1 : i32
        %dma_start3A_1262 = arith.constant 0 : i32
        %dma_start3A_1263 = arith.constant 0 : i32
        %dma_start3A_1264 = tpu.memref_slice %arg6[%dma_start3A_1259, %dma_start3A_1260, %dma_start3A_1262, %dma_start3A_1263] : memref<4x8x50x32xf32, #tpu.memory_space<vmem>> -> memref<1x1x50x32xf32, #tpu.memory_space<vmem>>
        %dma_start3A_1265 = tpu.memref_squeeze %dma_start3A_1264 : memref<1x1x50x32xf32, #tpu.memory_space<vmem>> -> memref<50x32xf32, #tpu.memory_space<vmem>>
        %dma_start3A_1266 = arith.constant 0 : i32
        %dma_start3A_1267 = tpu.memref_slice %arg5[%add3A_1258, %dma_start3A_1266] : memref<512x50xi32, #tpu.memory_space<vmem>> -> memref<1x50xi32, #tpu.memory_space<vmem>>
        %dma_start3A_1268 = tpu.memref_squeeze %dma_start3A_1267 : memref<1x50xi32, #tpu.memory_space<vmem>> -> memref<50xi32, #tpu.memory_space<vmem>>
        %dma_start3A_1269 = arith.constant 0 : i32
        %dma_start3A_1270 = arith.constant 0 : i32
        %dma_start3A_1271 = tpu.memref_slice %arg3[%dma_start3A_1269, %dma_start3A_1270] : memref<1000000x32xf32, #tpu.memory_space<hbm>> -> memref<1000000x32xf32, #tpu.memory_space<hbm>>
        %dma_start3A_1272 = tpu.memref_slice %arg7[%dma_start3A_1261] : memref<4x!tpu.dma_semaphore, #tpu.memory_space<semaphore_mem>> -> memref<1x!tpu.dma_semaphore, #tpu.memory_space<semaphore_mem>>
        %dma_start3A_1273 = tpu.memref_squeeze %dma_start3A_1272 : memref<1x!tpu.dma_semaphore, #tpu.memory_space<semaphore_mem>> -> memref<!tpu.dma_semaphore, #tpu.memory_space<semaphore_mem>>
        tpu.enqueue_indirect_dma source(%dma_start3A_1271 : memref<1000000x32xf32, #tpu.memory_space<hbm>>) target(%dma_start3A_1265 : memref<50x32xf32, #tpu.memory_space<vmem>>) offsets(%dma_start3A_1268 : memref<50xi32, #tpu.memory_space<vmem>>) semaphore(%dma_start3A_1273 : memref<!tpu.dma_semaphore, #tpu.memory_space<semaphore_mem>>)
      } else {
      }
    }
    %scan3A_262 = arith.constant 16 : i32
    %add3A_263 = arith.constant 480 : i32
    %add3A_264 = arith.addi %mul3A_2, %add3A_263 : i32
    %dma_wait3A = arith.constant 0 : i32
    %dma_wait3A_265 = arith.constant 0 : i32
    %dma_wait3A_266 = arith.constant 0 : i32
    %dma_wait3A_267 = arith.constant 0 : i32
    %dma_wait3A_268 = arith.constant 0 : i32
    %dma_wait3A_269 = tpu.memref_slice %arg6[%dma_wait3A, %dma_wait3A_266, %dma_wait3A_267, %dma_wait3A_268] : memref<4x8x50x32xf32, #tpu.memory_space<vmem>> -> memref<1x8x50x32xf32, #tpu.memory_space<vmem>>
    %dma_wait3A_270 = tpu.memref_squeeze %dma_wait3A_269 : memref<1x8x50x32xf32, #tpu.memory_space<vmem>> -> memref<8x50x32xf32, #tpu.memory_space<vmem>>
    %dma_wait3A_271 = arith.constant 0 : i32
    %dma_wait3A_272 = arith.constant 0 : i32
    %dma_wait3A_273 = tpu.memref_slice %arg4[%add3A_264, %dma_wait3A_271, %dma_wait3A_272] : memref<16384x56x128xf32, #tpu.memory_space<hbm>> -> memref<8x50x32xf32, #tpu.memory_space<hbm>>
    %dma_wait3A_274 = tpu.memref_slice %arg8[%dma_wait3A_265] : memref<4x!tpu.dma_semaphore, #tpu.memory_space<semaphore_mem>> -> memref<1x!tpu.dma_semaphore, #tpu.memory_space<semaphore_mem>>
    %dma_wait3A_275 = tpu.memref_squeeze %dma_wait3A_274 : memref<1x!tpu.dma_semaphore, #tpu.memory_space<semaphore_mem>> -> memref<!tpu.dma_semaphore, #tpu.memory_space<semaphore_mem>>
    %dma_wait3A_276 = arith.constant 0 : i32
    %dma_wait3A_277 = arith.constant 0 : i32
    %dma_wait3A_278 = tpu.memref_slice %arg4[%add3A_264, %dma_wait3A_276, %dma_wait3A_277] : memref<16384x56x128xf32, #tpu.memory_space<hbm>> -> memref<8x50x32xf32, #tpu.memory_space<hbm>>
    %dma_wait3A_279 = arith.constant 0 : i32
    %dma_wait3A_280 = arith.constant 0 : i32
    %dma_wait3A_281 = arith.constant 0 : i32
    %dma_wait3A_282 = tpu.memref_slice %arg6[%dma_wait3A, %dma_wait3A_279, %dma_wait3A_280, %dma_wait3A_281] : memref<4x8x50x32xf32, #tpu.memory_space<vmem>> -> memref<1x8x50x32xf32, #tpu.memory_space<vmem>>
    %dma_wait3A_283 = tpu.memref_squeeze %dma_wait3A_282 : memref<1x8x50x32xf32, #tpu.memory_space<vmem>> -> memref<8x50x32xf32, #tpu.memory_space<vmem>>
    tpu.wait_dma2 semaphore(%dma_wait3A_275 : memref<!tpu.dma_semaphore, #tpu.memory_space<semaphore_mem>>) src(%dma_wait3A_283 : memref<8x50x32xf32, #tpu.memory_space<vmem>>) dst(%dma_wait3A_278 : memref<8x50x32xf32, #tpu.memory_space<hbm>>)
    %add3A_284 = arith.constant 488 : i32
    %add3A_285 = arith.addi %mul3A_2, %add3A_284 : i32
    %dma_wait3A_286 = arith.constant 1 : i32
    %dma_wait3A_287 = arith.constant 1 : i32
    %dma_wait3A_288 = arith.constant 0 : i32
    %dma_wait3A_289 = arith.constant 0 : i32
    %dma_wait3A_290 = arith.constant 0 : i32
    %dma_wait3A_291 = tpu.memref_slice %arg6[%dma_wait3A_286, %dma_wait3A_288, %dma_wait3A_289, %dma_wait3A_290] : memref<4x8x50x32xf32, #tpu.memory_space<vmem>> -> memref<1x8x50x32xf32, #tpu.memory_space<vmem>>
    %dma_wait3A_292 = tpu.memref_squeeze %dma_wait3A_291 : memref<1x8x50x32xf32, #tpu.memory_space<vmem>> -> memref<8x50x32xf32, #tpu.memory_space<vmem>>
    %dma_wait3A_293 = arith.constant 0 : i32
    %dma_wait3A_294 = arith.constant 0 : i32
    %dma_wait3A_295 = tpu.memref_slice %arg4[%add3A_285, %dma_wait3A_293, %dma_wait3A_294] : memref<16384x56x128xf32, #tpu.memory_space<hbm>> -> memref<8x50x32xf32, #tpu.memory_space<hbm>>
    %dma_wait3A_296 = tpu.memref_slice %arg8[%dma_wait3A_287] : memref<4x!tpu.dma_semaphore, #tpu.memory_space<semaphore_mem>> -> memref<1x!tpu.dma_semaphore, #tpu.memory_space<semaphore_mem>>
    %dma_wait3A_297 = tpu.memref_squeeze %dma_wait3A_296 : memref<1x!tpu.dma_semaphore, #tpu.memory_space<semaphore_mem>> -> memref<!tpu.dma_semaphore, #tpu.memory_space<semaphore_mem>>
    %dma_wait3A_298 = arith.constant 0 : i32
    %dma_wait3A_299 = arith.constant 0 : i32
    %dma_wait3A_300 = tpu.memref_slice %arg4[%add3A_285, %dma_wait3A_298, %dma_wait3A_299] : memref<16384x56x128xf32, #tpu.memory_space<hbm>> -> memref<8x50x32xf32, #tpu.memory_space<hbm>>
    %dma_wait3A_301 = arith.constant 0 : i32
    %dma_wait3A_302 = arith.constant 0 : i32
    %dma_wait3A_303 = arith.constant 0 : i32
    %dma_wait3A_304 = tpu.memref_slice %arg6[%dma_wait3A_286, %dma_wait3A_301, %dma_wait3A_302, %dma_wait3A_303] : memref<4x8x50x32xf32, #tpu.memory_space<vmem>> -> memref<1x8x50x32xf32, #tpu.memory_space<vmem>>
    %dma_wait3A_305 = tpu.memref_squeeze %dma_wait3A_304 : memref<1x8x50x32xf32, #tpu.memory_space<vmem>> -> memref<8x50x32xf32, #tpu.memory_space<vmem>>
    tpu.wait_dma2 semaphore(%dma_wait3A_297 : memref<!tpu.dma_semaphore, #tpu.memory_space<semaphore_mem>>) src(%dma_wait3A_305 : memref<8x50x32xf32, #tpu.memory_space<vmem>>) dst(%dma_wait3A_300 : memref<8x50x32xf32, #tpu.memory_space<hbm>>)
    %add3A_306 = arith.constant 496 : i32
    %add3A_307 = arith.addi %mul3A_2, %add3A_306 : i32
    %dma_wait3A_308 = arith.constant 2 : i32
    %dma_wait3A_309 = arith.constant 2 : i32
    %dma_wait3A_310 = arith.constant 0 : i32
    %dma_wait3A_311 = arith.constant 0 : i32
    %dma_wait3A_312 = arith.constant 0 : i32
    %dma_wait3A_313 = tpu.memref_slice %arg6[%dma_wait3A_308, %dma_wait3A_310, %dma_wait3A_311, %dma_wait3A_312] : memref<4x8x50x32xf32, #tpu.memory_space<vmem>> -> memref<1x8x50x32xf32, #tpu.memory_space<vmem>>
    %dma_wait3A_314 = tpu.memref_squeeze %dma_wait3A_313 : memref<1x8x50x32xf32, #tpu.memory_space<vmem>> -> memref<8x50x32xf32, #tpu.memory_space<vmem>>
    %dma_wait3A_315 = arith.constant 0 : i32
    %dma_wait3A_316 = arith.constant 0 : i32
    %dma_wait3A_317 = tpu.memref_slice %arg4[%add3A_307, %dma_wait3A_315, %dma_wait3A_316] : memref<16384x56x128xf32, #tpu.memory_space<hbm>> -> memref<8x50x32xf32, #tpu.memory_space<hbm>>
    %dma_wait3A_318 = tpu.memref_slice %arg8[%dma_wait3A_309] : memref<4x!tpu.dma_semaphore, #tpu.memory_space<semaphore_mem>> -> memref<1x!tpu.dma_semaphore, #tpu.memory_space<semaphore_mem>>
    %dma_wait3A_319 = tpu.memref_squeeze %dma_wait3A_318 : memref<1x!tpu.dma_semaphore, #tpu.memory_space<semaphore_mem>> -> memref<!tpu.dma_semaphore, #tpu.memory_space<semaphore_mem>>
    %dma_wait3A_320 = arith.constant 0 : i32
    %dma_wait3A_321 = arith.constant 0 : i32
    %dma_wait3A_322 = tpu.memref_slice %arg4[%add3A_307, %dma_wait3A_320, %dma_wait3A_321] : memref<16384x56x128xf32, #tpu.memory_space<hbm>> -> memref<8x50x32xf32, #tpu.memory_space<hbm>>
    %dma_wait3A_323 = arith.constant 0 : i32
    %dma_wait3A_324 = arith.constant 0 : i32
    %dma_wait3A_325 = arith.constant 0 : i32
    %dma_wait3A_326 = tpu.memref_slice %arg6[%dma_wait3A_308, %dma_wait3A_323, %dma_wait3A_324, %dma_wait3A_325] : memref<4x8x50x32xf32, #tpu.memory_space<vmem>> -> memref<1x8x50x32xf32, #tpu.memory_space<vmem>>
    %dma_wait3A_327 = tpu.memref_squeeze %dma_wait3A_326 : memref<1x8x50x32xf32, #tpu.memory_space<vmem>> -> memref<8x50x32xf32, #tpu.memory_space<vmem>>
    tpu.wait_dma2 semaphore(%dma_wait3A_319 : memref<!tpu.dma_semaphore, #tpu.memory_space<semaphore_mem>>) src(%dma_wait3A_327 : memref<8x50x32xf32, #tpu.memory_space<vmem>>) dst(%dma_wait3A_322 : memref<8x50x32xf32, #tpu.memory_space<hbm>>)
    %add3A_328 = arith.constant 504 : i32
    %add3A_329 = arith.addi %mul3A_2, %add3A_328 : i32
    %dma_wait3A_330 = arith.constant 3 : i32
    %dma_wait3A_331 = arith.constant 3 : i32
    %dma_wait3A_332 = arith.constant 0 : i32
    %dma_wait3A_333 = arith.constant 0 : i32
    %dma_wait3A_334 = arith.constant 0 : i32
    %dma_wait3A_335 = tpu.memref_slice %arg6[%dma_wait3A_330, %dma_wait3A_332, %dma_wait3A_333, %dma_wait3A_334] : memref<4x8x50x32xf32, #tpu.memory_space<vmem>> -> memref<1x8x50x32xf32, #tpu.memory_space<vmem>>
    %dma_wait3A_336 = tpu.memref_squeeze %dma_wait3A_335 : memref<1x8x50x32xf32, #tpu.memory_space<vmem>> -> memref<8x50x32xf32, #tpu.memory_space<vmem>>
    %dma_wait3A_337 = arith.constant 0 : i32
    %dma_wait3A_338 = arith.constant 0 : i32
    %dma_wait3A_339 = tpu.memref_slice %arg4[%add3A_329, %dma_wait3A_337, %dma_wait3A_338] : memref<16384x56x128xf32, #tpu.memory_space<hbm>> -> memref<8x50x32xf32, #tpu.memory_space<hbm>>
    %dma_wait3A_340 = tpu.memref_slice %arg8[%dma_wait3A_331] : memref<4x!tpu.dma_semaphore, #tpu.memory_space<semaphore_mem>> -> memref<1x!tpu.dma_semaphore, #tpu.memory_space<semaphore_mem>>
    %dma_wait3A_341 = tpu.memref_squeeze %dma_wait3A_340 : memref<1x!tpu.dma_semaphore, #tpu.memory_space<semaphore_mem>> -> memref<!tpu.dma_semaphore, #tpu.memory_space<semaphore_mem>>
    %dma_wait3A_342 = arith.constant 0 : i32
    %dma_wait3A_343 = arith.constant 0 : i32
    %dma_wait3A_344 = tpu.memref_slice %arg4[%add3A_329, %dma_wait3A_342, %dma_wait3A_343] : memref<16384x56x128xf32, #tpu.memory_space<hbm>> -> memref<8x50x32xf32, #tpu.memory_space<hbm>>
    %dma_wait3A_345 = arith.constant 0 : i32
    %dma_wait3A_346 = arith.constant 0 : i32
    %dma_wait3A_347 = arith.constant 0 : i32
    %dma_wait3A_348 = tpu.memref_slice %arg6[%dma_wait3A_330, %dma_wait3A_345, %dma_wait3A_346, %dma_wait3A_347] : memref<4x8x50x32xf32, #tpu.memory_space<vmem>> -> memref<1x8x50x32xf32, #tpu.memory_space<vmem>>
    %dma_wait3A_349 = tpu.memref_squeeze %dma_wait3A_348 : memref<1x8x50x32xf32, #tpu.memory_space<vmem>> -> memref<8x50x32xf32, #tpu.memory_space<vmem>>
    tpu.wait_dma2 semaphore(%dma_wait3A_341 : memref<!tpu.dma_semaphore, #tpu.memory_space<semaphore_mem>>) src(%dma_wait3A_349 : memref<8x50x32xf32, #tpu.memory_space<vmem>>) dst(%dma_wait3A_344 : memref<8x50x32xf32, #tpu.memory_space<hbm>>)
    return
  }
}

</mosaic_0001>

<sc_bundles>
// kernel: kernel.3.cloned.1.call-start
scs
__scs_entry_jumppad:
0x0: {  	(pc) =	sbr.rel $0x88, $3  }
0x1: {  	(tag) =	ssettag $0x0;
	lr =	simm.s32 $0x1  }
0x2: {  	[smem:$0x3F9F] =	sst lr;
	_ =	strace $0xD0000000  }
0x3: {  	_ = 	snop  }
0x4: {  	_ = 	snop  }
0x5: {  	_ = 	snop  }
0x6: {  	_ = 	snop  }
0x7: {  	_ = 	snop  }
__scs_overlays_trampoline_lowered:
0x8: {  	[smem:$0x3FAE] =	sst s0  }
0x9: {  	[smem:$0x3FAF] =	sst s1  }
0xa: {  	[smem:$0x3FB0] =	sst s2  }
0xb: {  	[smem:$0x3FB1] =	sst s3  }
0xc: {  	[smem:$0x3FB2] =	sst s4  }
0xd: {  	[smem:$0x3FB3] =	sst s5  }
0xe: {  	[smem:$0x3FB4] =	sst s6  }
0xf: {  	[smem:$0x3FB5] =	sst s7  }
0x10: {  	[smem:$0x3FB6] =	sst s8  }
0x11: {  	[smem:$0x3FB7] =	sst s9;
	s0 =	simm.s32 @!p0 $0x0  }
0x12: {  	s1 =	sld [smem:$0x3F9D];
	s0 =	simm.s32 @p0 $0x1  }
0x13: {  	[smem:$0x3FB8] =	sst s0;
	s0 =	simm.s32 @!p1 $0x0  }
0x14: {  	s2 =	sld [smem:$0x3F9C];
	s0 =	simm.s32 @p1 $0x1  }
0x15: {  	[smem:$0x3FB9] =	sst s0;
	s0 =	simm.s32 @!p2 $0x0  }
0x16: {  	s3 =	sld [smem:$0x3FDB];
	s0 =	simm.s32 @p2 $0x1  }
0x17: {  	s4 =	simm.s32 $0x1BF5;
	[smem:$0x3FBB] =	sst s0  }
0x18: {  	s0 =	sld [smem:$0x3F9E];
	_ =	swait.ge [sflag:s4], $0x0  }
0x19: {  	s7 =	sld [smem:$0x3F9F]  }
0x1a: {  	s8 =	sadd.s32 $0xFFFFE003, lr  }
0x1b: {  	s9 =	sadd.s32 $0xFFFFFEF7, lr;
	s5 =	simm.s32 $0xFFFFFFFF;
	p2 =	slt.u32 s8, $0xFFFFF086  }
0x1c: {  	p1 =	slt.u32 s9, $0xF7A;
	s5 =	simm.s32 @!p2 $0x0  }
0x1d: {  	s5 =	simm.s32 @p1 $0x1;
	p0 =	seq.s32 s7, s2  }
0x1e: {  	s7 =	smul.u32 @!p0 $0xF7A, s2;
	p2 =	seq.s32 @!p0 s5, $0x0  }
0x1f: {  	s9 =	smul.u32 $0xF7A, s1;
	s8 =	simm.s32 @!p0 $0x1BF5;
	p2 =	por !p2, p0  }
0x20: {  	[sflag:s8] =	ssyncset.s32 @!p0 $0xFFFFF086;
	s6 =	sadd.s32 @!p0 s3, s7;
	s7 =	simm.s32 @!p0 $0x108  }
0x21: {  	s3 =	sadd.s32 s3, s9;
	s6 =	sadd.s32 @!p0 $0x88, s6;
	s7 =	simm.s32 @p2 $0x1082  }
0x22: {  	[simem:s7], [sflag:s8] =	dma.local @!p0 [hbm:s6], $0xF7A  }
0x23: {  	s9 =	sor.u32 $0xD0000000, s2;
	s6 =	simm.s32 $0x108;
	_ =	swait.ge @!p0 [sflag:s8], $0x0  }
0x24: {  	s3 =	sadd.s32 $0x88, s3;
	s6 =	simm.s32 @!p1 $0x1082;
	[sflag:s4] =	ssyncset.s32 $0xFFFFF086  }
0x25: {  	[simem:s6], [sflag:s4] =	dma.local [hbm:s3], $0xF7A  }
0x26: {  	[smem:$0x3F9F] =	sst s1;
	(tag) =	ssettag s2;
	_ =	strace s9  }
0x27: {  	s1 =	sld [smem:$0x3FAF]  }
0x28: {  	s2 =	sld [smem:$0x3FB0]  }
0x29: {  	s4 =	sld [smem:$0x3FB2]  }
0x2a: {  	p0 =	seq.s32 s5, $0x0;
	s5 =	sld [smem:$0x3FB3]  }
0x2b: {  	s6 =	sld [smem:$0x3FB4]  }
0x2c: {  	s7 =	sld [smem:$0x3FB5]  }
0x2d: {  	s3 =	simm.s32 $0x108;
	s8 =	sld [smem:$0x3FB6]  }
0x2e: {  	s3 =	simm.s32 @!p0 $0x1082;
	s9 =	sld [smem:$0x3FB7]  }
0x2f: {  	lr =	sadd.s32 s0, s3;
	s0 =	sld [smem:$0x3FAE]  }
0x30: {  	s3 =	sld [smem:$0x3FB1]  }
0x31: {  	[smem:$0x3FBA] =	sst s10  }
0x32: {  	s10 =	sld [smem:$0x3FB8];
	_ =	sdelay $0x3  }
0x33: {  	p0 =	seq.s32 s10, $0x1;
	s10 =	sld [smem:$0x3FBA];
	_ =	sdelay $0x3  }
0x34: {  	[smem:$0x3FBA] =	sst s10  }
0x35: {  	s10 =	sld [smem:$0x3FB9];
	_ =	sdelay $0x3  }
0x36: {  	p1 =	seq.s32 s10, $0x1;
	s10 =	sld [smem:$0x3FBA];
	_ =	sdelay $0x3  }
0x37: {  	[smem:$0x3FBA] =	sst s10  }
0x38: {  	s10 =	sld [smem:$0x3FBB]  }
0x39: {  	_ = 	snop;
	(pc) =	sbr.ind lr, $3  }
0x3a: {  	_ = 	snop  }
0x3b: {  	_ = 	snop  }
0x3c: {  	p2 =	seq.s32 s10, $0x1;
	s10 =	sld [smem:$0x3FBA]  }
0x3d: {  	_ =	shalt  }
0x3e: {  	_ =	shalt  }
0x3f: {  	_ =	shalt  }
0x40: {  	_ =	shalt  }
0x41: {  	_ =	shalt  }
0x42: {  	_ =	shalt  }
0x43: {  	_ =	shalt  }
0x44: {  	_ =	shalt  }
0x45: {  	_ =	shalt  }
0x46: {  	_ =	shalt  }
0x47: {  	_ =	shalt  }
0x48: {  	_ =	shalt  }
0x49: {  	_ =	shalt  }
0x4a: {  	_ =	shalt  }
0x4b: {  	_ =	shalt  }
0x4c: {  	_ =	shalt  }
0x4d: {  	_ =	shalt  }
0x4e: {  	_ =	shalt  }
0x4f: {  	_ =	shalt  }
0x50: {  	_ =	shalt  }
0x51: {  	_ =	shalt  }
0x52: {  	_ =	shalt  }
0x53: {  	_ =	shalt  }
0x54: {  	_ =	shalt  }
0x55: {  	_ =	shalt  }
0x56: {  	_ =	shalt  }
0x57: {  	_ =	shalt  }
0x58: {  	_ =	shalt  }
0x59: {  	_ =	shalt  }
0x5a: {  	_ =	shalt  }
0x5b: {  	_ =	shalt  }
0x5c: {  	_ =	shalt  }
0x5d: {  	_ =	shalt  }
0x5e: {  	_ =	shalt  }
0x5f: {  	_ =	shalt  }
0x60: {  	_ =	shalt  }
0x61: {  	_ =	shalt  }
0x62: {  	_ =	shalt  }
0x63: {  	_ =	shalt  }
0x64: {  	_ =	shalt  }
0x65: {  	_ =	shalt  }
0x66: {  	_ =	shalt  }
0x67: {  	_ =	shalt  }
0x68: {  	_ =	shalt  }
0x69: {  	_ =	shalt  }
0x6a: {  	_ =	shalt  }
0x6b: {  	_ =	shalt  }
0x6c: {  	_ =	shalt  }
0x6d: {  	_ =	shalt  }
0x6e: {  	_ =	shalt  }
0x6f: {  	_ =	shalt  }
0x70: {  	_ =	shalt  }
0x71: {  	_ =	shalt  }
0x72: {  	_ =	shalt  }
0x73: {  	_ =	shalt  }
0x74: {  	_ =	shalt  }
0x75: {  	_ =	shalt  }
0x76: {  	_ =	shalt  }
0x77: {  	_ =	shalt  }
0x78: {  	_ =	shalt  }
0x79: {  	_ =	shalt  }
0x7a: {  	_ =	shalt  }
0x7b: {  	_ =	shalt  }
0x7c: {  	_ =	shalt  }
0x7d: {  	_ =	shalt  }
0x7e: {  	_ =	shalt  }
0x7f: {  	_ =	shalt  }
0x80: {  	_ =	shalt  }
0x81: {  	_ =	shalt  }
0x82: {  	_ =	shalt  }
0x83: {  	_ =	shalt  }
0x84: {  	_ =	shalt  }
0x85: {  	_ =	shalt  }
0x86: {  	_ =	shalt  }
0x87: {  	_ =	shalt  }
.Lfunc_end0:
.L_simem_size_0:
called_computation.1_lowered:
.L_overlay_start_0:
0x88: {  	s2 =	sld [smem:$0x3FD9]  }
0x89: {  	s3 =	sld [smem:$0x3FFE];
	_ =	sdelay $0x1  }
0x8a: {  	s1 =	srdreg.scid  }
0x8b: {  	s0 =	sand.u32 $0x1, s1  }
0x8c: {  	s17 =	sshll.u32 s0, $0xA;
	s2 =	sadd.s32 s3, s2  }
0x8d: {  	s2 =	sadd.s32 s2, s17  }
0x8e: {  	[smem:$0x3FC6] =	sst s2  }
0x8f: {  	_ = 	snop  }
0x90: {  	s2 =	sld [smem:$0x3FD0];
	(tm) =	ssettm $0x1  }
0x91: {  	s18 =	sld [smem:$0x3FFB];
	_ =	sdelay $0x3  }
0x92: {  	_ =	strace s18  }
0x93: {  	s3 =	sld [smem:$0x3FFC];
	_ =	sdelay $0x3  }
0x94: {  	_ =	strace s3  }
0x95: {  	s3 =	sld [smem:$0x3FFD];
	_ =	sdelay $0x3  }
0x96: {  	_ =	strace s3  }
0x97: {  	_ =	strace $0x8FFFFFFF  }
0x98: {  	s19 =	sld [smem:$0x3FDB];
	_ =	sdelay $0x1  }
0x99: {  	s4 =	simm.s32 $_scs_section_size  }
0x9a: {  	s5 =	simm.s32 $_size__tile_overlayer_lowered;
	s6 =	simm.s32 $_tile_overlayer_lowered  }
0x9b: {  	s22 =	simm.s32 $0x1BFF;
	s21 =	sshll.u32 s6, $0x1;
	s3 =	sadd.s32 s4, s19  }
0x9c: {  	s7 =	simm.s32 $0x0;
	s20 =	sshll.u32 s5, $0x1;
	s5 =	sadd.s32 s21, s3  }
0x9d: {  	[timem:s7], [sflag:s22] =	dma.local [hbm:s5], s20  }
0x9e: {  	_ =	swait.ge [sflag:s22], s20  }
0x9f: {  	s4 =	ssub.s32 $0x0, s20;
	[sflag:s22] =	ssyncset.done $0x0  }
0xa0: {  	[sflag:s22] =	ssyncadd.s32 s4;
	_ =	sdelay $0x1  }
0xa1: {  	s23 =	simm.s32 $0x1B8B  }
0xa2: {  	_ =	swait.ge [sflag:s23], $0x1  }
0xa3: {  	[sflag:s23] =	ssyncset.done $0x0  }
0xa4: {  	s25 =	simm.s32 $0x1B8E;
	s24 =	sld [smem:$0x3FFE];
	[sflag:s23] =	ssyncadd.s32 $0xFFFFFFFF  }
0xa5: {  	s26 =	simm.s32 $execute0_lowered;
	[smem:$0x3FD2] =	sst s25  }
0xa6: {  	s5 =	sshll.u32 s26, $0x1;
	_ =	strace $0x80000046;
	[dreg:$0x1] =	wrdreg $0xFFFFFFFF  }
0xa7: {  	s28 =	simm.s32 $_size_execute0_lowered;
	s3 =	sadd.s32 s3, s5;
	[dreg:$0x0] =	wrdreg $0x0  }
0xa8: {  	s5 =	sshll.u32 s28, $0x1;
	[dreg:$0x2] =	wrdreg s3  }
0xa9: {  	[dreg:$0x3] =	wrdreg s5  }
0xaa: {  	[dreg:$0x4] =	wrdreg $0xC0  }
0xab: {  	_ =	task [dreg:s7], $0x5FFFF  }
0xac: {  	[dreg:$0x1] =	wrdreg $0xFFFFFFFF  }
0xad: {  	[dreg:$0x0] =	wrdreg $0x60  }
0xae: {  	[dreg:$0x2] =	wrdreg s2  }
0xaf: {  	[dreg:$0x3] =	wrdreg s24  }
0xb0: {  	[dreg:$0x4] =	wrdreg $0x9  }
0xb1: {  	_ =	task.clear_ibuf [dreg:s7], $0x5FFFF;
	_ =	strace $0x90000046  }
0xb2: {  	s29 =	simm.s32 $0x9;
	_ =	strace $0x80000048  }
0xb3: {  	_ =	swait.ge [sflag:s29], $0x1  }
0xb4: {  	[sflag:s29] =	ssyncadd.s32 $0xFFFFFFFF  }
0xb5: {  	_ =	strace $0x90000048  }
0xb6: {  	_ =	sfence  }
0xb7: {  	s30 =	sld [smem:$0x0];
	_ =	sdelay $0x2  }
0xb8: {  	s31 =	sshll.u32 s1, $0xD;
	s1 =	sshrl.u32 s1, $0x2  }
0xb9: {  	s3 =	sand.u32 $0x4000, s31;
	s1 =	sadd.s32 s1, s30  }
0xba: {  	s0 =	sor.u32 s3, s0;
	s1 =	sshll.u32 s1, $0x11  }
0xbb: {  	s0 =	sor.u32 s1, s0  }
0xbc: {  	s0 =	sadd.s32 $0x8F2B, s0  }
0xbd: {  	[sflag:s0] =	ssyncadd.remote.s32 $0x1  }
0xbe: {  	_ =	sfence.sel $0xFFFF  }
0xbf: {  	[dreg:$0x0] =	wrdreg $0xFFFFFFFF;
	(pc) =	sbr.abs _section_cstart, $3  }
0xc0: {  	[dreg:$0x1] =	wrdreg $0xFFFFFFFF  }
0xc1: {  	_ =	task.clear_ibuf [dreg:s7], $0x2FFFF;
	_ =	strace $0x9FFFFFFF  }
0xc2: {  	(tm) =	ssettm $0x7FFFFFFF  }
0xc3: {  	_ =	shalt  }
tec
execute0_lowered:
.L_overlay_start_1:
0x0: {  	(tag) =	ssettag $0x1  }
0x1: {  	s0 =	rddreg [dreg:$0x0]  }
0x2: {  	s1 =	rddreg [dreg:$0x1];
	s2 =	simm.s32 $0x0;
	s23 =	srdreg.scid  }
0x3: {  	s4 =	stileid.u32;
	s8 =	simm.s32 $0x32;
	s22 =	simm.s32 $0xA200  }
0x4: {  	s12 =	simm.s32 $0xA840;
	s16 =	simm.s32 $0xAE80;
	s20 =	simm.s32 $0xB4C0  }
0x5: {  	s29 =	simm.s32 $0x80;
	s9 =	simm.s32 $0x0;
	s13 =	simm.s32 $0xED00  }
0x6: {  	s15 =	simm.s32 $0xF340;
	s17 =	simm.s32 $0xF980;
	s19 =	simm.s32 $0xFFC0  }
0x7: {  	s28 =	simm.s32 $0x10C40;
	s30 =	simm.s32 $0x11280;
	[smem:$0x7FF] =	sst s2  }
0x8: {  	s2 =	sand.u32 $0x1, s23;
	s3 =	smul.u32 $0xE0000, s4;
	s4 =	sshll.u32 s4, $0xA  }
0x9: {  	s23 =	simm.s32 $0x3;
	_ =	strace $0x80000047;
	s5 =	sshll.u32 s2, $0x9  }
0xa: {  	s6 =	ssub.s32 $0x2, s2;
	s2 =	smul.u32 $0x70000, s2;
	s4 =	sor.u32 s5, s4  }
0xb: {  	s24 =	sadd.s32 s3, s1;
	s7 =	sshrl.u32 s6, $0x1;
	s3 =	sadd.s32 $0xF42E00, s1  }
0xc: {  	s5 =	simm.s32 $0xC780;
	s4 =	smul.u32 $0x7, s4;
	s25 =	ssub.s32 s6, s7  }
.Ltmp0:
0xd: {  	s2 =	sadd.s32 s2, s24;
	s7 =	simm.s32 $0xCDC0;
	(pc) =	sbr.rel .LBB2_1-.Ltmp0, $4  }
0xe: {  	s24 =	simm.s32 $0x1;
	s6 =	simm.s32 $0x2;
	s26 =	smax.u32 s25, $0x1  }
0xf: {  	s31 =	sadd.s32 $0xA00, s2;
	s2 =	simm.s32 $0xBB00;
	[dreg:$0x4] =	wrdreg s26  }
0x10: {  	s25 =	simm.s32 $0x4;
	s0 =	sadd.s32 s0, s4;
	[dreg:$0x5] =	wrdreg s31  }
0x11: {  	s4 =	simm.s32 $0xC140;
	s26 =	simm.s32 $0x20;
	[dreg:$0x3] =	wrdreg s0  }
.LBB2_4:
0x12: {  	s0 =	simm.s32 $0x5  }
0x13: {  	_ =	swait.ge [sflag:s0], $0x3200  }
0x14: {  	[sflag:s0] =	ssyncset.done $0x0  }
0x15: {  	s21 =	simm.s32 $0x6;
	[sflag:s0] =	ssyncadd.s32 $0xFFFFCE00  }
0x16: {  	_ =	swait.ge [sflag:s21], $0x3200  }
0x17: {  	[sflag:s21] =	ssyncset.done $0x0  }
0x18: {  	s22 =	simm.s32 $0x7;
	[sflag:s21] =	ssyncadd.s32 $0xFFFFCE00  }
0x19: {  	_ =	swait.ge [sflag:s22], $0x3200  }
0x1a: {  	[sflag:s22] =	ssyncset.done $0x0  }
0x1b: {  	s1 =	simm.s32 $0x8;
	[sflag:s22] =	ssyncadd.s32 $0xFFFFCE00  }
0x1c: {  	_ =	swait.ge [sflag:s1], $0x3200  }
0x1d: {  	s9 =	rddreg [dreg:$0x6]  }
0x1e: {  	s31 =	rddreg [dreg:$0x4];
	s9 =	sadd.s32 $0x1, s9  }
0x1f: {  	p0 =	sne.s32 s9, s31  }
.Ltmp1:
0x20: {  	_ = 	snop;
	(pc) =	sbr.rel @!p0 .LBB2_5-.Ltmp1, $4  }
0x21: {  	s12 =	simm.s32 $0xA840  }
0x22: {  	s16 =	simm.s32 $0xAE80;
	s20 =	simm.s32 $0xB4C0;
	s2 =	simm.s32 $0xBB00  }
0x23: {  	s4 =	simm.s32 $0xC140;
	s5 =	simm.s32 $0xC780;
	[sflag:s1] =	ssyncset.done $0x0  }
0x24: {  	s7 =	simm.s32 $0xCDC0;
	s22 =	simm.s32 $0xA200;
	[sflag:s1] =	ssyncadd.s32 $0xFFFFCE00  }
.LBB2_1:
0x25: {  	[dreg:$0x6] =	wrdreg s9  }
0x26: {  	s0 =	simm.s32 $0x0;
	s1 =	rddreg [dreg:$0x3];
	s31 =	simm.s32 $0x9  }
0x27: {  	[tilespmem:s0], [sflag:$0x9] =	stream.linear.gather [hbm4b:s1+s0], $0x7000, $0x38;
	[tilespmem:$0x13800] =	vst v63  }
0x28: {  	_ =	swait.ge [sflag:s31], $0x7000  }
0x29: {  	[sflag:s31] =	ssyncset.done $0x0  }
0x2a: {  	s9 =	simm.s32 $0x7000;
	[sflag:s31] =	ssyncadd.s32 $0xFFFF9000  }
0x2b: {  	[tilespmem:s9], [sflag:$0x1] =	stream.indirect.gather [hbm4b:s3+s8], $0x20, s0, s8, $0xb8;
	[tilespmem:$0x13800] =	vst v63  }
0x2c: {  	s10 =	simm.s32 $0x38;
	s11 =	simm.s32 $0x7640  }
0x2d: {  	[tilespmem:s11], [sflag:$0x1] =	stream.indirect.gather [hbm4b:s3+s8], $0x20, s10, s8, $0xb8;
	[tilespmem:$0x13800] =	vst v63  }
0x2e: {  	s14 =	simm.s32 $0x70;
	s18 =	simm.s32 $0x7C80  }
0x2f: {  	[tilespmem:s18], [sflag:$0x1] =	stream.indirect.gather [hbm4b:s3+s8], $0x20, s14, s8, $0xb8;
	[tilespmem:$0x13800] =	vst v63  }
0x30: {  	s21 =	simm.s32 $0xA8;
	s31 =	simm.s32 $0x82C0  }
0x31: {  	[tilespmem:s31], [sflag:$0x1] =	stream.indirect.gather [hbm4b:s3+s8], $0x20, s21, s8, $0xb8;
	[tilespmem:$0x13800] =	vst v63  }
0x32: {  	s1 =	simm.s32 $0xE0;
	s9 =	simm.s32 $0x8900  }
0x33: {  	[tilespmem:s9], [sflag:$0x1] =	stream.indirect.gather [hbm4b:s3+s8], $0x20, s1, s8, $0xb8;
	[tilespmem:$0x13800] =	vst v63  }
0x34: {  	s10 =	simm.s32 $0x118;
	s11 =	simm.s32 $0x8F40  }
0x35: {  	[tilespmem:s11], [sflag:$0x1] =	stream.indirect.gather [hbm4b:s3+s8], $0x20, s10, s8, $0xb8;
	[tilespmem:$0x13800] =	vst v63  }
0x36: {  	s14 =	simm.s32 $0x150;
	s18 =	simm.s32 $0x9580  }
0x37: {  	[tilespmem:s18], [sflag:$0x1] =	stream.indirect.gather [hbm4b:s3+s8], $0x20, s14, s8, $0xb8;
	[tilespmem:$0x13800] =	vst v63  }
0x38: {  	s21 =	simm.s32 $0x188;
	s31 =	simm.s32 $0x9BC0  }
0x39: {  	[tilespmem:s31], [sflag:$0x1] =	stream.indirect.gather [hbm4b:s3+s8], $0x20, s21, s8, $0xb8;
	[tilespmem:$0x13800] =	vst v63  }
0x3a: {  	s1 =	simm.s32 $0x1C0  }
0x3b: {  	[tilespmem:s22], [sflag:$0x2] =	stream.indirect.gather [hbm4b:s3+s8], $0x20, s1, s8, $0xb8;
	[tilespmem:$0x13800] =	vst v63  }
0x3c: {  	s9 =	simm.s32 $0x1F8  }
0x3d: {  	[tilespmem:s12], [sflag:$0x2] =	stream.indirect.gather [hbm4b:s3+s8], $0x20, s9, s8, $0xb8;
	[tilespmem:$0x13800] =	vst v63  }
0x3e: {  	s10 =	simm.s32 $0x230  }
0x3f: {  	[tilespmem:s16], [sflag:$0x2] =	stream.indirect.gather [hbm4b:s3+s8], $0x20, s10, s8, $0xb8;
	[tilespmem:$0x13800] =	vst v63  }
0x40: {  	s11 =	simm.s32 $0x268  }
0x41: {  	[tilespmem:s20], [sflag:$0x2] =	stream.indirect.gather [hbm4b:s3+s8], $0x20, s11, s8, $0xb8;
	[tilespmem:$0x13800] =	vst v63  }
0x42: {  	s14 =	simm.s32 $0x2A0  }
0x43: {  	[tilespmem:s2], [sflag:$0x2] =	stream.indirect.gather [hbm4b:s3+s8], $0x20, s14, s8, $0xb8;
	[tilespmem:$0x13800] =	vst v63  }
0x44: {  	s18 =	simm.s32 $0x2D8  }
0x45: {  	[tilespmem:s4], [sflag:$0x2] =	stream.indirect.gather [hbm4b:s3+s8], $0x20, s18, s8, $0xb8;
	[tilespmem:$0x13800] =	vst v63  }
0x46: {  	s0 =	rddreg [dreg:$0x5];
	s21 =	simm.s32 $0x310  }
0x47: {  	[tilespmem:s5], [sflag:$0x2] =	stream.indirect.gather [hbm4b:s3+s8], $0x20, s21, s8, $0xb8;
	[tilespmem:$0x13800] =	vst v63  }
0x48: {  	s31 =	simm.s32 $0x348;
	s9 =	simm.s32 $0xFFFFFFFC;
	s10 =	simm.s32 $0x0  }
0x49: {  	[tilespmem:s7], [sflag:$0x2] =	stream.indirect.gather [hbm4b:s3+s8], $0x20, s31, s8, $0xb8;
	[tilespmem:$0x13800] =	vst v63  }
.LBB2_2:
0x4a: {  	_ =	swait.ge [sflag:s24], $0x640  }
0x4b: {  	[sflag:s24] =	ssyncset.done $0x0  }
0x4c: {  	[sflag:s24] =	ssyncadd.s32 $0xFFFFF9C0  }
0x4d: {  	_ =	swait.ge [sflag:s24], $0x640  }
0x4e: {  	[sflag:s24] =	ssyncset.done $0x0  }
0x4f: {  	[sflag:s24] =	ssyncadd.s32 $0xFFFFF9C0  }
0x50: {  	_ =	swait.ge [sflag:s24], $0x640  }
0x51: {  	[sflag:s24] =	ssyncset.done $0x0  }
0x52: {  	[sflag:s24] =	ssyncadd.s32 $0xFFFFF9C0  }
0x53: {  	_ =	swait.ge [sflag:s24], $0x640  }
0x54: {  	[sflag:s24] =	ssyncset.done $0x0  }
0x55: {  	[sflag:s24] =	ssyncadd.s32 $0xFFFFF9C0  }
0x56: {  	_ =	swait.ge [sflag:s24], $0x640  }
0x57: {  	[sflag:s24] =	ssyncset.done $0x0  }
0x58: {  	[sflag:s24] =	ssyncadd.s32 $0xFFFFF9C0  }
0x59: {  	_ =	swait.ge [sflag:s24], $0x640  }
0x5a: {  	[sflag:s24] =	ssyncset.done $0x0  }
0x5b: {  	[sflag:s24] =	ssyncadd.s32 $0xFFFFF9C0  }
0x5c: {  	_ =	swait.ge [sflag:s24], $0x640  }
0x5d: {  	[sflag:s24] =	ssyncset.done $0x0  }
0x5e: {  	[sflag:s24] =	ssyncadd.s32 $0xFFFFF9C0  }
0x5f: {  	_ =	swait.ge [sflag:s24], $0x640  }
0x60: {  	[sflag:s24] =	ssyncset.done $0x0  }
0x61: {  	s1 =	simm.s32 $0x7000;
	[sflag:s24] =	ssyncadd.s32 $0xFFFFF9C0  }
0x62: {  	[hbm4b:s0+s26] =	stream.strided.scatter [tilespmem:s1], [sflag:$0x5], $0x640, s29, s26, $0x38;
	[tilespmem:$0x13800] =	vst v63  }
0x63: {  	s14 =	sadd.s32 $0x380, s0;
	s31 =	simm.s32 $0x7640  }
0x64: {  	[hbm4b:s14+s26] =	stream.strided.scatter [tilespmem:s31], [sflag:$0x5], $0x640, s29, s26, $0x38;
	[tilespmem:$0x13800] =	vst v63  }
0x65: {  	s11 =	sadd.s32 $0x700, s0;
	s18 =	simm.s32 $0x7C80  }
0x66: {  	[hbm4b:s11+s26] =	stream.strided.scatter [tilespmem:s18], [sflag:$0x5], $0x640, s29, s26, $0x38;
	[tilespmem:$0x13800] =	vst v63  }
0x67: {  	s21 =	sadd.s32 $0xA80, s0;
	s31 =	simm.s32 $0x82C0  }
0x68: {  	[hbm4b:s21+s26] =	stream.strided.scatter [tilespmem:s31], [sflag:$0x5], $0x640, s29, s26, $0x38;
	[tilespmem:$0x13800] =	vst v63  }
0x69: {  	s11 =	sadd.s32 $0xE00, s0;
	s18 =	simm.s32 $0x8900  }
0x6a: {  	[hbm4b:s11+s26] =	stream.strided.scatter [tilespmem:s18], [sflag:$0x5], $0x640, s29, s26, $0x38;
	[tilespmem:$0x13800] =	vst v63  }
0x6b: {  	s21 =	sadd.s32 $0x1180, s0;
	s31 =	simm.s32 $0x8F40  }
0x6c: {  	[hbm4b:s21+s26] =	stream.strided.scatter [tilespmem:s31], [sflag:$0x5], $0x640, s29, s26, $0x38;
	[tilespmem:$0x13800] =	vst v63  }
0x6d: {  	p0 =	sgt.u32 s9, $0x3B;
	s11 =	sadd.s32 $0x1500, s0;
	s18 =	simm.s32 $0x9580  }
0x6e: {  	[hbm4b:s11+s26] =	stream.strided.scatter [tilespmem:s18], [sflag:$0x5], $0x640, s29, s26, $0x38;
	[tilespmem:$0x13800] =	vst v63  }
0x6f: {  	s21 =	sadd.s32 $0x1880, s0;
	s31 =	simm.s32 $0x9BC0;
	s18 =	simm.s32 @!p0 $0x7  }
0x70: {  	[hbm4b:s21+s26] =	stream.strided.scatter [tilespmem:s31], [sflag:$0x5], $0x640, s29, s26, $0x38;
	[tilespmem:$0x13800] =	vst v63  }
0x71: {  	_ =	swait.ge @!p0 [sflag:s18], $0x3200  }
0x72: {  	s14 =	sshra.s32 s10, $0x2;
	[sflag:s18] =	ssyncset.done @!p0 $0x0  }
0x73: {  	s1 =	simm.s32 $0xD400;
	s11 =	sadd.s32 $0x380, s14;
	[sflag:s18] =	ssyncadd.s32 @!p0 $0xFFFFCE00  }
0x74: {  	[tilespmem:s1], [sflag:$0x3] =	stream.indirect.gather [hbm4b:s3+s8], $0x20, s11, s8, $0xb8;
	[tilespmem:$0x13800] =	vst v63  }
0x75: {  	s21 =	smov.u32 s9;
	s31 =	sadd.s32 $0x3B8, s14;
	s9 =	simm.s32 $0xDA40  }
0x76: {  	[tilespmem:s9], [sflag:$0x3] =	stream.indirect.gather [hbm4b:s3+s8], $0x20, s31, s8, $0xb8;
	[tilespmem:$0x13800] =	vst v63  }
0x77: {  	s11 =	sadd.s32 $0x3F0, s14;
	s31 =	simm.s32 $0xE080  }
0x78: {  	[tilespmem:s31], [sflag:$0x3] =	stream.indirect.gather [hbm4b:s3+s8], $0x20, s11, s8, $0xb8;
	[tilespmem:$0x13800] =	vst v63  }
0x79: {  	s18 =	sadd.s32 $0x428, s14;
	s11 =	simm.s32 $0xE6C0  }
0x7a: {  	[tilespmem:s11], [sflag:$0x3] =	stream.indirect.gather [hbm4b:s3+s8], $0x20, s18, s8, $0xb8;
	[tilespmem:$0x13800] =	vst v63  }
0x7b: {  	s18 =	sadd.s32 $0x460, s14  }
0x7c: {  	[tilespmem:s13], [sflag:$0x3] =	stream.indirect.gather [hbm4b:s3+s8], $0x20, s18, s8, $0xb8;
	[tilespmem:$0x13800] =	vst v63  }
0x7d: {  	s18 =	sadd.s32 $0x498, s14  }
0x7e: {  	[tilespmem:s15], [sflag:$0x3] =	stream.indirect.gather [hbm4b:s3+s8], $0x20, s18, s8, $0xb8;
	[tilespmem:$0x13800] =	vst v63  }
0x7f: {  	s18 =	sadd.s32 $0x4D0, s14  }
0x80: {  	[tilespmem:s17], [sflag:$0x3] =	stream.indirect.gather [hbm4b:s3+s8], $0x20, s18, s8, $0xb8;
	[tilespmem:$0x13800] =	vst v63  }
0x81: {  	s18 =	sadd.s32 $0x508, s14  }
0x82: {  	[tilespmem:s19], [sflag:$0x3] =	stream.indirect.gather [hbm4b:s3+s8], $0x20, s18, s8, $0xb8;
	[tilespmem:$0x13800] =	vst v63  }
0x83: {  	_ =	swait.ge [sflag:s6], $0x640  }
0x84: {  	[sflag:s6] =	ssyncset.done $0x0  }
0x85: {  	[sflag:s6] =	ssyncadd.s32 $0xFFFFF9C0  }
0x86: {  	_ =	swait.ge [sflag:s6], $0x640  }
0x87: {  	[sflag:s6] =	ssyncset.done $0x0  }
0x88: {  	[sflag:s6] =	ssyncadd.s32 $0xFFFFF9C0  }
0x89: {  	_ =	swait.ge [sflag:s6], $0x640  }
0x8a: {  	[sflag:s6] =	ssyncset.done $0x0  }
0x8b: {  	[sflag:s6] =	ssyncadd.s32 $0xFFFFF9C0  }
0x8c: {  	_ =	swait.ge [sflag:s6], $0x640  }
0x8d: {  	[sflag:s6] =	ssyncset.done $0x0  }
0x8e: {  	[sflag:s6] =	ssyncadd.s32 $0xFFFFF9C0  }
0x8f: {  	_ =	swait.ge [sflag:s6], $0x640  }
0x90: {  	[sflag:s6] =	ssyncset.done $0x0  }
0x91: {  	[sflag:s6] =	ssyncadd.s32 $0xFFFFF9C0  }
0x92: {  	_ =	swait.ge [sflag:s6], $0x640  }
0x93: {  	[sflag:s6] =	ssyncset.done $0x0  }
0x94: {  	[sflag:s6] =	ssyncadd.s32 $0xFFFFF9C0  }
0x95: {  	_ =	swait.ge [sflag:s6], $0x640  }
0x96: {  	[sflag:s6] =	ssyncset.done $0x0  }
0x97: {  	[sflag:s6] =	ssyncadd.s32 $0xFFFFF9C0  }
0x98: {  	_ =	swait.ge [sflag:s6], $0x640  }
0x99: {  	[sflag:s6] =	ssyncset.done $0x0  }
0x9a: {  	s18 =	sadd.s32 $0x1C00, s0;
	[sflag:s6] =	ssyncadd.s32 $0xFFFFF9C0  }
0x9b: {  	[hbm4b:s18+s26] =	stream.strided.scatter [tilespmem:s22], [sflag:$0x6], $0x640, s29, s26, $0x38;
	[tilespmem:$0x13800] =	vst v63  }
0x9c: {  	s22 =	sadd.s32 $0x1F80, s0  }
0x9d: {  	[hbm4b:s22+s26] =	stream.strided.scatter [tilespmem:s12], [sflag:$0x6], $0x640, s29, s26, $0x38;
	[tilespmem:$0x13800] =	vst v63  }
0x9e: {  	s12 =	sadd.s32 $0x2300, s0  }
0x9f: {  	[hbm4b:s12+s26] =	stream.strided.scatter [tilespmem:s16], [sflag:$0x6], $0x640, s29, s26, $0x38;
	[tilespmem:$0x13800] =	vst v63  }
0xa0: {  	s16 =	sadd.s32 $0x2680, s0  }
0xa1: {  	[hbm4b:s16+s26] =	stream.strided.scatter [tilespmem:s20], [sflag:$0x6], $0x640, s29, s26, $0x38;
	[tilespmem:$0x13800] =	vst v63  }
0xa2: {  	s20 =	sadd.s32 $0x2A00, s0  }
0xa3: {  	[hbm4b:s20+s26] =	stream.strided.scatter [tilespmem:s2], [sflag:$0x6], $0x640, s29, s26, $0x38;
	[tilespmem:$0x13800] =	vst v63  }
0xa4: {  	s22 =	sadd.s32 $0x2D80, s0  }
0xa5: {  	[hbm4b:s22+s26] =	stream.strided.scatter [tilespmem:s4], [sflag:$0x6], $0x640, s29, s26, $0x38;
	[tilespmem:$0x13800] =	vst v63  }
0xa6: {  	p0 =	seq.s32 s10, $0x0;
	s2 =	sadd.s32 $0x3100, s0  }
0xa7: {  	[hbm4b:s2+s26] =	stream.strided.scatter [tilespmem:s5], [sflag:$0x6], $0x640, s29, s26, $0x38;
	[tilespmem:$0x13800] =	vst v63  }
0xa8: {  	s18 =	simm.s32 @!p0 $0x8;
	s4 =	sadd.s32 $0x3480, s0  }
0xa9: {  	[hbm4b:s4+s26] =	stream.strided.scatter [tilespmem:s7], [sflag:$0x6], $0x640, s29, s26, $0x38;
	[tilespmem:$0x13800] =	vst v63  }
0xaa: {  	_ =	swait.ge @!p0 [sflag:s18], $0x3200  }
0xab: {  	[sflag:s18] =	ssyncset.done @!p0 $0x0  }
0xac: {  	s5 =	sadd.s32 $0x540, s14;
	s7 =	simm.s32 $0x10600;
	[sflag:s18] =	ssyncadd.s32 @!p0 $0xFFFFCE00  }
0xad: {  	[tilespmem:s7], [sflag:$0x4] =	stream.indirect.gather [hbm4b:s3+s8], $0x20, s5, s8, $0xb8;
	[tilespmem:$0x13800] =	vst v63  }
0xae: {  	s12 =	sadd.s32 $0x578, s14  }
0xaf: {  	[tilespmem:s28], [sflag:$0x4] =	stream.indirect.gather [hbm4b:s3+s8], $0x20, s12, s8, $0xb8;
	[tilespmem:$0x13800] =	vst v63  }
0xb0: {  	s16 =	sadd.s32 $0x5B0, s14  }
0xb1: {  	[tilespmem:s30], [sflag:$0x4] =	stream.indirect.gather [hbm4b:s3+s8], $0x20, s16, s8, $0xb8;
	[tilespmem:$0x13800] =	vst v63  }
0xb2: {  	s20 =	sadd.s32 $0x5E8, s14;
	s22 =	simm.s32 $0x118C0  }
0xb3: {  	[tilespmem:s22], [sflag:$0x4] =	stream.indirect.gather [hbm4b:s3+s8], $0x20, s20, s8, $0xb8;
	[tilespmem:$0x13800] =	vst v63  }
0xb4: {  	s2 =	sadd.s32 $0x620, s14;
	s4 =	simm.s32 $0x11F00  }
0xb5: {  	[tilespmem:s4], [sflag:$0x4] =	stream.indirect.gather [hbm4b:s3+s8], $0x20, s2, s8, $0xb8;
	[tilespmem:$0x13800] =	vst v63  }
0xb6: {  	s5 =	sadd.s32 $0x658, s14;
	s7 =	simm.s32 $0x12540  }
0xb7: {  	[tilespmem:s7], [sflag:$0x4] =	stream.indirect.gather [hbm4b:s3+s8], $0x20, s5, s8, $0xb8;
	[tilespmem:$0x13800] =	vst v63  }
0xb8: {  	s12 =	sadd.s32 $0x690, s14;
	s16 =	simm.s32 $0x12B80  }
0xb9: {  	[tilespmem:s16], [sflag:$0x4] =	stream.indirect.gather [hbm4b:s3+s8], $0x20, s12, s8, $0xb8;
	[tilespmem:$0x13800] =	vst v63  }
0xba: {  	s20 =	sadd.s32 $0x6C8, s14;
	s22 =	simm.s32 $0x131C0  }
0xbb: {  	[tilespmem:s22], [sflag:$0x4] =	stream.indirect.gather [hbm4b:s3+s8], $0x20, s20, s8, $0xb8;
	[tilespmem:$0x13800] =	vst v63  }
0xbc: {  	_ =	swait.ge [sflag:s23], $0x640  }
0xbd: {  	[sflag:s23] =	ssyncset.done $0x0  }
0xbe: {  	[sflag:s23] =	ssyncadd.s32 $0xFFFFF9C0  }
0xbf: {  	_ =	swait.ge [sflag:s23], $0x640  }
0xc0: {  	[sflag:s23] =	ssyncset.done $0x0  }
0xc1: {  	[sflag:s23] =	ssyncadd.s32 $0xFFFFF9C0  }
0xc2: {  	_ =	swait.ge [sflag:s23], $0x640  }
0xc3: {  	[sflag:s23] =	ssyncset.done $0x0  }
0xc4: {  	[sflag:s23] =	ssyncadd.s32 $0xFFFFF9C0  }
0xc5: {  	_ =	swait.ge [sflag:s23], $0x640  }
0xc6: {  	[sflag:s23] =	ssyncset.done $0x0  }
0xc7: {  	[sflag:s23] =	ssyncadd.s32 $0xFFFFF9C0  }
0xc8: {  	_ =	swait.ge [sflag:s23], $0x640  }
0xc9: {  	[sflag:s23] =	ssyncset.done $0x0  }
0xca: {  	[sflag:s23] =	ssyncadd.s32 $0xFFFFF9C0  }
0xcb: {  	_ =	swait.ge [sflag:s23], $0x640  }
0xcc: {  	[sflag:s23] =	ssyncset.done $0x0  }
0xcd: {  	[sflag:s23] =	ssyncadd.s32 $0xFFFFF9C0  }
0xce: {  	_ =	swait.ge [sflag:s23], $0x640  }
0xcf: {  	[sflag:s23] =	ssyncset.done $0x0  }
0xd0: {  	[sflag:s23] =	ssyncadd.s32 $0xFFFFF9C0  }
0xd1: {  	_ =	swait.ge [sflag:s23], $0x640  }
0xd2: {  	[sflag:s23] =	ssyncset.done $0x0  }
0xd3: {  	s4 =	sadd.s32 $0x3800, s0;
	[sflag:s23] =	ssyncadd.s32 $0xFFFFF9C0  }
0xd4: {  	[hbm4b:s4+s26] =	stream.strided.scatter [tilespmem:s1], [sflag:$0x7], $0x640, s29, s26, $0x38;
	[tilespmem:$0x13800] =	vst v63  }
0xd5: {  	s5 =	sadd.s32 $0x3B80, s0  }
0xd6: {  	[hbm4b:s5+s26] =	stream.strided.scatter [tilespmem:s9], [sflag:$0x7], $0x640, s29, s26, $0x38;
	[tilespmem:$0x13800] =	vst v63  }
0xd7: {  	s7 =	sadd.s32 $0x3F00, s0  }
0xd8: {  	[hbm4b:s7+s26] =	stream.strided.scatter [tilespmem:s31], [sflag:$0x7], $0x640, s29, s26, $0x38;
	[tilespmem:$0x13800] =	vst v63  }
0xd9: {  	s9 =	sadd.s32 $0x4280, s0  }
0xda: {  	[hbm4b:s9+s26] =	stream.strided.scatter [tilespmem:s11], [sflag:$0x7], $0x640, s29, s26, $0x38;
	[tilespmem:$0x13800] =	vst v63  }
0xdb: {  	s11 =	sadd.s32 $0x4600, s0  }
0xdc: {  	[hbm4b:s11+s26] =	stream.strided.scatter [tilespmem:s13], [sflag:$0x7], $0x640, s29, s26, $0x38;
	[tilespmem:$0x13800] =	vst v63  }
0xdd: {  	s12 =	sadd.s32 $0x4980, s0  }
0xde: {  	[hbm4b:s12+s26] =	stream.strided.scatter [tilespmem:s15], [sflag:$0x7], $0x640, s29, s26, $0x38;
	[tilespmem:$0x13800] =	vst v63  }
0xdf: {  	p0 =	seq.s32 s10, $0x1A400;
	s16 =	sadd.s32 $0x4D00, s0  }
0xe0: {  	[hbm4b:s16+s26] =	stream.strided.scatter [tilespmem:s17], [sflag:$0x7], $0x640, s29, s26, $0x38;
	[tilespmem:$0x13800] =	vst v63  }
0xe1: {  	s18 =	simm.s32 @!p0 $0x5;
	s20 =	sadd.s32 $0x5080, s0  }
0xe2: {  	[hbm4b:s20+s26] =	stream.strided.scatter [tilespmem:s19], [sflag:$0x7], $0x640, s29, s26, $0x38;
	[tilespmem:$0x13800] =	vst v63  }
0xe3: {  	_ =	swait.ge @!p0 [sflag:s18], $0x3200  }
0xe4: {  	[sflag:s18] =	ssyncset.done @!p0 $0x0  }
0xe5: {  	[sflag:s18] =	ssyncadd.s32 @!p0 $0xFFFFCE00;
	s18 =	sshra.s32 @!p0 s10, $0x2  }
0xe6: {  	s1 =	simm.s32 @!p0 $0x7000;
	s31 =	simm.s32 @!p0 $0x32;
	s22 =	sadd.s32 @!p0 $0x700, s18  }
0xe7: {  	[tilespmem:s1], [sflag:$0x1] =	stream.indirect.gather @!p0 [hbm4b:s3+s31], $0x20, s22, s31, $0xb8;
	[tilespmem:$0x13800] =	vst v63  }
0xe8: {  	s1 =	sadd.s32 @!p0 $0x738, s18;
	s22 =	simm.s32 @!p0 $0x7640  }
0xe9: {  	[tilespmem:s22], [sflag:$0x1] =	stream.indirect.gather @!p0 [hbm4b:s3+s31], $0x20, s1, s31, $0xb8;
	[tilespmem:$0x13800] =	vst v63  }
0xea: {  	s1 =	sadd.s32 @!p0 $0x770, s18;
	s22 =	simm.s32 @!p0 $0x7C80  }
0xeb: {  	[tilespmem:s22], [sflag:$0x1] =	stream.indirect.gather @!p0 [hbm4b:s3+s31], $0x20, s1, s31, $0xb8;
	[tilespmem:$0x13800] =	vst v63  }
0xec: {  	s1 =	sadd.s32 @!p0 $0x7A8, s18;
	s22 =	simm.s32 @!p0 $0x82C0  }
0xed: {  	[tilespmem:s22], [sflag:$0x1] =	stream.indirect.gather @!p0 [hbm4b:s3+s31], $0x20, s1, s31, $0xb8;
	[tilespmem:$0x13800] =	vst v63  }
0xee: {  	s1 =	sadd.s32 @!p0 $0x7E0, s18;
	s22 =	simm.s32 @!p0 $0x8900  }
0xef: {  	[tilespmem:s22], [sflag:$0x1] =	stream.indirect.gather @!p0 [hbm4b:s3+s31], $0x20, s1, s31, $0xb8;
	[tilespmem:$0x13800] =	vst v63  }
0xf0: {  	s1 =	sadd.s32 @!p0 $0x818, s18;
	s22 =	simm.s32 @!p0 $0x8F40  }
0xf1: {  	[tilespmem:s22], [sflag:$0x1] =	stream.indirect.gather @!p0 [hbm4b:s3+s31], $0x20, s1, s31, $0xb8;
	[tilespmem:$0x13800] =	vst v63  }
0xf2: {  	s1 =	sadd.s32 @!p0 $0x850, s18;
	s22 =	simm.s32 @!p0 $0x9580  }
0xf3: {  	[tilespmem:s22], [sflag:$0x1] =	stream.indirect.gather @!p0 [hbm4b:s3+s31], $0x20, s1, s31, $0xb8;
	[tilespmem:$0x13800] =	vst v63  }
0xf4: {  	s1 =	sadd.s32 @!p0 $0x888, s18;
	s18 =	simm.s32 @!p0 $0x9BC0  }
0xf5: {  	[tilespmem:s18], [sflag:$0x1] =	stream.indirect.gather @!p0 [hbm4b:s3+s31], $0x20, s1, s31, $0xb8;
	[tilespmem:$0x13800] =	vst v63  }
0xf6: {  	_ =	swait.ge [sflag:s25], $0x640  }
0xf7: {  	[sflag:s25] =	ssyncset.done $0x0  }
0xf8: {  	[sflag:s25] =	ssyncadd.s32 $0xFFFFF9C0  }
0xf9: {  	_ =	swait.ge [sflag:s25], $0x640  }
0xfa: {  	[sflag:s25] =	ssyncset.done $0x0  }
0xfb: {  	[sflag:s25] =	ssyncadd.s32 $0xFFFFF9C0  }
0xfc: {  	_ =	swait.ge [sflag:s25], $0x640  }
0xfd: {  	[sflag:s25] =	ssyncset.done $0x0  }
0xfe: {  	[sflag:s25] =	ssyncadd.s32 $0xFFFFF9C0  }
0xff: {  	_ =	swait.ge [sflag:s25], $0x640  }
0x100: {  	[sflag:s25] =	ssyncset.done $0x0  }
0x101: {  	[sflag:s25] =	ssyncadd.s32 $0xFFFFF9C0  }
0x102: {  	_ =	swait.ge [sflag:s25], $0x640  }
0x103: {  	[sflag:s25] =	ssyncset.done $0x0  }
0x104: {  	[sflag:s25] =	ssyncadd.s32 $0xFFFFF9C0  }
0x105: {  	_ =	swait.ge [sflag:s25], $0x640  }
0x106: {  	[sflag:s25] =	ssyncset.done $0x0  }
0x107: {  	[sflag:s25] =	ssyncadd.s32 $0xFFFFF9C0  }
0x108: {  	_ =	swait.ge [sflag:s25], $0x640  }
0x109: {  	[sflag:s25] =	ssyncset.done $0x0  }
0x10a: {  	[sflag:s25] =	ssyncadd.s32 $0xFFFFF9C0  }
0x10b: {  	_ =	swait.ge [sflag:s25], $0x640  }
0x10c: {  	[sflag:s25] =	ssyncset.done $0x0  }
0x10d: {  	s22 =	sadd.s32 $0x5400, s0;
	s31 =	simm.s32 $0x10600;
	[sflag:s25] =	ssyncadd.s32 $0xFFFFF9C0  }
0x10e: {  	[hbm4b:s22+s26] =	stream.strided.scatter [tilespmem:s31], [sflag:$0x8], $0x640, s29, s26, $0x38;
	[tilespmem:$0x13800] =	vst v63  }
0x10f: {  	s11 =	sadd.s32 $0x5780, s0  }
0x110: {  	[hbm4b:s11+s26] =	stream.strided.scatter [tilespmem:s28], [sflag:$0x8], $0x640, s29, s26, $0x38;
	[tilespmem:$0x13800] =	vst v63  }
0x111: {  	s2 =	simm.s32 $0xB4C0;
	s18 =	sadd.s32 $0x5B00, s0  }
0x112: {  	[hbm4b:s18+s26] =	stream.strided.scatter [tilespmem:s30], [sflag:$0x8], $0x640, s29, s26, $0x38;
	[tilespmem:$0x13800] =	vst v63  }
0x113: {  	s4 =	simm.s32 $0xBB00;
	s22 =	sadd.s32 $0x5E80, s0;
	s31 =	simm.s32 $0x118C0  }
0x114: {  	[hbm4b:s22+s26] =	stream.strided.scatter [tilespmem:s31], [sflag:$0x8], $0x640, s29, s26, $0x38;
	[tilespmem:$0x13800] =	vst v63  }
0x115: {  	s5 =	simm.s32 $0xC140;
	s11 =	sadd.s32 $0x6200, s0;
	s18 =	simm.s32 $0x11F00  }
0x116: {  	[hbm4b:s11+s26] =	stream.strided.scatter [tilespmem:s18], [sflag:$0x8], $0x640, s29, s26, $0x38;
	[tilespmem:$0x13800] =	vst v63  }
0x117: {  	s7 =	simm.s32 $0xC780;
	s22 =	sadd.s32 $0x6580, s0;
	s31 =	simm.s32 $0x12540  }
0x118: {  	[hbm4b:s22+s26] =	stream.strided.scatter [tilespmem:s31], [sflag:$0x8], $0x640, s29, s26, $0x38;
	[tilespmem:$0x13800] =	vst v63  }
.Ltmp2:
0x119: {  	s9 =	simm.s32 $0xCDC0;
	s12 =	simm.s32 $0xA200;
	(pc) =	sbr.rel @p0 .LBB2_4-.Ltmp2, $4  }
0x11a: {  	s16 =	simm.s32 $0xA840;
	s11 =	sadd.s32 $0x6900, s0;
	s18 =	simm.s32 $0x12B80  }
0x11b: {  	[hbm4b:s11+s26] =	stream.strided.scatter [tilespmem:s18], [sflag:$0x8], $0x640, s29, s26, $0x38;
	[tilespmem:$0x13800] =	vst v63  }
0x11c: {  	s20 =	simm.s32 $0xAE80;
	s22 =	sadd.s32 $0x6C80, s0;
	s31 =	simm.s32 $0x131C0  }
0x11d: {  	[hbm4b:s22+s26] =	stream.strided.scatter [tilespmem:s31], [sflag:$0x8], $0x640, s29, s26, $0x38;
	[tilespmem:$0x13800] =	vst v63  }
0x11e: {  	s1 =	simm.s32 $0x6  }
0x11f: {  	_ =	swait.ge [sflag:s1], $0x3200  }
0x120: {  	[sflag:s1] =	ssyncset.done $0x0  }
0x121: {  	s31 =	sadd.s32 $0x8C0, s14;
	[sflag:s1] =	ssyncadd.s32 $0xFFFFCE00  }
0x122: {  	[tilespmem:s12], [sflag:$0x2] =	stream.indirect.gather [hbm4b:s3+s8], $0x20, s31, s8, $0xb8;
	[tilespmem:$0x13800] =	vst v63  }
0x123: {  	s11 =	sadd.s32 $0x8F8, s14  }
0x124: {  	[tilespmem:s16], [sflag:$0x2] =	stream.indirect.gather [hbm4b:s3+s8], $0x20, s11, s8, $0xb8;
	[tilespmem:$0x13800] =	vst v63  }
0x125: {  	s12 =	sadd.s32 $0x930, s14  }
0x126: {  	[tilespmem:s20], [sflag:$0x2] =	stream.indirect.gather [hbm4b:s3+s8], $0x20, s12, s8, $0xb8;
	[tilespmem:$0x13800] =	vst v63  }
0x127: {  	s18 =	sadd.s32 $0x9A0, s14;
	s16 =	sadd.s32 $0x968, s14  }
0x128: {  	[tilespmem:s2], [sflag:$0x2] =	stream.indirect.gather [hbm4b:s3+s8], $0x20, s16, s8, $0xb8;
	[tilespmem:$0x13800] =	vst v63  }
0x129: {  	s22 =	sadd.s32 $0xA10, s14;
	s10 =	sadd.s32 $0x1C00, s10;
	s0 =	sadd.s32 $0x7000, s0  }
0x12a: {  	[tilespmem:s4], [sflag:$0x2] =	stream.indirect.gather [hbm4b:s3+s8], $0x20, s18, s8, $0xb8;
	[tilespmem:$0x13800] =	vst v63  }
0x12b: {  	s31 =	sadd.s32 $0xA48, s14;
	s20 =	sadd.s32 $0x9D8, s14;
	s12 =	simm.s32 $0xA840  }
0x12c: {  	[tilespmem:s5], [sflag:$0x2] =	stream.indirect.gather [hbm4b:s3+s8], $0x20, s20, s8, $0xb8;
	[tilespmem:$0x13800] =	vst v63  }
.Ltmp3:
0x12d: {  	s16 =	simm.s32 $0xAE80;
	s2 =	simm.s32 $0xBB00;
	(pc) =	sbr.rel .LBB2_2-.Ltmp3, $4  }
0x12e: {  	[tilespmem:s7], [sflag:$0x2] =	stream.indirect.gather [hbm4b:s3+s8], $0x20, s22, s8, $0xb8;
	[tilespmem:$0x13800] =	vst v63  }
0x12f: {  	s4 =	simm.s32 $0xC140;
	s20 =	simm.s32 $0xB4C0;
	s5 =	simm.s32 $0xC780  }
0x130: {  	[tilespmem:s9], [sflag:$0x2] =	stream.indirect.gather [hbm4b:s3+s8], $0x20, s31, s8, $0xb8;
	[tilespmem:$0x13800] =	vst v63  }
0x131: {  	s22 =	simm.s32 $0xA200;
	s7 =	simm.s32 $0xCDC0;
	s9 =	sadd.s32 $0x4, s21  }
.LBB2_5:
0x132: {  	_ =	sfence.sel $0x180000  }
0x133: {  	[bflag:$0x0] =	sbarrier.arrive $0xFFFF  }
0x134: {  	_ =	strace $0x90000047  }
0x135: {  	s0 =	stileid.u32;
	[bflag:$0x2] =	sbarrier.arrive $0xFFFF  }
0x136: {  	p0 =	sne.s32 s0, $0x0;
	s0 =	rddreg [dreg:$0x2]  }
0x137: {  	s0 =	sadd.s32 @!p0 $0x100000, s0  }
0x138: {  	[sflag:s0] =	ssyncadd.tile.s32 @!p0 $0x1;
	_ =	shalt  }
.Lfunc_end2:
_tile_overlayer_lowered:
.L_overlay_start_2:
0x139: {  	(tag) =	ssettag $0x2  }
0x13a: {  	s0 =	rddreg [dreg:$0x0];
	s2 =	stileid.u32  }
0x13b: {  	s1 =	rddreg [dreg:$0x1];
	p0 =	sne.s32 s2, $0x0  }
0x13c: {  	s3 =	rddreg [dreg:$0x2];
	[bflag:$0x3] =	sbarrier.arrive $0xFFFF;
	s2 =	simm.s32 @!p0 $0x1C09  }
0x13d: {  	[timem:s3], [sflag:s2] =	dma.local @!p0 [hbm:s0], s1  }
0x13e: {  	s0 =	simm.s32 @!p0 $0x9  }
0x13f: {  	_ =	swait.ge @!p0 [sflag:s0], s1  }
0x140: {  	s1 =	ssub.s32 @!p0 $0x0, s1;
	[sflag:s0] =	ssyncset.done @!p0 $0x0  }
0x141: {  	[sflag:s0] =	ssyncadd.s32 @!p0 s1  }
0x142: {  	[bflag:$0x3] =	sbarrier.arrive $0xFFFF  }
0x143: {  	_ =	shalt  }

// kernel: sparse-core-data-format-call.cloned.1.call-start
scs
called_computation_lowered:
.L_overlay_start_0:
0x0: {  	s2 =	sld [smem:$0x3FD9]  }
0x1: {  	s3 =	sld [smem:$0x3FFE];
	_ =	sdelay $0x1  }
0x2: {  	s1 =	srdreg.scid  }
0x3: {  	s0 =	sand.u32 $0x1, s1  }
0x4: {  	s18 =	sshll.u32 s0, $0xA;
	s2 =	sadd.s32 s3, s2  }
0x5: {  	s2 =	sadd.s32 s2, s18  }
0x6: {  	[smem:$0x3FC6] =	sst s2  }
0x7: {  	_ = 	snop  }
0x8: {  	s2 =	sld [smem:$0x3FD0];
	(tm) =	ssettm $0x1  }
0x9: {  	s19 =	sld [smem:$0x3FFB];
	_ =	sdelay $0x3  }
0xa: {  	_ =	strace s19  }
0xb: {  	s3 =	sld [smem:$0x3FFC];
	_ =	sdelay $0x3  }
0xc: {  	_ =	strace s3  }
0xd: {  	s3 =	sld [smem:$0x3FFD];
	_ =	sdelay $0x3  }
0xe: {  	_ =	strace s3  }
0xf: {  	_ =	strace $0x8FFFFFFF  }
0x10: {  	s20 =	sld [smem:$0x3FDB];
	_ =	sdelay $0x1  }
0x11: {  	s4 =	simm.s32 $_scs_section_size  }
0x12: {  	s5 =	simm.s32 $_size__tile_overlayer_lowered;
	s6 =	simm.s32 $_tile_overlayer_lowered  }
0x13: {  	s23 =	simm.s32 $0x1BFF;
	s22 =	sshll.u32 s6, $0x1;
	s3 =	sadd.s32 s4, s20  }
0x14: {  	s7 =	simm.s32 $0x0;
	s21 =	sshll.u32 s5, $0x1;
	s5 =	sadd.s32 s22, s3  }
0x15: {  	[timem:s7], [sflag:s23] =	dma.local [hbm:s5], s21  }
0x16: {  	_ =	swait.ge [sflag:s23], s21  }
0x17: {  	s4 =	ssub.s32 $0x0, s21;
	[sflag:s23] =	ssyncset.done $0x0  }
0x18: {  	[sflag:s23] =	ssyncadd.s32 s4;
	_ =	sdelay $0x1  }
0x19: {  	s24 =	simm.s32 $0x1B8B  }
0x1a: {  	_ =	swait.ge [sflag:s24], $0x1  }
0x1b: {  	[sflag:s24] =	ssyncset.done $0x0  }
0x1c: {  	s26 =	simm.s32 $0x1B8E;
	s25 =	sld [smem:$0x3FFE];
	[sflag:s24] =	ssyncadd.s32 $0xFFFFFFFF  }
0x1d: {  	s27 =	simm.s32 $execute0_lowered;
	[smem:$0x3FD2] =	sst s26  }
0x1e: {  	s5 =	sshll.u32 s27, $0x1;
	_ =	strace $0x80000049;
	[dreg:$0x1] =	wrdreg $0xFFFFFFFF  }
0x1f: {  	s28 =	simm.s32 $_size_execute0_lowered;
	s3 =	sadd.s32 s3, s5;
	[dreg:$0x0] =	wrdreg $0x0  }
0x20: {  	s5 =	sshll.u32 s28, $0x1;
	[dreg:$0x2] =	wrdreg s3  }
0x21: {  	[dreg:$0x3] =	wrdreg s5  }
0x22: {  	[dreg:$0x4] =	wrdreg $0xC0  }
0x23: {  	_ =	task [dreg:s7], $0x5FFFF  }
0x24: {  	[dreg:$0x1] =	wrdreg $0xFFFFFFFF  }
0x25: {  	[dreg:$0x0] =	wrdreg $0x60  }
0x26: {  	[dreg:$0x2] =	wrdreg s25  }
0x27: {  	[dreg:$0x3] =	wrdreg s2  }
0x28: {  	[dreg:$0x4] =	wrdreg $0x9  }
0x29: {  	_ =	task.clear_ibuf [dreg:s7], $0x5FFFF;
	_ =	strace $0x90000049  }
0x2a: {  	s29 =	simm.s32 $0x9;
	_ =	strace $0x8000004B  }
0x2b: {  	_ =	swait.ge [sflag:s29], $0x1  }
0x2c: {  	[sflag:s29] =	ssyncadd.s32 $0xFFFFFFFF  }
0x2d: {  	_ =	strace $0x9000004B  }
0x2e: {  	_ =	sfence  }
0x2f: {  	s30 =	sld [smem:$0x0];
	_ =	sdelay $0x2  }
0x30: {  	s31 =	sshll.u32 s1, $0xD;
	s1 =	sshrl.u32 s1, $0x2  }
0x31: {  	s3 =	sand.u32 $0x4000, s31;
	s1 =	sadd.s32 s1, s30  }
0x32: {  	s0 =	sor.u32 s3, s0;
	s1 =	sshll.u32 s1, $0x11  }
0x33: {  	s0 =	sor.u32 s1, s0  }
0x34: {  	s0 =	sadd.s32 $0x8F2B, s0  }
0x35: {  	[sflag:s0] =	ssyncadd.remote.s32 $0x1  }
0x36: {  	_ =	sfence.sel $0xFFFF  }
0x37: {  	[dreg:$0x0] =	wrdreg $0xFFFFFFFF;
	(pc) =	sbr.abs _section_cstart, $3  }
0x38: {  	[dreg:$0x1] =	wrdreg $0xFFFFFFFF  }
0x39: {  	_ =	task.clear_ibuf [dreg:s7], $0x2FFFF;
	_ =	strace $0x9FFFFFFF  }
0x3a: {  	(tm) =	ssettm $0x7FFFFFFF  }
0x3b: {  	_ =	shalt  }
tec
execute0_lowered:
.L_overlay_start_1:
0x0: {  	(tag) =	ssettag $0x1  }
0x1: {  	s0 =	srdreg.scid  }
0x2: {  	s1 =	sshll.u32 s0, $0x4  }
0x3: {  	s0 =	stileid.u32;
	s1 =	sand.u32 $0x10, s1  }
0x4: {  	s1 =	sor.u32 s0, s1  }
0x5: {  	s6 =	rddreg [dreg:$0x0];
	s4 =	simm.s32 $0x1;
	s2 =	sshll.u32 s1, $0x7  }
0x6: {  	s7 =	simm.s32 $0x2;
	s12 =	simm.s32 $0x0;
	s1 =	ssub.s32 $0x4000, s2  }
0x7: {  	s8 =	simm.s32 $0x20000;
	s13 =	simm.s32 $0x0;
	s3 =	sand.u32 $0xF80, s1  }
0x8: {  	s9 =	simm.s32 $0x0;
	s5 =	sshrl.u32 s1, $0xC;
	p0 =	sne.s32 s3, $0x0  }
.Ltmp0:
0x9: {  	s1 =	rddreg [dreg:$0x2];
	s4 =	simm.s32 @!p0 $0x0;
	(pc) =	sbr.rel .LBB1_1-.Ltmp0, $4  }
0xa: {  	s11 =	simm.s32 $0x0;
	s3 =	rddreg [dreg:$0x1];
	s5 =	sadd.s32 s4, s5  }
0xb: {  	_ =	strace $0x8000004A;
	s4 =	simm.s32 $0x1;
	s5 =	smul.u32 $0x32, s5  }
0xc: {  	s6 =	sadd.s32 $0xA00, s6;
	s10 =	smov.u32 s2;
	[sflag:s4] =	ssyncpa.u1 $0x0  }
0xd: {  	p0 =	por $0x0, $0x0;
	[sflag:s7] =	ssyncpa.u1 $0x0;
	s7 =	sor.u32 $0x1, s5  }
.LBB1_4:
0xe: {  	s16 =	sshll.u32 s13, $0x3;
	s17 =	sand.u32 $0x78, s13  }
0xf: {  	s30 =	sand.u32 $0xF800, s13;
	s12 =	sshll.u32 s12, $0x10;
	s16 =	sand.u32 $0x3C00, s16  }
0x10: {  	s31 =	sand.u32 $0x7, s13;
	s16 =	sor.u32 s17, s16;
	s17 =	sadd.s32 s3, s30  }
0x11: {  	s13 =	sshll.u32 s31, $0x12;
	s16 =	sshrl.u32 s16, $0x3;
	s12 =	sadd.s32 s12, s17  }
0x12: {  	[tilespmem:s15+$0x0 ss:$0x81] =	vst.msk $0xffff, v0;
	s13 =	sor.u32 $0x400, s13;
	s12 =	sadd.s32 s16, s12  }
0x13: {  	[hbm4b:s12+s13] =	stream.strided.scatter [tilespmem:s14], [sflag:$0x2], $0x1000, s8, s13, $0x20;
	[tilespmem:$0x4040] =	vst v63  }
.LBB1_5:
0x14: {  	s14 =	sadd.s32 $0x1, s9  }
0x15: {  	s12 =	sadd.s32 $0x1000, s10;
	s16 =	smov.u32 s10;
	p2 =	sgt.s32 s14, $0x31  }
0x16: {  	s16 =	smov.u32 @p2 s12  }
0x17: {  	s14 =	simm.s32 @p2 $0x0;
	p2 =	sgt.s32 s16, $0x3FFF  }
0x18: {  	s16 =	smov.u32 @p2 s2;
	p2 =	sne.s32 s11, s7  }
.Ltmp1:
0x19: {  	p1 =	slt.u32 s11, $0x2;
	(pc) =	sbr.rel @!p2 .LBB1_6-.Ltmp1, $4  }
0x1a: {  	s15 =	simm.s32 @!p1 $0x2  }
0x1b: {  	s13 =	smov.u32 s10;
	p0 =	por !p0, !p0;
	_ =	swait.ge @!p1 [sflag:s15], $0x1000  }
0x1c: {  	s12 =	smov.u32 s9;
	[sflag:s15] =	ssyncset.done @!p1 $0x0;
	s9 =	smov.u32 s14  }
0x1d: {  	s11 =	sadd.s32 $0x1, s11;
	[sflag:s15] =	ssyncadd.s32 @!p1 $0xFFFFF000;
	s10 =	smov.u32 s16  }
.LBB1_1:
0x1e: {  	p1 =	sge.u32 s11, s5  }
0x1f: {  	s14 =	sand.u32 @!p1 $0x1FFFFFF, s9  }
0x20: {  	s15 =	smulhi.u32 @!p1 $0x4924925, s14;
	_ =	sdelay $0x1  }
0x21: {  	s15 =	smul.u32 @!p1 $0x38, s15  }
0x22: {  	s16 =	sxor.u32 @!p1 $0xFFFFFFFF, s11;
	s17 =	smul.u32 @!p1 $0x380, s10  }
0x23: {  	s31 =	sadd.s32 $0xFFFFFFFF, s11;
	s16 =	sshll.u32 @!p1 s16, $0xC;
	s14 =	ssub.s32 @!p1 s14, s15  }
0x24: {  	s15 =	sand.u32 @!p1 $0x1000, s16;
	s16 =	sadd.s32 @!p1 s6, s17;
	s14 =	sshll.u32 @!p1 s14, $0x4  }
0x25: {  	s17 =	simm.s32 @!p1 $0x1C00;
	s14 =	sadd.s32 @!p1 s14, s16;
	s16 =	simm.s32 @!p1 $0x20  }
0x26: {  	[tilespmem:s15], [sflag:$0x1] =	stream.strided.gather @!p1 [hbm4b:s14+s16], $0x1000, s17, s16, $0x38;
	[tilespmem:$0x4040] =	vst v63  }
0x27: {  	p1 =	sge.u32 s31, s5  }
.Ltmp2:
0x28: {  	_ = 	snop;
	(pc) =	sbr.rel @p1 .LBB1_5-.Ltmp2, $1  }
0x29: {  	_ =	sdelay $0x3  }
0x2a: {  	s14 =	simm.s32 $0x1  }
0x2b: {  	_ =	swait.ge [sflag:s4], $0x1000;
	s14 =	simm.s32 @!p0 $0x0  }
0x2c: {  	[sflag:s4] =	ssyncset.done $0x0;
	s15 =	sshll.u32 s14, $0xC  }
0x2d: {  	[sflag:s4] =	ssyncadd.s32 $0xFFFFF000;
	s18 =	sor.u32 $0x10, s15  }
0x2e: {  	s14 =	smul.u32 $0x4080, s14;
	v1 =	vld [tilespmem:s18+$0x0]  }
0x2f: {  	s30 =	sand.u32 $0x1, s11;
	v0 =	vld [tilespmem:s18+$0xFFFFFFF0]  }
0x30: {  	s15 =	smul.u32 $0x4080, s30;
	s14 =	sshrl.u32 s14, $0x2  }
0x31: {  	s16 =	sor.u32 $0x2000, s14  }
0x32: {  	s31 =	sshrl.u32 s15, $0x2;
	s15 =	sadd.s32 $0x0, s16  }
0x33: {  	s17 =	simm.s32 $0x4;
	s18 =	sadd.s32 $0x20, s18;
	s14 =	sor.u32 $0x2000, s31;
	[tilespmem:s15+$0x810 ss:$0x81] =	vst.msk $0xffff, v1  }
.LBB1_3:
0x34: {  	v1 =	vld [tilespmem:s18+$0x0];
	p1 =	sne.s32 s17, $0x1FC;
	[tilespmem:s15+$0x0 ss:$0x81] =	vst.msk $0xffff, v0;
	s15 =	smov.u32 s17;
	s17 =	sadd.s32 $0x4, s17  }
.Ltmp3:
0x35: {  	v0 =	vld [tilespmem:s18+$0xFFFFFFF0];
	(pc) =	sbr.rel @p1 .LBB1_3-.Ltmp3, $4  }
0x36: {  	_ = 	snop  }
0x37: {  	s15 =	sshra.s32 s15, $0x2  }
0x38: {  	s15 =	sadd.s32 s15, s16  }
0x39: {  	s18 =	sadd.s32 $0x20, s18;
	[tilespmem:s15+$0x810 ss:$0x81] =	vst.msk $0xffff, v1  }
.Ltmp4:
0x3a: {  	_ = 	snop;
	(pc) =	sbr.rel .LBB1_4-.Ltmp4, $1  }
0x3b: {  	_ =	sdelay $0x3  }
.LBB1_6:
0x3c: {  	_ =	sfence.sel $0x180000  }
0x3d: {  	s2 =	simm.s32 $0x1;
	[bflag:$0x0] =	sbarrier.arrive $0xFFFF  }
0x3e: {  	s31 =	simm.s32 $0x2;
	[sflag:s2] =	ssyncpa.u1 $0x1  }
0x3f: {  	[sflag:s31] =	ssyncpa.u1 $0x1  }
0x40: {  	p0 =	sne.s32 s0, $0x0;
	_ =	strace $0x9000004A  }
0x41: {  	s0 =	sadd.s32 @!p0 $0x100000, s1;
	[bflag:$0x2] =	sbarrier.arrive $0xFFFF  }
0x42: {  	[sflag:s0] =	ssyncadd.tile.s32 @!p0 $0x1;
	_ =	shalt  }
.Lfunc_end1:
_tile_overlayer_lowered:
.L_overlay_start_2:
0x43: {  	(tag) =	ssettag $0x2  }
0x44: {  	s0 =	rddreg [dreg:$0x0];
	s2 =	stileid.u32  }
0x45: {  	s1 =	rddreg [dreg:$0x1];
	p0 =	sne.s32 s2, $0x0  }
0x46: {  	s3 =	rddreg [dreg:$0x2];
	[bflag:$0x3] =	sbarrier.arrive $0xFFFF;
	s2 =	simm.s32 @!p0 $0x1C01  }
0x47: {  	[timem:s3], [sflag:s2] =	dma.local @!p0 [hbm:s0], s1  }
0x48: {  	s0 =	simm.s32 @!p0 $0x1  }
0x49: {  	_ =	swait.ge @!p0 [sflag:s0], s1  }
0x4a: {  	s1 =	ssub.s32 @!p0 $0x0, s1;
	[sflag:s0] =	ssyncset.done @!p0 $0x0  }
0x4b: {  	[sflag:s0] =	ssyncadd.s32 @!p0 s1  }
0x4c: {  	[bflag:$0x3] =	sbarrier.arrive $0xFFFF  }
0x4d: {  	_ =	shalt  }

</sc_bundles>
